<compile_context>
chip_gen: v7x
topology: tpu7x:2x2x1
jax: 0.10.2.dev20260603
libtpu: 0.0.44.dev20260713+nightly
codegen_flags: <defaults>
</compile_context>

<pallas_src>
import functools

import jax
import jax.numpy as jnp
from jax import lax
from jax.experimental import pallas as pl
from jax.experimental.pallas import tpu as pltpu
from jax.experimental.pallas import tpu_sc as plsc

B = 16384
C = 128
R = 64
_RING = 5
_AHEAD = 4

_info = plsc.get_sparse_core_info()
_NC, _NS, _L = _info.num_cores, _info.num_subcores, _info.num_lanes
_NW = _NC * _NS
_RPW = B // _NW
_NCHUNK = _RPW // R


def _film_body(x_hbm, y_hbm, g_hbm, b_hbm, out_hbm,
               idx_v, g_v, b_v, x_v, *sems):
    wid = lax.axis_index("s") * _NC + lax.axis_index("c")
    sem_g = sems[0:_RING]
    sem_b = sems[_RING:2 * _RING]
    sem_x = sems[2 * _RING:3 * _RING]
    sem_s = sems[3 * _RING:4 * _RING]

    def start_x(j):
        s = j % _RING
        base = wid * _RPW + j * R
        return pltpu.async_copy(x_hbm.at[pl.ds(base, R)], x_v.at[s], sem_x[s])

    def start_gb(j):
        s = j % _RING
        idx_j = idx_v.at[pl.ds(j * R, R)]
        return (
            pltpu.async_copy(g_hbm.at[idx_j], g_v.at[s], sem_g[s]),
            pltpu.async_copy(b_hbm.at[idx_j], b_v.at[s], sem_b[s]),
        )

    gathers = [None] * _NCHUNK
    stores = [None] * _RING

    x_cps = [start_x(j) for j in range(_AHEAD)]
    pltpu.sync_copy(y_hbm.at[pl.ds(wid * _RPW, R)], idx_v.at[pl.ds(0, R)])
    g0 = start_gb(0)
    pltpu.sync_copy(y_hbm.at[pl.ds(wid * _RPW + R, _RPW - R)],
                    idx_v.at[pl.ds(R, _RPW - R)])
    gathers[0] = g0 + (x_cps[0],)
    for j in range(1, _AHEAD):
        gathers[j] = start_gb(j) + (x_cps[j],)

    def start_gathers(j):
        return start_gb(j) + (start_x(j),)

    for j in range(_NCHUNK):
        s = j % _RING
        f = j + _AHEAD
        if f < _NCHUNK:
            sf = f % _RING
            if stores[sf] is not None:
                stores[sf].wait()
                stores[sf] = None
            gathers[f] = start_gathers(f)
        for cp in gathers[s]:
            cp.wait()

        def row(r, _):
            for c8 in range(C // _L):
                sl = pl.ds(c8 * _L, _L)
                x_v[s, r, sl] = g_v[s, r, sl] * x_v[s, r, sl] + b_v[s, r, sl]
            return 0

        lax.fori_loop(0, R, row, 0)
        base = wid * _RPW + j * R
        stores[s] = pltpu.async_copy(x_v.at[s], out_hbm.at[pl.ds(base, R)],
                                     sem_s[s])

    for st in stores:
        if st is not None:
            st.wait()


_film = functools.partial(
    pl.kernel,
    out_type=jax.ShapeDtypeStruct((B, C), jnp.float32),
    mesh=plsc.VectorSubcoreMesh(core_axis_name="c", subcore_axis_name="s"),
    scratch_types=[
        pltpu.VMEM((_RPW,), jnp.int32),
        pltpu.VMEM((_RING, R, C), jnp.float32),
        pltpu.VMEM((_RING, R, C), jnp.float32),
        pltpu.VMEM((_RING, R, C), jnp.float32),
    ] + [pltpu.SemaphoreType.DMA] * (4 * _RING),
)(_film_body)


@jax.jit
def kernel(x, y, gammas, betas):
    return _film(x, y.astype(jnp.int32), gammas, betas)

# --- scband reference (transcript-rebuilt; emitter-appended) ---
"""Pipeline reference for scband-categorical-fi-lm-33698313404946 (READ-ONLY COPY).

The authoritative reference and input builder live on the scoring server;
editing this copy changes nothing except your own understanding.
"""

import jax, jax.numpy as jnp
import numpy as np

NUM_CLASSES = 100000
CHANNELS = 128
BATCH = 16384

def setup_inputs(seed: int = 0) -> dict:
    key = jax.random.key(seed)
    k_x, k_y, k_g, k_b = jax.random.split(key, 4)
    x = jax.random.normal(k_x, (BATCH, CHANNELS), dtype=jnp.float32)
    y = jax.random.randint(k_y, (BATCH,), 0, NUM_CLASSES, dtype=jnp.int64)
    # nn.Embedding default init: N(0, 1)
    gammas = jax.random.normal(k_g, (NUM_CLASSES, CHANNELS), dtype=jnp.float32)
    betas = jax.random.normal(k_b, (NUM_CLASSES, CHANNELS), dtype=jnp.float32)
    return {"x": x, "y": y, "gammas": gammas, "betas": betas}

def reference(x, y, gammas, betas):
    # FiLM: feature-wise linear modulation, gamma * x + beta
    g = jnp.take(gammas, y, axis=0)  # [B, C]
    b = jnp.take(betas, y, axis=0)   # [B, C]
    return g * x + b

if __name__ == "__main__":
    import jax
    _d = setup_inputs()
    print(jax.jit(kernel)(*tuple(_d.values())))

</pallas_src>

<mosaic_0001>
#map = affine_map<(d0, d1) -> (0, 0)>
#map1 = affine_map<(d0, d1) -> (0)>
module attributes {stable_mosaic.version = 14 : i64} {
  func.func @_film_body(%arg0: i32, %arg1: i32, %arg2: memref<16384x128xf32, #tpu.memory_space<hbm>>, %arg3: memref<16384xi32, #tpu.memory_space<hbm>>, %arg4: memref<100000x128xf32, #tpu.memory_space<hbm>>, %arg5: memref<100000x128xf32, #tpu.memory_space<hbm>>, %arg6: memref<16384x128xf32, #tpu.memory_space<hbm>>, %arg7: memref<512xi32, #tpu.memory_space<vmem>>, %arg8: memref<5x64x128xf32, #tpu.memory_space<vmem>>, %arg9: memref<5x64x128xf32, #tpu.memory_space<vmem>>, %arg10: memref<5x64x128xf32, #tpu.memory_space<vmem>>, %arg11: memref<!tpu.dma_semaphore, #tpu.memory_space<semaphore_mem>>, %arg12: memref<!tpu.dma_semaphore, #tpu.memory_space<semaphore_mem>>, %arg13: memref<!tpu.dma_semaphore, #tpu.memory_space<semaphore_mem>>, %arg14: memref<!tpu.dma_semaphore, #tpu.memory_space<semaphore_mem>>, %arg15: memref<!tpu.dma_semaphore, #tpu.memory_space<semaphore_mem>>, %arg16: memref<!tpu.dma_semaphore, #tpu.memory_space<semaphore_mem>>, %arg17: memref<!tpu.dma_semaphore, #tpu.memory_space<semaphore_mem>>, %arg18: memref<!tpu.dma_semaphore, #tpu.memory_space<semaphore_mem>>, %arg19: memref<!tpu.dma_semaphore, #tpu.memory_space<semaphore_mem>>, %arg20: memref<!tpu.dma_semaphore, #tpu.memory_space<semaphore_mem>>, %arg21: memref<!tpu.dma_semaphore, #tpu.memory_space<semaphore_mem>>, %arg22: memref<!tpu.dma_semaphore, #tpu.memory_space<semaphore_mem>>, %arg23: memref<!tpu.dma_semaphore, #tpu.memory_space<semaphore_mem>>, %arg24: memref<!tpu.dma_semaphore, #tpu.memory_space<semaphore_mem>>, %arg25: memref<!tpu.dma_semaphore, #tpu.memory_space<semaphore_mem>>, %arg26: memref<!tpu.dma_semaphore, #tpu.memory_space<semaphore_mem>>, %arg27: memref<!tpu.dma_semaphore, #tpu.memory_space<semaphore_mem>>, %arg28: memref<!tpu.dma_semaphore, #tpu.memory_space<semaphore_mem>>, %arg29: memref<!tpu.dma_semaphore, #tpu.memory_space<semaphore_mem>>, %arg30: memref<!tpu.dma_semaphore, #tpu.memory_space<semaphore_mem>>) attributes {dimension_semantics = [#tpu.dimension_semantics<core_parallel>, #tpu.dimension_semantics<subcore_parallel>], iteration_bounds = array<i64: 2, 16>, scalar_prefetch = 0 : i64, scratch_operands = 24 : i64, tpu.core_type = #tpu.core_type<sc_vector_subcore>, window_params = [{transform_indices = #map}, {transform_indices = #map1}, {transform_indices = #map}, {transform_indices = #map}, {transform_indices = #map}]} {
    %mul3A = arith.constant 2 : i32
    %mul3A_0 = arith.muli %arg1, %mul3A : i32
    %add3A = arith.addi %mul3A_0, %arg0 : i32
    %mul3A_1 = arith.constant 512 : i32
    %mul3A_2 = arith.muli %add3A, %mul3A_1 : i32
    %add3A_3 = arith.constant 0 : i32
    %add3A_4 = arith.addi %mul3A_2, %add3A_3 : i32
    %dma_start3A = arith.constant 0 : i32
    %dma_start3A_5 = arith.constant 0 : i32
    %dma_start3A_6 = arith.constant 0 : i32
    %dma_start3A_7 = tpu.memref_slice %arg10[%dma_start3A, %dma_start3A_5, %dma_start3A_6] : memref<5x64x128xf32, #tpu.memory_space<vmem>> -> memref<1x64x128xf32, #tpu.memory_space<vmem>>
    %dma_start3A_8 = tpu.memref_squeeze %dma_start3A_7 : memref<1x64x128xf32, #tpu.memory_space<vmem>> -> memref<64x128xf32, #tpu.memory_space<vmem>>
    %dma_start3A_9 = arith.constant 0 : i32
    %dma_start3A_10 = tpu.memref_slice %arg2[%add3A_4, %dma_start3A_9] : memref<16384x128xf32, #tpu.memory_space<hbm>> -> memref<64x128xf32, #tpu.memory_space<hbm>>
    %dma_start3A_11 = arith.constant 0 : i32
    %dma_start3A_12 = arith.constant 0 : i32
    %dma_start3A_13 = tpu.memref_slice %arg10[%dma_start3A, %dma_start3A_11, %dma_start3A_12] : memref<5x64x128xf32, #tpu.memory_space<vmem>> -> memref<1x64x128xf32, #tpu.memory_space<vmem>>
    %dma_start3A_14 = tpu.memref_squeeze %dma_start3A_13 : memref<1x64x128xf32, #tpu.memory_space<vmem>> -> memref<64x128xf32, #tpu.memory_space<vmem>>
    %dma_start3A_15 = arith.constant 0 : i32
    %dma_start3A_16 = tpu.memref_slice %arg2[%add3A_4, %dma_start3A_15] : memref<16384x128xf32, #tpu.memory_space<hbm>> -> memref<64x128xf32, #tpu.memory_space<hbm>>
    tpu.enqueue_dma source(%dma_start3A_16 : memref<64x128xf32, #tpu.memory_space<hbm>>) target(%dma_start3A_14 : memref<64x128xf32, #tpu.memory_space<vmem>>) target_semaphore(%arg21 : memref<!tpu.dma_semaphore, #tpu.memory_space<semaphore_mem>>)
    %mul3A_17 = arith.constant 512 : i32
    %mul3A_18 = arith.muli %add3A, %mul3A_17 : i32
    %add3A_19 = arith.constant 64 : i32
    %add3A_20 = arith.addi %mul3A_18, %add3A_19 : i32
    %dma_start3A_21 = arith.constant 1 : i32
    %dma_start3A_22 = arith.constant 0 : i32
    %dma_start3A_23 = arith.constant 0 : i32
    %dma_start3A_24 = tpu.memref_slice %arg10[%dma_start3A_21, %dma_start3A_22, %dma_start3A_23] : memref<5x64x128xf32, #tpu.memory_space<vmem>> -> memref<1x64x128xf32, #tpu.memory_space<vmem>>
    %dma_start3A_25 = tpu.memref_squeeze %dma_start3A_24 : memref<1x64x128xf32, #tpu.memory_space<vmem>> -> memref<64x128xf32, #tpu.memory_space<vmem>>
    %dma_start3A_26 = arith.constant 0 : i32
    %dma_start3A_27 = tpu.memref_slice %arg2[%add3A_20, %dma_start3A_26] : memref<16384x128xf32, #tpu.memory_space<hbm>> -> memref<64x128xf32, #tpu.memory_space<hbm>>
    %dma_start3A_28 = arith.constant 0 : i32
    %dma_start3A_29 = arith.constant 0 : i32
    %dma_start3A_30 = tpu.memref_slice %arg10[%dma_start3A_21, %dma_start3A_28, %dma_start3A_29] : memref<5x64x128xf32, #tpu.memory_space<vmem>> -> memref<1x64x128xf32, #tpu.memory_space<vmem>>
    %dma_start3A_31 = tpu.memref_squeeze %dma_start3A_30 : memref<1x64x128xf32, #tpu.memory_space<vmem>> -> memref<64x128xf32, #tpu.memory_space<vmem>>
    %dma_start3A_32 = arith.constant 0 : i32
    %dma_start3A_33 = tpu.memref_slice %arg2[%add3A_20, %dma_start3A_32] : memref<16384x128xf32, #tpu.memory_space<hbm>> -> memref<64x128xf32, #tpu.memory_space<hbm>>
    tpu.enqueue_dma source(%dma_start3A_33 : memref<64x128xf32, #tpu.memory_space<hbm>>) target(%dma_start3A_31 : memref<64x128xf32, #tpu.memory_space<vmem>>) target_semaphore(%arg22 : memref<!tpu.dma_semaphore, #tpu.memory_space<semaphore_mem>>)
    %mul3A_34 = arith.constant 512 : i32
    %mul3A_35 = arith.muli %add3A, %mul3A_34 : i32
    %add3A_36 = arith.constant 128 : i32
    %add3A_37 = arith.addi %mul3A_35, %add3A_36 : i32
    %dma_start3A_38 = arith.constant 2 : i32
    %dma_start3A_39 = arith.constant 0 : i32
    %dma_start3A_40 = arith.constant 0 : i32
    %dma_start3A_41 = tpu.memref_slice %arg10[%dma_start3A_38, %dma_start3A_39, %dma_start3A_40] : memref<5x64x128xf32, #tpu.memory_space<vmem>> -> memref<1x64x128xf32, #tpu.memory_space<vmem>>
    %dma_start3A_42 = tpu.memref_squeeze %dma_start3A_41 : memref<1x64x128xf32, #tpu.memory_space<vmem>> -> memref<64x128xf32, #tpu.memory_space<vmem>>
    %dma_start3A_43 = arith.constant 0 : i32
    %dma_start3A_44 = tpu.memref_slice %arg2[%add3A_37, %dma_start3A_43] : memref<16384x128xf32, #tpu.memory_space<hbm>> -> memref<64x128xf32, #tpu.memory_space<hbm>>
    %dma_start3A_45 = arith.constant 0 : i32
    %dma_start3A_46 = arith.constant 0 : i32
    %dma_start3A_47 = tpu.memref_slice %arg10[%dma_start3A_38, %dma_start3A_45, %dma_start3A_46] : memref<5x64x128xf32, #tpu.memory_space<vmem>> -> memref<1x64x128xf32, #tpu.memory_space<vmem>>
    %dma_start3A_48 = tpu.memref_squeeze %dma_start3A_47 : memref<1x64x128xf32, #tpu.memory_space<vmem>> -> memref<64x128xf32, #tpu.memory_space<vmem>>
    %dma_start3A_49 = arith.constant 0 : i32
    %dma_start3A_50 = tpu.memref_slice %arg2[%add3A_37, %dma_start3A_49] : memref<16384x128xf32, #tpu.memory_space<hbm>> -> memref<64x128xf32, #tpu.memory_space<hbm>>
    tpu.enqueue_dma source(%dma_start3A_50 : memref<64x128xf32, #tpu.memory_space<hbm>>) target(%dma_start3A_48 : memref<64x128xf32, #tpu.memory_space<vmem>>) target_semaphore(%arg23 : memref<!tpu.dma_semaphore, #tpu.memory_space<semaphore_mem>>)
    %mul3A_51 = arith.constant 512 : i32
    %mul3A_52 = arith.muli %add3A, %mul3A_51 : i32
    %add3A_53 = arith.constant 192 : i32
    %add3A_54 = arith.addi %mul3A_52, %add3A_53 : i32
    %dma_start3A_55 = arith.constant 3 : i32
    %dma_start3A_56 = arith.constant 0 : i32
    %dma_start3A_57 = arith.constant 0 : i32
    %dma_start3A_58 = tpu.memref_slice %arg10[%dma_start3A_55, %dma_start3A_56, %dma_start3A_57] : memref<5x64x128xf32, #tpu.memory_space<vmem>> -> memref<1x64x128xf32, #tpu.memory_space<vmem>>
    %dma_start3A_59 = tpu.memref_squeeze %dma_start3A_58 : memref<1x64x128xf32, #tpu.memory_space<vmem>> -> memref<64x128xf32, #tpu.memory_space<vmem>>
    %dma_start3A_60 = arith.constant 0 : i32
    %dma_start3A_61 = tpu.memref_slice %arg2[%add3A_54, %dma_start3A_60] : memref<16384x128xf32, #tpu.memory_space<hbm>> -> memref<64x128xf32, #tpu.memory_space<hbm>>
    %dma_start3A_62 = arith.constant 0 : i32
    %dma_start3A_63 = arith.constant 0 : i32
    %dma_start3A_64 = tpu.memref_slice %arg10[%dma_start3A_55, %dma_start3A_62, %dma_start3A_63] : memref<5x64x128xf32, #tpu.memory_space<vmem>> -> memref<1x64x128xf32, #tpu.memory_space<vmem>>
    %dma_start3A_65 = tpu.memref_squeeze %dma_start3A_64 : memref<1x64x128xf32, #tpu.memory_space<vmem>> -> memref<64x128xf32, #tpu.memory_space<vmem>>
    %dma_start3A_66 = arith.constant 0 : i32
    %dma_start3A_67 = tpu.memref_slice %arg2[%add3A_54, %dma_start3A_66] : memref<16384x128xf32, #tpu.memory_space<hbm>> -> memref<64x128xf32, #tpu.memory_space<hbm>>
    tpu.enqueue_dma source(%dma_start3A_67 : memref<64x128xf32, #tpu.memory_space<hbm>>) target(%dma_start3A_65 : memref<64x128xf32, #tpu.memory_space<vmem>>) target_semaphore(%arg24 : memref<!tpu.dma_semaphore, #tpu.memory_space<semaphore_mem>>)
    %mul3A_68 = arith.constant 512 : i32
    %mul3A_69 = arith.muli %add3A, %mul3A_68 : i32
    "tpu.region"() ({
      %run_scoped3A = tpu.sem_alloc : memref<!tpu.dma_semaphore, #tpu.memory_space<semaphore_mem>>
      %dma_start3A_860 = arith.constant 0 : i32
      %dma_start3A_861 = tpu.memref_slice %arg7[%dma_start3A_860] : memref<512xi32, #tpu.memory_space<vmem>> -> memref<64xi32, #tpu.memory_space<vmem>>
      %dma_start3A_862 = tpu.memref_slice %arg3[%mul3A_69] : memref<16384xi32, #tpu.memory_space<hbm>> -> memref<64xi32, #tpu.memory_space<hbm>>
      %dma_start3A_863 = arith.constant 0 : i32
      %dma_start3A_864 = tpu.memref_slice %arg7[%dma_start3A_863] : memref<512xi32, #tpu.memory_space<vmem>> -> memref<64xi32, #tpu.memory_space<vmem>>
      %dma_start3A_865 = tpu.memref_slice %arg3[%mul3A_69] : memref<16384xi32, #tpu.memory_space<hbm>> -> memref<64xi32, #tpu.memory_space<hbm>>
      tpu.enqueue_dma source(%dma_start3A_865 : memref<64xi32, #tpu.memory_space<hbm>>) target(%dma_start3A_864 : memref<64xi32, #tpu.memory_space<vmem>>) target_semaphore(%run_scoped3A : memref<!tpu.dma_semaphore, #tpu.memory_space<semaphore_mem>>)
      %dma_wait3A_866 = arith.constant 0 : i32
      %dma_wait3A_867 = tpu.memref_slice %arg7[%dma_wait3A_866] : memref<512xi32, #tpu.memory_space<vmem>> -> memref<64xi32, #tpu.memory_space<vmem>>
      %dma_wait3A_868 = tpu.memref_slice %arg3[%mul3A_69] : memref<16384xi32, #tpu.memory_space<hbm>> -> memref<64xi32, #tpu.memory_space<hbm>>
      %dma_wait3A_869 = arith.constant 0 : i32
      %dma_wait3A_870 = tpu.memref_slice %arg7[%dma_wait3A_869] : memref<512xi32, #tpu.memory_space<vmem>> -> memref<64xi32, #tpu.memory_space<vmem>>
      %dma_wait3A_871 = tpu.memref_slice %arg3[%mul3A_69] : memref<16384xi32, #tpu.memory_space<hbm>> -> memref<64xi32, #tpu.memory_space<hbm>>
      tpu.wait_dma2 semaphore(%run_scoped3A : memref<!tpu.dma_semaphore, #tpu.memory_space<semaphore_mem>>) src(%dma_wait3A_871 : memref<64xi32, #tpu.memory_space<hbm>>) dst(%dma_wait3A_870 : memref<64xi32, #tpu.memory_space<vmem>>)
      tpu.yield
    }) : () -> ()
    %dma_start3A_70 = arith.constant 0 : i32
    %dma_start3A_71 = arith.constant 0 : i32
    %dma_start3A_72 = arith.constant 0 : i32
    %dma_start3A_73 = tpu.memref_slice %arg8[%dma_start3A_70, %dma_start3A_71, %dma_start3A_72] : memref<5x64x128xf32, #tpu.memory_space<vmem>> -> memref<1x64x128xf32, #tpu.memory_space<vmem>>
    %dma_start3A_74 = tpu.memref_squeeze %dma_start3A_73 : memref<1x64x128xf32, #tpu.memory_space<vmem>> -> memref<64x128xf32, #tpu.memory_space<vmem>>
    %dma_start3A_75 = arith.constant 0 : i32
    %dma_start3A_76 = tpu.memref_slice %arg7[%dma_start3A_75] : memref<512xi32, #tpu.memory_space<vmem>> -> memref<64xi32, #tpu.memory_space<vmem>>
    %dma_start3A_77 = arith.constant 0 : i32
    %dma_start3A_78 = arith.constant 0 : i32
    %dma_start3A_79 = tpu.memref_slice %arg4[%dma_start3A_77, %dma_start3A_78] : memref<100000x128xf32, #tpu.memory_space<hbm>> -> memref<100000x128xf32, #tpu.memory_space<hbm>>
    tpu.enqueue_indirect_dma source(%dma_start3A_79 : memref<100000x128xf32, #tpu.memory_space<hbm>>) target(%dma_start3A_74 : memref<64x128xf32, #tpu.memory_space<vmem>>) offsets(%dma_start3A_76 : memref<64xi32, #tpu.memory_space<vmem>>) semaphore(%arg11 : memref<!tpu.dma_semaphore, #tpu.memory_space<semaphore_mem>>)
    %dma_start3A_80 = arith.constant 0 : i32
    %dma_start3A_81 = arith.constant 0 : i32
    %dma_start3A_82 = arith.constant 0 : i32
    %dma_start3A_83 = tpu.memref_slice %arg9[%dma_start3A_80, %dma_start3A_81, %dma_start3A_82] : memref<5x64x128xf32, #tpu.memory_space<vmem>> -> memref<1x64x128xf32, #tpu.memory_space<vmem>>
    %dma_start3A_84 = tpu.memref_squeeze %dma_start3A_83 : memref<1x64x128xf32, #tpu.memory_space<vmem>> -> memref<64x128xf32, #tpu.memory_space<vmem>>
    %dma_start3A_85 = arith.constant 0 : i32
    %dma_start3A_86 = tpu.memref_slice %arg7[%dma_start3A_85] : memref<512xi32, #tpu.memory_space<vmem>> -> memref<64xi32, #tpu.memory_space<vmem>>
    %dma_start3A_87 = arith.constant 0 : i32
    %dma_start3A_88 = arith.constant 0 : i32
    %dma_start3A_89 = tpu.memref_slice %arg5[%dma_start3A_87, %dma_start3A_88] : memref<100000x128xf32, #tpu.memory_space<hbm>> -> memref<100000x128xf32, #tpu.memory_space<hbm>>
    tpu.enqueue_indirect_dma source(%dma_start3A_89 : memref<100000x128xf32, #tpu.memory_space<hbm>>) target(%dma_start3A_84 : memref<64x128xf32, #tpu.memory_space<vmem>>) offsets(%dma_start3A_86 : memref<64xi32, #tpu.memory_space<vmem>>) semaphore(%arg16 : memref<!tpu.dma_semaphore, #tpu.memory_space<semaphore_mem>>)
    %mul3A_90 = arith.constant 512 : i32
    %mul3A_91 = arith.muli %add3A, %mul3A_90 : i32
    %add3A_92 = arith.constant 64 : i32
    %add3A_93 = arith.addi %mul3A_91, %add3A_92 : i32
    "tpu.region"() ({
      %run_scoped3A = tpu.sem_alloc : memref<!tpu.dma_semaphore, #tpu.memory_space<semaphore_mem>>
      %dma_start3A_860 = arith.constant 64 : i32
      %dma_start3A_861 = tpu.memref_slice %arg7[%dma_start3A_860] : memref<512xi32, #tpu.memory_space<vmem>> -> memref<448xi32, #tpu.memory_space<vmem>>
      %dma_start3A_862 = tpu.memref_slice %arg3[%add3A_93] : memref<16384xi32, #tpu.memory_space<hbm>> -> memref<448xi32, #tpu.memory_space<hbm>>
      %dma_start3A_863 = arith.constant 64 : i32
      %dma_start3A_864 = tpu.memref_slice %arg7[%dma_start3A_863] : memref<512xi32, #tpu.memory_space<vmem>> -> memref<448xi32, #tpu.memory_space<vmem>>
      %dma_start3A_865 = tpu.memref_slice %arg3[%add3A_93] : memref<16384xi32, #tpu.memory_space<hbm>> -> memref<448xi32, #tpu.memory_space<hbm>>
      tpu.enqueue_dma source(%dma_start3A_865 : memref<448xi32, #tpu.memory_space<hbm>>) target(%dma_start3A_864 : memref<448xi32, #tpu.memory_space<vmem>>) target_semaphore(%run_scoped3A : memref<!tpu.dma_semaphore, #tpu.memory_space<semaphore_mem>>)
      %dma_wait3A_866 = arith.constant 64 : i32
      %dma_wait3A_867 = tpu.memref_slice %arg7[%dma_wait3A_866] : memref<512xi32, #tpu.memory_space<vmem>> -> memref<448xi32, #tpu.memory_space<vmem>>
      %dma_wait3A_868 = tpu.memref_slice %arg3[%add3A_93] : memref<16384xi32, #tpu.memory_space<hbm>> -> memref<448xi32, #tpu.memory_space<hbm>>
      %dma_wait3A_869 = arith.constant 64 : i32
      %dma_wait3A_870 = tpu.memref_slice %arg7[%dma_wait3A_869] : memref<512xi32, #tpu.memory_space<vmem>> -> memref<448xi32, #tpu.memory_space<vmem>>
      %dma_wait3A_871 = tpu.memref_slice %arg3[%add3A_93] : memref<16384xi32, #tpu.memory_space<hbm>> -> memref<448xi32, #tpu.memory_space<hbm>>
      tpu.wait_dma2 semaphore(%run_scoped3A : memref<!tpu.dma_semaphore, #tpu.memory_space<semaphore_mem>>) src(%dma_wait3A_871 : memref<448xi32, #tpu.memory_space<hbm>>) dst(%dma_wait3A_870 : memref<448xi32, #tpu.memory_space<vmem>>)
      tpu.yield
    }) : () -> ()
    %dma_start3A_94 = arith.constant 1 : i32
    %dma_start3A_95 = arith.constant 0 : i32
    %dma_start3A_96 = arith.constant 0 : i32
    %dma_start3A_97 = tpu.memref_slice %arg8[%dma_start3A_94, %dma_start3A_95, %dma_start3A_96] : memref<5x64x128xf32, #tpu.memory_space<vmem>> -> memref<1x64x128xf32, #tpu.memory_space<vmem>>
    %dma_start3A_98 = tpu.memref_squeeze %dma_start3A_97 : memref<1x64x128xf32, #tpu.memory_space<vmem>> -> memref<64x128xf32, #tpu.memory_space<vmem>>
    %dma_start3A_99 = arith.constant 64 : i32
    %dma_start3A_100 = tpu.memref_slice %arg7[%dma_start3A_99] : memref<512xi32, #tpu.memory_space<vmem>> -> memref<64xi32, #tpu.memory_space<vmem>>
    %dma_start3A_101 = arith.constant 0 : i32
    %dma_start3A_102 = arith.constant 0 : i32
    %dma_start3A_103 = tpu.memref_slice %arg4[%dma_start3A_101, %dma_start3A_102] : memref<100000x128xf32, #tpu.memory_space<hbm>> -> memref<100000x128xf32, #tpu.memory_space<hbm>>
    tpu.enqueue_indirect_dma source(%dma_start3A_103 : memref<100000x128xf32, #tpu.memory_space<hbm>>) target(%dma_start3A_98 : memref<64x128xf32, #tpu.memory_space<vmem>>) offsets(%dma_start3A_100 : memref<64xi32, #tpu.memory_space<vmem>>) semaphore(%arg12 : memref<!tpu.dma_semaphore, #tpu.memory_space<semaphore_mem>>)
    %dma_start3A_104 = arith.constant 1 : i32
    %dma_start3A_105 = arith.constant 0 : i32
    %dma_start3A_106 = arith.constant 0 : i32
    %dma_start3A_107 = tpu.memref_slice %arg9[%dma_start3A_104, %dma_start3A_105, %dma_start3A_106] : memref<5x64x128xf32, #tpu.memory_space<vmem>> -> memref<1x64x128xf32, #tpu.memory_space<vmem>>
    %dma_start3A_108 = tpu.memref_squeeze %dma_start3A_107 : memref<1x64x128xf32, #tpu.memory_space<vmem>> -> memref<64x128xf32, #tpu.memory_space<vmem>>
    %dma_start3A_109 = arith.constant 64 : i32
    %dma_start3A_110 = tpu.memref_slice %arg7[%dma_start3A_109] : memref<512xi32, #tpu.memory_space<vmem>> -> memref<64xi32, #tpu.memory_space<vmem>>
    %dma_start3A_111 = arith.constant 0 : i32
    %dma_start3A_112 = arith.constant 0 : i32
    %dma_start3A_113 = tpu.memref_slice %arg5[%dma_start3A_111, %dma_start3A_112] : memref<100000x128xf32, #tpu.memory_space<hbm>> -> memref<100000x128xf32, #tpu.memory_space<hbm>>
    tpu.enqueue_indirect_dma source(%dma_start3A_113 : memref<100000x128xf32, #tpu.memory_space<hbm>>) target(%dma_start3A_108 : memref<64x128xf32, #tpu.memory_space<vmem>>) offsets(%dma_start3A_110 : memref<64xi32, #tpu.memory_space<vmem>>) semaphore(%arg17 : memref<!tpu.dma_semaphore, #tpu.memory_space<semaphore_mem>>)
    %dma_start3A_114 = arith.constant 2 : i32
    %dma_start3A_115 = arith.constant 0 : i32
    %dma_start3A_116 = arith.constant 0 : i32
    %dma_start3A_117 = tpu.memref_slice %arg8[%dma_start3A_114, %dma_start3A_115, %dma_start3A_116] : memref<5x64x128xf32, #tpu.memory_space<vmem>> -> memref<1x64x128xf32, #tpu.memory_space<vmem>>
    %dma_start3A_118 = tpu.memref_squeeze %dma_start3A_117 : memref<1x64x128xf32, #tpu.memory_space<vmem>> -> memref<64x128xf32, #tpu.memory_space<vmem>>
    %dma_start3A_119 = arith.constant 128 : i32
    %dma_start3A_120 = tpu.memref_slice %arg7[%dma_start3A_119] : memref<512xi32, #tpu.memory_space<vmem>> -> memref<64xi32, #tpu.memory_space<vmem>>
    %dma_start3A_121 = arith.constant 0 : i32
    %dma_start3A_122 = arith.constant 0 : i32
    %dma_start3A_123 = tpu.memref_slice %arg4[%dma_start3A_121, %dma_start3A_122] : memref<100000x128xf32, #tpu.memory_space<hbm>> -> memref<100000x128xf32, #tpu.memory_space<hbm>>
    tpu.enqueue_indirect_dma source(%dma_start3A_123 : memref<100000x128xf32, #tpu.memory_space<hbm>>) target(%dma_start3A_118 : memref<64x128xf32, #tpu.memory_space<vmem>>) offsets(%dma_start3A_120 : memref<64xi32, #tpu.memory_space<vmem>>) semaphore(%arg13 : memref<!tpu.dma_semaphore, #tpu.memory_space<semaphore_mem>>)
    %dma_start3A_124 = arith.constant 2 : i32
    %dma_start3A_125 = arith.constant 0 : i32
    %dma_start3A_126 = arith.constant 0 : i32
    %dma_start3A_127 = tpu.memref_slice %arg9[%dma_start3A_124, %dma_start3A_125, %dma_start3A_126] : memref<5x64x128xf32, #tpu.memory_space<vmem>> -> memref<1x64x128xf32, #tpu.memory_space<vmem>>
    %dma_start3A_128 = tpu.memref_squeeze %dma_start3A_127 : memref<1x64x128xf32, #tpu.memory_space<vmem>> -> memref<64x128xf32, #tpu.memory_space<vmem>>
    %dma_start3A_129 = arith.constant 128 : i32
    %dma_start3A_130 = tpu.memref_slice %arg7[%dma_start3A_129] : memref<512xi32, #tpu.memory_space<vmem>> -> memref<64xi32, #tpu.memory_space<vmem>>
    %dma_start3A_131 = arith.constant 0 : i32
    %dma_start3A_132 = arith.constant 0 : i32
    %dma_start3A_133 = tpu.memref_slice %arg5[%dma_start3A_131, %dma_start3A_132] : memref<100000x128xf32, #tpu.memory_space<hbm>> -> memref<100000x128xf32, #tpu.memory_space<hbm>>
    tpu.enqueue_indirect_dma source(%dma_start3A_133 : memref<100000x128xf32, #tpu.memory_space<hbm>>) target(%dma_start3A_128 : memref<64x128xf32, #tpu.memory_space<vmem>>) offsets(%dma_start3A_130 : memref<64xi32, #tpu.memory_space<vmem>>) semaphore(%arg18 : memref<!tpu.dma_semaphore, #tpu.memory_space<semaphore_mem>>)
    %dma_start3A_134 = arith.constant 3 : i32
    %dma_start3A_135 = arith.constant 0 : i32
    %dma_start3A_136 = arith.constant 0 : i32
    %dma_start3A_137 = tpu.memref_slice %arg8[%dma_start3A_134, %dma_start3A_135, %dma_start3A_136] : memref<5x64x128xf32, #tpu.memory_space<vmem>> -> memref<1x64x128xf32, #tpu.memory_space<vmem>>
    %dma_start3A_138 = tpu.memref_squeeze %dma_start3A_137 : memref<1x64x128xf32, #tpu.memory_space<vmem>> -> memref<64x128xf32, #tpu.memory_space<vmem>>
    %dma_start3A_139 = arith.constant 192 : i32
    %dma_start3A_140 = tpu.memref_slice %arg7[%dma_start3A_139] : memref<512xi32, #tpu.memory_space<vmem>> -> memref<64xi32, #tpu.memory_space<vmem>>
    %dma_start3A_141 = arith.constant 0 : i32
    %dma_start3A_142 = arith.constant 0 : i32
    %dma_start3A_143 = tpu.memref_slice %arg4[%dma_start3A_141, %dma_start3A_142] : memref<100000x128xf32, #tpu.memory_space<hbm>> -> memref<100000x128xf32, #tpu.memory_space<hbm>>
    tpu.enqueue_indirect_dma source(%dma_start3A_143 : memref<100000x128xf32, #tpu.memory_space<hbm>>) target(%dma_start3A_138 : memref<64x128xf32, #tpu.memory_space<vmem>>) offsets(%dma_start3A_140 : memref<64xi32, #tpu.memory_space<vmem>>) semaphore(%arg14 : memref<!tpu.dma_semaphore, #tpu.memory_space<semaphore_mem>>)
    %dma_start3A_144 = arith.constant 3 : i32
    %dma_start3A_145 = arith.constant 0 : i32
    %dma_start3A_146 = arith.constant 0 : i32
    %dma_start3A_147 = tpu.memref_slice %arg9[%dma_start3A_144, %dma_start3A_145, %dma_start3A_146] : memref<5x64x128xf32, #tpu.memory_space<vmem>> -> memref<1x64x128xf32, #tpu.memory_space<vmem>>
    %dma_start3A_148 = tpu.memref_squeeze %dma_start3A_147 : memref<1x64x128xf32, #tpu.memory_space<vmem>> -> memref<64x128xf32, #tpu.memory_space<vmem>>
    %dma_start3A_149 = arith.constant 192 : i32
    %dma_start3A_150 = tpu.memref_slice %arg7[%dma_start3A_149] : memref<512xi32, #tpu.memory_space<vmem>> -> memref<64xi32, #tpu.memory_space<vmem>>
    %dma_start3A_151 = arith.constant 0 : i32
    %dma_start3A_152 = arith.constant 0 : i32
    %dma_start3A_153 = tpu.memref_slice %arg5[%dma_start3A_151, %dma_start3A_152] : memref<100000x128xf32, #tpu.memory_space<hbm>> -> memref<100000x128xf32, #tpu.memory_space<hbm>>
    tpu.enqueue_indirect_dma source(%dma_start3A_153 : memref<100000x128xf32, #tpu.memory_space<hbm>>) target(%dma_start3A_148 : memref<64x128xf32, #tpu.memory_space<vmem>>) offsets(%dma_start3A_150 : memref<64xi32, #tpu.memory_space<vmem>>) semaphore(%arg19 : memref<!tpu.dma_semaphore, #tpu.memory_space<semaphore_mem>>)
    %dma_start3A_154 = arith.constant 4 : i32
    %dma_start3A_155 = arith.constant 0 : i32
    %dma_start3A_156 = arith.constant 0 : i32
    %dma_start3A_157 = tpu.memref_slice %arg8[%dma_start3A_154, %dma_start3A_155, %dma_start3A_156] : memref<5x64x128xf32, #tpu.memory_space<vmem>> -> memref<1x64x128xf32, #tpu.memory_space<vmem>>
    %dma_start3A_158 = tpu.memref_squeeze %dma_start3A_157 : memref<1x64x128xf32, #tpu.memory_space<vmem>> -> memref<64x128xf32, #tpu.memory_space<vmem>>
    %dma_start3A_159 = arith.constant 256 : i32
    %dma_start3A_160 = tpu.memref_slice %arg7[%dma_start3A_159] : memref<512xi32, #tpu.memory_space<vmem>> -> memref<64xi32, #tpu.memory_space<vmem>>
    %dma_start3A_161 = arith.constant 0 : i32
    %dma_start3A_162 = arith.constant 0 : i32
    %dma_start3A_163 = tpu.memref_slice %arg4[%dma_start3A_161, %dma_start3A_162] : memref<100000x128xf32, #tpu.memory_space<hbm>> -> memref<100000x128xf32, #tpu.memory_space<hbm>>
    tpu.enqueue_indirect_dma source(%dma_start3A_163 : memref<100000x128xf32, #tpu.memory_space<hbm>>) target(%dma_start3A_158 : memref<64x128xf32, #tpu.memory_space<vmem>>) offsets(%dma_start3A_160 : memref<64xi32, #tpu.memory_space<vmem>>) semaphore(%arg15 : memref<!tpu.dma_semaphore, #tpu.memory_space<semaphore_mem>>)
    %dma_start3A_164 = arith.constant 4 : i32
    %dma_start3A_165 = arith.constant 0 : i32
    %dma_start3A_166 = arith.constant 0 : i32
    %dma_start3A_167 = tpu.memref_slice %arg9[%dma_start3A_164, %dma_start3A_165, %dma_start3A_166] : memref<5x64x128xf32, #tpu.memory_space<vmem>> -> memref<1x64x128xf32, #tpu.memory_space<vmem>>
    %dma_start3A_168 = tpu.memref_squeeze %dma_start3A_167 : memref<1x64x128xf32, #tpu.memory_space<vmem>> -> memref<64x128xf32, #tpu.memory_space<vmem>>
    %dma_start3A_169 = arith.constant 256 : i32
    %dma_start3A_170 = tpu.memref_slice %arg7[%dma_start3A_169] : memref<512xi32, #tpu.memory_space<vmem>> -> memref<64xi32, #tpu.memory_space<vmem>>
    %dma_start3A_171 = arith.constant 0 : i32
    %dma_start3A_172 = arith.constant 0 : i32
    %dma_start3A_173 = tpu.memref_slice %arg5[%dma_start3A_171, %dma_start3A_172] : memref<100000x128xf32, #tpu.memory_space<hbm>> -> memref<100000x128xf32, #tpu.memory_space<hbm>>
    tpu.enqueue_indirect_dma source(%dma_start3A_173 : memref<100000x128xf32, #tpu.memory_space<hbm>>) target(%dma_start3A_168 : memref<64x128xf32, #tpu.memory_space<vmem>>) offsets(%dma_start3A_170 : memref<64xi32, #tpu.memory_space<vmem>>) semaphore(%arg20 : memref<!tpu.dma_semaphore, #tpu.memory_space<semaphore_mem>>)
    %mul3A_174 = arith.constant 512 : i32
    %mul3A_175 = arith.muli %add3A, %mul3A_174 : i32
    %add3A_176 = arith.constant 256 : i32
    %add3A_177 = arith.addi %mul3A_175, %add3A_176 : i32
    %dma_start3A_178 = arith.constant 4 : i32
    %dma_start3A_179 = arith.constant 0 : i32
    %dma_start3A_180 = arith.constant 0 : i32
    %dma_start3A_181 = tpu.memref_slice %arg10[%dma_start3A_178, %dma_start3A_179, %dma_start3A_180] : memref<5x64x128xf32, #tpu.memory_space<vmem>> -> memref<1x64x128xf32, #tpu.memory_space<vmem>>
    %dma_start3A_182 = tpu.memref_squeeze %dma_start3A_181 : memref<1x64x128xf32, #tpu.memory_space<vmem>> -> memref<64x128xf32, #tpu.memory_space<vmem>>
    %dma_start3A_183 = arith.constant 0 : i32
    %dma_start3A_184 = tpu.memref_slice %arg2[%add3A_177, %dma_start3A_183] : memref<16384x128xf32, #tpu.memory_space<hbm>> -> memref<64x128xf32, #tpu.memory_space<hbm>>
    %dma_start3A_185 = arith.constant 0 : i32
    %dma_start3A_186 = arith.constant 0 : i32
    %dma_start3A_187 = tpu.memref_slice %arg10[%dma_start3A_178, %dma_start3A_185, %dma_start3A_186] : memref<5x64x128xf32, #tpu.memory_space<vmem>> -> memref<1x64x128xf32, #tpu.memory_space<vmem>>
    %dma_start3A_188 = tpu.memref_squeeze %dma_start3A_187 : memref<1x64x128xf32, #tpu.memory_space<vmem>> -> memref<64x128xf32, #tpu.memory_space<vmem>>
    %dma_start3A_189 = arith.constant 0 : i32
    %dma_start3A_190 = tpu.memref_slice %arg2[%add3A_177, %dma_start3A_189] : memref<16384x128xf32, #tpu.memory_space<hbm>> -> memref<64x128xf32, #tpu.memory_space<hbm>>
    tpu.enqueue_dma source(%dma_start3A_190 : memref<64x128xf32, #tpu.memory_space<hbm>>) target(%dma_start3A_188 : memref<64x128xf32, #tpu.memory_space<vmem>>) target_semaphore(%arg25 : memref<!tpu.dma_semaphore, #tpu.memory_space<semaphore_mem>>)
    %dma_wait3A = arith.constant 0 : i32
    %dma_wait3A_191 = arith.constant 0 : i32
    %dma_wait3A_192 = arith.constant 0 : i32
    %dma_wait3A_193 = tpu.memref_slice %arg8[%dma_wait3A, %dma_wait3A_191, %dma_wait3A_192] : memref<5x64x128xf32, #tpu.memory_space<vmem>> -> memref<1x64x128xf32, #tpu.memory_space<vmem>>
    %dma_wait3A_194 = tpu.memref_squeeze %dma_wait3A_193 : memref<1x64x128xf32, #tpu.memory_space<vmem>> -> memref<64x128xf32, #tpu.memory_space<vmem>>
    %dma_wait3A_195 = arith.constant 0 : i32
    %dma_wait3A_196 = tpu.memref_slice %arg7[%dma_wait3A_195] : memref<512xi32, #tpu.memory_space<vmem>> -> memref<64xi32, #tpu.memory_space<vmem>>
    %dma_wait3A_197 = arith.constant 0 : i32
    %dma_wait3A_198 = arith.constant 0 : i32
    %dma_wait3A_199 = tpu.memref_slice %arg4[%dma_wait3A_197, %dma_wait3A_198] : memref<100000x128xf32, #tpu.memory_space<hbm>> -> memref<100000x128xf32, #tpu.memory_space<hbm>>
    tpu.wait_indirect_dma semaphore(%arg11 : memref<!tpu.dma_semaphore, #tpu.memory_space<semaphore_mem>>) src(%dma_wait3A_199 : memref<100000x128xf32, #tpu.memory_space<hbm>>) dst(%dma_wait3A_194 : memref<64x128xf32, #tpu.memory_space<vmem>>)
    %dma_wait3A_200 = arith.constant 0 : i32
    %dma_wait3A_201 = arith.constant 0 : i32
    %dma_wait3A_202 = arith.constant 0 : i32
    %dma_wait3A_203 = tpu.memref_slice %arg9[%dma_wait3A_200, %dma_wait3A_201, %dma_wait3A_202] : memref<5x64x128xf32, #tpu.memory_space<vmem>> -> memref<1x64x128xf32, #tpu.memory_space<vmem>>
    %dma_wait3A_204 = tpu.memref_squeeze %dma_wait3A_203 : memref<1x64x128xf32, #tpu.memory_space<vmem>> -> memref<64x128xf32, #tpu.memory_space<vmem>>
    %dma_wait3A_205 = arith.constant 0 : i32
    %dma_wait3A_206 = tpu.memref_slice %arg7[%dma_wait3A_205] : memref<512xi32, #tpu.memory_space<vmem>> -> memref<64xi32, #tpu.memory_space<vmem>>
    %dma_wait3A_207 = arith.constant 0 : i32
    %dma_wait3A_208 = arith.constant 0 : i32
    %dma_wait3A_209 = tpu.memref_slice %arg5[%dma_wait3A_207, %dma_wait3A_208] : memref<100000x128xf32, #tpu.memory_space<hbm>> -> memref<100000x128xf32, #tpu.memory_space<hbm>>
    tpu.wait_indirect_dma semaphore(%arg16 : memref<!tpu.dma_semaphore, #tpu.memory_space<semaphore_mem>>) src(%dma_wait3A_209 : memref<100000x128xf32, #tpu.memory_space<hbm>>) dst(%dma_wait3A_204 : memref<64x128xf32, #tpu.memory_space<vmem>>)
    %dma_wait3A_210 = arith.constant 0 : i32
    %dma_wait3A_211 = arith.constant 0 : i32
    %dma_wait3A_212 = arith.constant 0 : i32
    %dma_wait3A_213 = tpu.memref_slice %arg10[%dma_wait3A_210, %dma_wait3A_211, %dma_wait3A_212] : memref<5x64x128xf32, #tpu.memory_space<vmem>> -> memref<1x64x128xf32, #tpu.memory_space<vmem>>
    %dma_wait3A_214 = tpu.memref_squeeze %dma_wait3A_213 : memref<1x64x128xf32, #tpu.memory_space<vmem>> -> memref<64x128xf32, #tpu.memory_space<vmem>>
    %dma_wait3A_215 = arith.constant 0 : i32
    %dma_wait3A_216 = tpu.memref_slice %arg2[%add3A_4, %dma_wait3A_215] : memref<16384x128xf32, #tpu.memory_space<hbm>> -> memref<64x128xf32, #tpu.memory_space<hbm>>
    %dma_wait3A_217 = arith.constant 0 : i32
    %dma_wait3A_218 = arith.constant 0 : i32
    %dma_wait3A_219 = tpu.memref_slice %arg10[%dma_wait3A_210, %dma_wait3A_217, %dma_wait3A_218] : memref<5x64x128xf32, #tpu.memory_space<vmem>> -> memref<1x64x128xf32, #tpu.memory_space<vmem>>
    %dma_wait3A_220 = tpu.memref_squeeze %dma_wait3A_219 : memref<1x64x128xf32, #tpu.memory_space<vmem>> -> memref<64x128xf32, #tpu.memory_space<vmem>>
    %dma_wait3A_221 = arith.constant 0 : i32
    %dma_wait3A_222 = tpu.memref_slice %arg2[%add3A_4, %dma_wait3A_221] : memref<16384x128xf32, #tpu.memory_space<hbm>> -> memref<64x128xf32, #tpu.memory_space<hbm>>
    tpu.wait_dma2 semaphore(%arg21 : memref<!tpu.dma_semaphore, #tpu.memory_space<semaphore_mem>>) src(%dma_wait3A_222 : memref<64x128xf32, #tpu.memory_space<hbm>>) dst(%dma_wait3A_220 : memref<64x128xf32, #tpu.memory_space<vmem>>)
    %scan3A = arith.constant 0 : i32
    %scan3A_223 = arith.constant 0 : i32
    %scan3A_224 = arith.constant 64 : i32
    %scan3A_225 = arith.addi %scan3A_223, %scan3A_224 : i32
    %scan3A_226 = arith.constant 1 : i32
    %scan3A_227 = scf.for %scan3A_860 = %scan3A_223 to %scan3A_225 step %scan3A_226 iter_args(%scan3A_861 = %scan3A) -> (i32)  : i32 {
      %get3A = arith.constant 0 : i32
      %get3A_862 = arith.index_cast %get3A : i32 to index
      %get3A_863 = arith.index_cast %scan3A_860 : i32 to index
      %get3A_864 = arith.constant 0 : index
      %get3A_865 = tpu.vector_load %arg8[%get3A_862, %get3A_863, %get3A_864] {strides = array<i32>} : memref<5x64x128xf32, #tpu.memory_space<vmem>>, vector<1x1x16xf32>,
      %get3A_866 = vector.shape_cast %get3A_865 : vector<1x1x16xf32> to vector<16xf32>
      %get3A_867 = arith.constant 0 : i32
      %get3A_868 = arith.index_cast %get3A_867 : i32 to index
      %get3A_869 = arith.index_cast %scan3A_860 : i32 to index
      %get3A_870 = arith.constant 0 : index
      %get3A_871 = tpu.vector_load %arg10[%get3A_868, %get3A_869, %get3A_870] {strides = array<i32>} : memref<5x64x128xf32, #tpu.memory_space<vmem>>, vector<1x1x16xf32>,
      %get3A_872 = vector.shape_cast %get3A_871 : vector<1x1x16xf32> to vector<16xf32>
      %mul3A_873 = arith.mulf %get3A_866, %get3A_872 : vector<16xf32>
      %get3A_874 = arith.constant 0 : i32
      %get3A_875 = arith.index_cast %get3A_874 : i32 to index
      %get3A_876 = arith.index_cast %scan3A_860 : i32 to index
      %get3A_877 = arith.constant 0 : index
      %get3A_878 = tpu.vector_load %arg9[%get3A_875, %get3A_876, %get3A_877] {strides = array<i32>} : memref<5x64x128xf32, #tpu.memory_space<vmem>>, vector<1x1x16xf32>,
      %get3A_879 = vector.shape_cast %get3A_878 : vector<1x1x16xf32> to vector<16xf32>
      %add3A_880 = arith.addf %mul3A_873, %get3A_879 : vector<16xf32>
      %swap3A = arith.constant 0 : i32
      %swap3A_881 = arith.index_cast %swap3A : i32 to index
      %swap3A_882 = arith.index_cast %scan3A_860 : i32 to index
      %swap3A_883 = arith.constant 0 : index
      %swap3A_884 = tpu.vector_load %arg10[%swap3A_881, %swap3A_882, %swap3A_883] {strides = array<i32>} : memref<5x64x128xf32, #tpu.memory_space<vmem>>, vector<1x1x16xf32>,
      %swap3A_885 = vector.shape_cast %swap3A_884 : vector<1x1x16xf32> to vector<16xf32>
      %swap3A_886 = vector.shape_cast %add3A_880 : vector<16xf32> to vector<1x1x16xf32>
      tpu.vector_store %arg10[%swap3A_881, %swap3A_882, %swap3A_883], %swap3A_886 {strides = array<i32>} : memref<5x64x128xf32, #tpu.memory_space<vmem>>, vector<1x1x16xf32>,
      %get3A_887 = arith.constant 0 : i32
      %get3A_888 = arith.index_cast %get3A_887 : i32 to index
      %get3A_889 = arith.index_cast %scan3A_860 : i32 to index
      %get3A_890 = arith.constant 16 : index
      %get3A_891 = tpu.vector_load %arg8[%get3A_888, %get3A_889, %get3A_890] {strides = array<i32>} : memref<5x64x128xf32, #tpu.memory_space<vmem>>, vector<1x1x16xf32>,
      %get3A_892 = vector.shape_cast %get3A_891 : vector<1x1x16xf32> to vector<16xf32>
      %get3A_893 = arith.constant 0 : i32
      %get3A_894 = arith.index_cast %get3A_893 : i32 to index
      %get3A_895 = arith.index_cast %scan3A_860 : i32 to index
      %get3A_896 = arith.constant 16 : index
      %get3A_897 = tpu.vector_load %arg10[%get3A_894, %get3A_895, %get3A_896] {strides = array<i32>} : memref<5x64x128xf32, #tpu.memory_space<vmem>>, vector<1x1x16xf32>,
      %get3A_898 = vector.shape_cast %get3A_897 : vector<1x1x16xf32> to vector<16xf32>
      %mul3A_899 = arith.mulf %get3A_892, %get3A_898 : vector<16xf32>
      %get3A_900 = arith.constant 0 : i32
      %get3A_901 = arith.index_cast %get3A_900 : i32 to index
      %get3A_902 = arith.index_cast %scan3A_860 : i32 to index
      %get3A_903 = arith.constant 16 : index
      %get3A_904 = tpu.vector_load %arg9[%get3A_901, %get3A_902, %get3A_903] {strides = array<i32>} : memref<5x64x128xf32, #tpu.memory_space<vmem>>, vector<1x1x16xf32>,
      %get3A_905 = vector.shape_cast %get3A_904 : vector<1x1x16xf32> to vector<16xf32>
      %add3A_906 = arith.addf %mul3A_899, %get3A_905 : vector<16xf32>
      %swap3A_907 = arith.constant 0 : i32
      %swap3A_908 = arith.index_cast %swap3A_907 : i32 to index
      %swap3A_909 = arith.index_cast %scan3A_860 : i32 to index
      %swap3A_910 = arith.constant 16 : index
      %swap3A_911 = tpu.vector_load %arg10[%swap3A_908, %swap3A_909, %swap3A_910] {strides = array<i32>} : memref<5x64x128xf32, #tpu.memory_space<vmem>>, vector<1x1x16xf32>,
      %swap3A_912 = vector.shape_cast %swap3A_911 : vector<1x1x16xf32> to vector<16xf32>
      %swap3A_913 = vector.shape_cast %add3A_906 : vector<16xf32> to vector<1x1x16xf32>
      tpu.vector_store %arg10[%swap3A_908, %swap3A_909, %swap3A_910], %swap3A_913 {strides = array<i32>} : memref<5x64x128xf32, #tpu.memory_space<vmem>>, vector<1x1x16xf32>,
      %get3A_914 = arith.constant 0 : i32
      %get3A_915 = arith.index_cast %get3A_914 : i32 to index
      %get3A_916 = arith.index_cast %scan3A_860 : i32 to index
      %get3A_917 = arith.constant 32 : index
      %get3A_918 = tpu.vector_load %arg8[%get3A_915, %get3A_916, %get3A_917] {strides = array<i32>} : memref<5x64x128xf32, #tpu.memory_space<vmem>>, vector<1x1x16xf32>,
      %get3A_919 = vector.shape_cast %get3A_918 : vector<1x1x16xf32> to vector<16xf32>
      %get3A_920 = arith.constant 0 : i32
      %get3A_921 = arith.index_cast %get3A_920 : i32 to index
      %get3A_922 = arith.index_cast %scan3A_860 : i32 to index
      %get3A_923 = arith.constant 32 : index
      %get3A_924 = tpu.vector_load %arg10[%get3A_921, %get3A_922, %get3A_923] {strides = array<i32>} : memref<5x64x128xf32, #tpu.memory_space<vmem>>, vector<1x1x16xf32>,
      %get3A_925 = vector.shape_cast %get3A_924 : vector<1x1x16xf32> to vector<16xf32>
      %mul3A_926 = arith.mulf %get3A_919, %get3A_925 : vector<16xf32>
      %get3A_927 = arith.constant 0 : i32
      %get3A_928 = arith.index_cast %get3A_927 : i32 to index
      %get3A_929 = arith.index_cast %scan3A_860 : i32 to index
      %get3A_930 = arith.constant 32 : index
      %get3A_931 = tpu.vector_load %arg9[%get3A_928, %get3A_929, %get3A_930] {strides = array<i32>} : memref<5x64x128xf32, #tpu.memory_space<vmem>>, vector<1x1x16xf32>,
      %get3A_932 = vector.shape_cast %get3A_931 : vector<1x1x16xf32> to vector<16xf32>
      %add3A_933 = arith.addf %mul3A_926, %get3A_932 : vector<16xf32>
      %swap3A_934 = arith.constant 0 : i32
      %swap3A_935 = arith.index_cast %swap3A_934 : i32 to index
      %swap3A_936 = arith.index_cast %scan3A_860 : i32 to index
      %swap3A_937 = arith.constant 32 : index
      %swap3A_938 = tpu.vector_load %arg10[%swap3A_935, %swap3A_936, %swap3A_937] {strides = array<i32>} : memref<5x64x128xf32, #tpu.memory_space<vmem>>, vector<1x1x16xf32>,
      %swap3A_939 = vector.shape_cast %swap3A_938 : vector<1x1x16xf32> to vector<16xf32>
      %swap3A_940 = vector.shape_cast %add3A_933 : vector<16xf32> to vector<1x1x16xf32>
      tpu.vector_store %arg10[%swap3A_935, %swap3A_936, %swap3A_937], %swap3A_940 {strides = array<i32>} : memref<5x64x128xf32, #tpu.memory_space<vmem>>, vector<1x1x16xf32>,
      %get3A_941 = arith.constant 0 : i32
      %get3A_942 = arith.index_cast %get3A_941 : i32 to index
      %get3A_943 = arith.index_cast %scan3A_860 : i32 to index
      %get3A_944 = arith.constant 48 : index
      %get3A_945 = tpu.vector_load %arg8[%get3A_942, %get3A_943, %get3A_944] {strides = array<i32>} : memref<5x64x128xf32, #tpu.memory_space<vmem>>, vector<1x1x16xf32>,
      %get3A_946 = vector.shape_cast %get3A_945 : vector<1x1x16xf32> to vector<16xf32>
      %get3A_947 = arith.constant 0 : i32
      %get3A_948 = arith.index_cast %get3A_947 : i32 to index
      %get3A_949 = arith.index_cast %scan3A_860 : i32 to index
      %get3A_950 = arith.constant 48 : index
      %get3A_951 = tpu.vector_load %arg10[%get3A_948, %get3A_949, %get3A_950] {strides = array<i32>} : memref<5x64x128xf32, #tpu.memory_space<vmem>>, vector<1x1x16xf32>,
      %get3A_952 = vector.shape_cast %get3A_951 : vector<1x1x16xf32> to vector<16xf32>
      %mul3A_953 = arith.mulf %get3A_946, %get3A_952 : vector<16xf32>
      %get3A_954 = arith.constant 0 : i32
      %get3A_955 = arith.index_cast %get3A_954 : i32 to index
      %get3A_956 = arith.index_cast %scan3A_860 : i32 to index
      %get3A_957 = arith.constant 48 : index
      %get3A_958 = tpu.vector_load %arg9[%get3A_955, %get3A_956, %get3A_957] {strides = array<i32>} : memref<5x64x128xf32, #tpu.memory_space<vmem>>, vector<1x1x16xf32>,
      %get3A_959 = vector.shape_cast %get3A_958 : vector<1x1x16xf32> to vector<16xf32>
      %add3A_960 = arith.addf %mul3A_953, %get3A_959 : vector<16xf32>
      %swap3A_961 = arith.constant 0 : i32
      %swap3A_962 = arith.index_cast %swap3A_961 : i32 to index
      %swap3A_963 = arith.index_cast %scan3A_860 : i32 to index
      %swap3A_964 = arith.constant 48 : index
      %swap3A_965 = tpu.vector_load %arg10[%swap3A_962, %swap3A_963, %swap3A_964] {strides = array<i32>} : memref<5x64x128xf32, #tpu.memory_space<vmem>>, vector<1x1x16xf32>,
      %swap3A_966 = vector.shape_cast %swap3A_965 : vector<1x1x16xf32> to vector<16xf32>
      %swap3A_967 = vector.shape_cast %add3A_960 : vector<16xf32> to vector<1x1x16xf32>
      tpu.vector_store %arg10[%swap3A_962, %swap3A_963, %swap3A_964], %swap3A_967 {strides = array<i32>} : memref<5x64x128xf32, #tpu.memory_space<vmem>>, vector<1x1x16xf32>,
      %get3A_968 = arith.constant 0 : i32
      %get3A_969 = arith.index_cast %get3A_968 : i32 to index
      %get3A_970 = arith.index_cast %scan3A_860 : i32 to index
      %get3A_971 = arith.constant 64 : index
      %get3A_972 = tpu.vector_load %arg8[%get3A_969, %get3A_970, %get3A_971] {strides = array<i32>} : memref<5x64x128xf32, #tpu.memory_space<vmem>>, vector<1x1x16xf32>,
      %get3A_973 = vector.shape_cast %get3A_972 : vector<1x1x16xf32> to vector<16xf32>
      %get3A_974 = arith.constant 0 : i32
      %get3A_975 = arith.index_cast %get3A_974 : i32 to index
      %get3A_976 = arith.index_cast %scan3A_860 : i32 to index
      %get3A_977 = arith.constant 64 : index
      %get3A_978 = tpu.vector_load %arg10[%get3A_975, %get3A_976, %get3A_977] {strides = array<i32>} : memref<5x64x128xf32, #tpu.memory_space<vmem>>, vector<1x1x16xf32>,
      %get3A_979 = vector.shape_cast %get3A_978 : vector<1x1x16xf32> to vector<16xf32>
      %mul3A_980 = arith.mulf %get3A_973, %get3A_979 : vector<16xf32>
      %get3A_981 = arith.constant 0 : i32
      %get3A_982 = arith.index_cast %get3A_981 : i32 to index
      %get3A_983 = arith.index_cast %scan3A_860 : i32 to index
      %get3A_984 = arith.constant 64 : index
      %get3A_985 = tpu.vector_load %arg9[%get3A_982, %get3A_983, %get3A_984] {strides = array<i32>} : memref<5x64x128xf32, #tpu.memory_space<vmem>>, vector<1x1x16xf32>,
      %get3A_986 = vector.shape_cast %get3A_985 : vector<1x1x16xf32> to vector<16xf32>
      %add3A_987 = arith.addf %mul3A_980, %get3A_986 : vector<16xf32>
      %swap3A_988 = arith.constant 0 : i32
      %swap3A_989 = arith.index_cast %swap3A_988 : i32 to index
      %swap3A_990 = arith.index_cast %scan3A_860 : i32 to index
      %swap3A_991 = arith.constant 64 : index
      %swap3A_992 = tpu.vector_load %arg10[%swap3A_989, %swap3A_990, %swap3A_991] {strides = array<i32>} : memref<5x64x128xf32, #tpu.memory_space<vmem>>, vector<1x1x16xf32>,
      %swap3A_993 = vector.shape_cast %swap3A_992 : vector<1x1x16xf32> to vector<16xf32>
      %swap3A_994 = vector.shape_cast %add3A_987 : vector<16xf32> to vector<1x1x16xf32>
      tpu.vector_store %arg10[%swap3A_989, %swap3A_990, %swap3A_991], %swap3A_994 {strides = array<i32>} : memref<5x64x128xf32, #tpu.memory_space<vmem>>, vector<1x1x16xf32>,
      %get3A_995 = arith.constant 0 : i32
      %get3A_996 = arith.index_cast %get3A_995 : i32 to index
      %get3A_997 = arith.index_cast %scan3A_860 : i32 to index
      %get3A_998 = arith.constant 80 : index
      %get3A_999 = tpu.vector_load %arg8[%get3A_996, %get3A_997, %get3A_998] {strides = array<i32>} : memref<5x64x128xf32, #tpu.memory_space<vmem>>, vector<1x1x16xf32>,
      %get3A_1000 = vector.shape_cast %get3A_999 : vector<1x1x16xf32> to vector<16xf32>
      %get3A_1001 = arith.constant 0 : i32
      %get3A_1002 = arith.index_cast %get3A_1001 : i32 to index
      %get3A_1003 = arith.index_cast %scan3A_860 : i32 to index
      %get3A_1004 = arith.constant 80 : index
      %get3A_1005 = tpu.vector_load %arg10[%get3A_1002, %get3A_1003, %get3A_1004] {strides = array<i32>} : memref<5x64x128xf32, #tpu.memory_space<vmem>>, vector<1x1x16xf32>,
      %get3A_1006 = vector.shape_cast %get3A_1005 : vector<1x1x16xf32> to vector<16xf32>
      %mul3A_1007 = arith.mulf %get3A_1000, %get3A_1006 : vector<16xf32>
      %get3A_1008 = arith.constant 0 : i32
      %get3A_1009 = arith.index_cast %get3A_1008 : i32 to index
      %get3A_1010 = arith.index_cast %scan3A_860 : i32 to index
      %get3A_1011 = arith.constant 80 : index
      %get3A_1012 = tpu.vector_load %arg9[%get3A_1009, %get3A_1010, %get3A_1011] {strides = array<i32>} : memref<5x64x128xf32, #tpu.memory_space<vmem>>, vector<1x1x16xf32>,
      %get3A_1013 = vector.shape_cast %get3A_1012 : vector<1x1x16xf32> to vector<16xf32>
      %add3A_1014 = arith.addf %mul3A_1007, %get3A_1013 : vector<16xf32>
      %swap3A_1015 = arith.constant 0 : i32
      %swap3A_1016 = arith.index_cast %swap3A_1015 : i32 to index
      %swap3A_1017 = arith.index_cast %scan3A_860 : i32 to index
      %swap3A_1018 = arith.constant 80 : index
      %swap3A_1019 = tpu.vector_load %arg10[%swap3A_1016, %swap3A_1017, %swap3A_1018] {strides = array<i32>} : memref<5x64x128xf32, #tpu.memory_space<vmem>>, vector<1x1x16xf32>,
      %swap3A_1020 = vector.shape_cast %swap3A_1019 : vector<1x1x16xf32> to vector<16xf32>
      %swap3A_1021 = vector.shape_cast %add3A_1014 : vector<16xf32> to vector<1x1x16xf32>
      tpu.vector_store %arg10[%swap3A_1016, %swap3A_1017, %swap3A_1018], %swap3A_1021 {strides = array<i32>} : memref<5x64x128xf32, #tpu.memory_space<vmem>>, vector<1x1x16xf32>,
      %get3A_1022 = arith.constant 0 : i32
      %get3A_1023 = arith.index_cast %get3A_1022 : i32 to index
      %get3A_1024 = arith.index_cast %scan3A_860 : i32 to index
      %get3A_1025 = arith.constant 96 : index
      %get3A_1026 = tpu.vector_load %arg8[%get3A_1023, %get3A_1024, %get3A_1025] {strides = array<i32>} : memref<5x64x128xf32, #tpu.memory_space<vmem>>, vector<1x1x16xf32>,
      %get3A_1027 = vector.shape_cast %get3A_1026 : vector<1x1x16xf32> to vector<16xf32>
      %get3A_1028 = arith.constant 0 : i32
      %get3A_1029 = arith.index_cast %get3A_1028 : i32 to index
      %get3A_1030 = arith.index_cast %scan3A_860 : i32 to index
      %get3A_1031 = arith.constant 96 : index
      %get3A_1032 = tpu.vector_load %arg10[%get3A_1029, %get3A_1030, %get3A_1031] {strides = array<i32>} : memref<5x64x128xf32, #tpu.memory_space<vmem>>, vector<1x1x16xf32>,
      %get3A_1033 = vector.shape_cast %get3A_1032 : vector<1x1x16xf32> to vector<16xf32>
      %mul3A_1034 = arith.mulf %get3A_1027, %get3A_1033 : vector<16xf32>
      %get3A_1035 = arith.constant 0 : i32
      %get3A_1036 = arith.index_cast %get3A_1035 : i32 to index
      %get3A_1037 = arith.index_cast %scan3A_860 : i32 to index
      %get3A_1038 = arith.constant 96 : index
      %get3A_1039 = tpu.vector_load %arg9[%get3A_1036, %get3A_1037, %get3A_1038] {strides = array<i32>} : memref<5x64x128xf32, #tpu.memory_space<vmem>>, vector<1x1x16xf32>,
      %get3A_1040 = vector.shape_cast %get3A_1039 : vector<1x1x16xf32> to vector<16xf32>
      %add3A_1041 = arith.addf %mul3A_1034, %get3A_1040 : vector<16xf32>
      %swap3A_1042 = arith.constant 0 : i32
      %swap3A_1043 = arith.index_cast %swap3A_1042 : i32 to index
      %swap3A_1044 = arith.index_cast %scan3A_860 : i32 to index
      %swap3A_1045 = arith.constant 96 : index
      %swap3A_1046 = tpu.vector_load %arg10[%swap3A_1043, %swap3A_1044, %swap3A_1045] {strides = array<i32>} : memref<5x64x128xf32, #tpu.memory_space<vmem>>, vector<1x1x16xf32>,
      %swap3A_1047 = vector.shape_cast %swap3A_1046 : vector<1x1x16xf32> to vector<16xf32>
      %swap3A_1048 = vector.shape_cast %add3A_1041 : vector<16xf32> to vector<1x1x16xf32>
      tpu.vector_store %arg10[%swap3A_1043, %swap3A_1044, %swap3A_1045], %swap3A_1048 {strides = array<i32>} : memref<5x64x128xf32, #tpu.memory_space<vmem>>, vector<1x1x16xf32>,
      %get3A_1049 = arith.constant 0 : i32
      %get3A_1050 = arith.index_cast %get3A_1049 : i32 to index
      %get3A_1051 = arith.index_cast %scan3A_860 : i32 to index
      %get3A_1052 = arith.constant 112 : index
      %get3A_1053 = tpu.vector_load %arg8[%get3A_1050, %get3A_1051, %get3A_1052] {strides = array<i32>} : memref<5x64x128xf32, #tpu.memory_space<vmem>>, vector<1x1x16xf32>,
      %get3A_1054 = vector.shape_cast %get3A_1053 : vector<1x1x16xf32> to vector<16xf32>
      %get3A_1055 = arith.constant 0 : i32
      %get3A_1056 = arith.index_cast %get3A_1055 : i32 to index
      %get3A_1057 = arith.index_cast %scan3A_860 : i32 to index
      %get3A_1058 = arith.constant 112 : index
      %get3A_1059 = tpu.vector_load %arg10[%get3A_1056, %get3A_1057, %get3A_1058] {strides = array<i32>} : memref<5x64x128xf32, #tpu.memory_space<vmem>>, vector<1x1x16xf32>,
      %get3A_1060 = vector.shape_cast %get3A_1059 : vector<1x1x16xf32> to vector<16xf32>
      %mul3A_1061 = arith.mulf %get3A_1054, %get3A_1060 : vector<16xf32>
      %get3A_1062 = arith.constant 0 : i32
      %get3A_1063 = arith.index_cast %get3A_1062 : i32 to index
      %get3A_1064 = arith.index_cast %scan3A_860 : i32 to index
      %get3A_1065 = arith.constant 112 : index
      %get3A_1066 = tpu.vector_load %arg9[%get3A_1063, %get3A_1064, %get3A_1065] {strides = array<i32>} : memref<5x64x128xf32, #tpu.memory_space<vmem>>, vector<1x1x16xf32>,
      %get3A_1067 = vector.shape_cast %get3A_1066 : vector<1x1x16xf32> to vector<16xf32>
      %add3A_1068 = arith.addf %mul3A_1061, %get3A_1067 : vector<16xf32>
      %swap3A_1069 = arith.constant 0 : i32
      %swap3A_1070 = arith.index_cast %swap3A_1069 : i32 to index
      %swap3A_1071 = arith.index_cast %scan3A_860 : i32 to index
      %swap3A_1072 = arith.constant 112 : index
      %swap3A_1073 = tpu.vector_load %arg10[%swap3A_1070, %swap3A_1071, %swap3A_1072] {strides = array<i32>} : memref<5x64x128xf32, #tpu.memory_space<vmem>>, vector<1x1x16xf32>,
      %swap3A_1074 = vector.shape_cast %swap3A_1073 : vector<1x1x16xf32> to vector<16xf32>
      %swap3A_1075 = vector.shape_cast %add3A_1068 : vector<16xf32> to vector<1x1x16xf32>
      tpu.vector_store %arg10[%swap3A_1070, %swap3A_1071, %swap3A_1072], %swap3A_1075 {strides = array<i32>} : memref<5x64x128xf32, #tpu.memory_space<vmem>>, vector<1x1x16xf32>,
      %scan3A_1076 = arith.constant 0 : i32
      scf.yield %scan3A_1076 : i32
    }
    %scan3A_228 = arith.constant 64 : i32
    %mul3A_229 = arith.constant 512 : i32
    %mul3A_230 = arith.muli %add3A, %mul3A_229 : i32
    %add3A_231 = arith.constant 0 : i32
    %add3A_232 = arith.addi %mul3A_230, %add3A_231 : i32
    %dma_start3A_233 = arith.constant 0 : i32
    %dma_start3A_234 = arith.constant 0 : i32
    %dma_start3A_235 = arith.constant 0 : i32
    %dma_start3A_236 = tpu.memref_slice %arg10[%dma_start3A_233, %dma_start3A_234, %dma_start3A_235] : memref<5x64x128xf32, #tpu.memory_space<vmem>> -> memref<1x64x128xf32, #tpu.memory_space<vmem>>
    %dma_start3A_237 = tpu.memref_squeeze %dma_start3A_236 : memref<1x64x128xf32, #tpu.memory_space<vmem>> -> memref<64x128xf32, #tpu.memory_space<vmem>>
    %dma_start3A_238 = arith.constant 0 : i32
    %dma_start3A_239 = tpu.memref_slice %arg6[%add3A_232, %dma_start3A_238] : memref<16384x128xf32, #tpu.memory_space<hbm>> -> memref<64x128xf32, #tpu.memory_space<hbm>>
    %dma_start3A_240 = arith.constant 0 : i32
    %dma_start3A_241 = tpu.memref_slice %arg6[%add3A_232, %dma_start3A_240] : memref<16384x128xf32, #tpu.memory_space<hbm>> -> memref<64x128xf32, #tpu.memory_space<hbm>>
    %dma_start3A_242 = arith.constant 0 : i32
    %dma_start3A_243 = arith.constant 0 : i32
    %dma_start3A_244 = tpu.memref_slice %arg10[%dma_start3A_233, %dma_start3A_242, %dma_start3A_243] : memref<5x64x128xf32, #tpu.memory_space<vmem>> -> memref<1x64x128xf32, #tpu.memory_space<vmem>>
    %dma_start3A_245 = tpu.memref_squeeze %dma_start3A_244 : memref<1x64x128xf32, #tpu.memory_space<vmem>> -> memref<64x128xf32, #tpu.memory_space<vmem>>
    tpu.enqueue_dma source(%dma_start3A_245 : memref<64x128xf32, #tpu.memory_space<vmem>>) target(%dma_start3A_241 : memref<64x128xf32, #tpu.memory_space<hbm>>) target_semaphore(%arg26 : memref<!tpu.dma_semaphore, #tpu.memory_space<semaphore_mem>>)
    %dma_wait3A_246 = arith.constant 0 : i32
    %dma_wait3A_247 = arith.constant 0 : i32
    %dma_wait3A_248 = arith.constant 0 : i32
    %dma_wait3A_249 = tpu.memref_slice %arg10[%dma_wait3A_246, %dma_wait3A_247, %dma_wait3A_248] : memref<5x64x128xf32, #tpu.memory_space<vmem>> -> memref<1x64x128xf32, #tpu.memory_space<vmem>>
    %dma_wait3A_250 = tpu.memref_squeeze %dma_wait3A_249 : memref<1x64x128xf32, #tpu.memory_space<vmem>> -> memref<64x128xf32, #tpu.memory_space<vmem>>
    %dma_wait3A_251 = arith.constant 0 : i32
    %dma_wait3A_252 = tpu.memref_slice %arg6[%add3A_232, %dma_wait3A_251] : memref<16384x128xf32, #tpu.memory_space<hbm>> -> memref<64x128xf32, #tpu.memory_space<hbm>>
    %dma_wait3A_253 = arith.constant 0 : i32
    %dma_wait3A_254 = tpu.memref_slice %arg6[%add3A_232, %dma_wait3A_253] : memref<16384x128xf32, #tpu.memory_space<hbm>> -> memref<64x128xf32, #tpu.memory_space<hbm>>
    %dma_wait3A_255 = arith.constant 0 : i32
    %dma_wait3A_256 = arith.constant 0 : i32
    %dma_wait3A_257 = tpu.memref_slice %arg10[%dma_wait3A_246, %dma_wait3A_255, %dma_wait3A_256] : memref<5x64x128xf32, #tpu.memory_space<vmem>> -> memref<1x64x128xf32, #tpu.memory_space<vmem>>
    %dma_wait3A_258 = tpu.memref_squeeze %dma_wait3A_257 : memref<1x64x128xf32, #tpu.memory_space<vmem>> -> memref<64x128xf32, #tpu.memory_space<vmem>>
    tpu.wait_dma2 semaphore(%arg26 : memref<!tpu.dma_semaphore, #tpu.memory_space<semaphore_mem>>) src(%dma_wait3A_258 : memref<64x128xf32, #tpu.memory_space<vmem>>) dst(%dma_wait3A_254 : memref<64x128xf32, #tpu.memory_space<hbm>>)
    %dma_start3A_259 = arith.constant 0 : i32
    %dma_start3A_260 = arith.constant 0 : i32
    %dma_start3A_261 = arith.constant 0 : i32
    %dma_start3A_262 = tpu.memref_slice %arg8[%dma_start3A_259, %dma_start3A_260, %dma_start3A_261] : memref<5x64x128xf32, #tpu.memory_space<vmem>> -> memref<1x64x128xf32, #tpu.memory_space<vmem>>
    %dma_start3A_263 = tpu.memref_squeeze %dma_start3A_262 : memref<1x64x128xf32, #tpu.memory_space<vmem>> -> memref<64x128xf32, #tpu.memory_space<vmem>>
    %dma_start3A_264 = arith.constant 320 : i32
    %dma_start3A_265 = tpu.memref_slice %arg7[%dma_start3A_264] : memref<512xi32, #tpu.memory_space<vmem>> -> memref<64xi32, #tpu.memory_space<vmem>>
    %dma_start3A_266 = arith.constant 0 : i32
    %dma_start3A_267 = arith.constant 0 : i32
    %dma_start3A_268 = tpu.memref_slice %arg4[%dma_start3A_266, %dma_start3A_267] : memref<100000x128xf32, #tpu.memory_space<hbm>> -> memref<100000x128xf32, #tpu.memory_space<hbm>>
    tpu.enqueue_indirect_dma source(%dma_start3A_268 : memref<100000x128xf32, #tpu.memory_space<hbm>>) target(%dma_start3A_263 : memref<64x128xf32, #tpu.memory_space<vmem>>) offsets(%dma_start3A_265 : memref<64xi32, #tpu.memory_space<vmem>>) semaphore(%arg11 : memref<!tpu.dma_semaphore, #tpu.memory_space<semaphore_mem>>)
    %dma_start3A_269 = arith.constant 0 : i32
    %dma_start3A_270 = arith.constant 0 : i32
    %dma_start3A_271 = arith.constant 0 : i32
    %dma_start3A_272 = tpu.memref_slice %arg9[%dma_start3A_269, %dma_start3A_270, %dma_start3A_271] : memref<5x64x128xf32, #tpu.memory_space<vmem>> -> memref<1x64x128xf32, #tpu.memory_space<vmem>>
    %dma_start3A_273 = tpu.memref_squeeze %dma_start3A_272 : memref<1x64x128xf32, #tpu.memory_space<vmem>> -> memref<64x128xf32, #tpu.memory_space<vmem>>
    %dma_start3A_274 = arith.constant 320 : i32
    %dma_start3A_275 = tpu.memref_slice %arg7[%dma_start3A_274] : memref<512xi32, #tpu.memory_space<vmem>> -> memref<64xi32, #tpu.memory_space<vmem>>
    %dma_start3A_276 = arith.constant 0 : i32
    %dma_start3A_277 = arith.constant 0 : i32
    %dma_start3A_278 = tpu.memref_slice %arg5[%dma_start3A_276, %dma_start3A_277] : memref<100000x128xf32, #tpu.memory_space<hbm>> -> memref<100000x128xf32, #tpu.memory_space<hbm>>
    tpu.enqueue_indirect_dma source(%dma_start3A_278 : memref<100000x128xf32, #tpu.memory_space<hbm>>) target(%dma_start3A_273 : memref<64x128xf32, #tpu.memory_space<vmem>>) offsets(%dma_start3A_275 : memref<64xi32, #tpu.memory_space<vmem>>) semaphore(%arg16 : memref<!tpu.dma_semaphore, #tpu.memory_space<semaphore_mem>>)
    %mul3A_279 = arith.constant 512 : i32
    %mul3A_280 = arith.muli %add3A, %mul3A_279 : i32
    %add3A_281 = arith.constant 320 : i32
    %add3A_282 = arith.addi %mul3A_280, %add3A_281 : i32
    %dma_start3A_283 = arith.constant 0 : i32
    %dma_start3A_284 = arith.constant 0 : i32
    %dma_start3A_285 = arith.constant 0 : i32
    %dma_start3A_286 = tpu.memref_slice %arg10[%dma_start3A_283, %dma_start3A_284, %dma_start3A_285] : memref<5x64x128xf32, #tpu.memory_space<vmem>> -> memref<1x64x128xf32, #tpu.memory_space<vmem>>
    %dma_start3A_287 = tpu.memref_squeeze %dma_start3A_286 : memref<1x64x128xf32, #tpu.memory_space<vmem>> -> memref<64x128xf32, #tpu.memory_space<vmem>>
    %dma_start3A_288 = arith.constant 0 : i32
    %dma_start3A_289 = tpu.memref_slice %arg2[%add3A_282, %dma_start3A_288] : memref<16384x128xf32, #tpu.memory_space<hbm>> -> memref<64x128xf32, #tpu.memory_space<hbm>>
    %dma_start3A_290 = arith.constant 0 : i32
    %dma_start3A_291 = arith.constant 0 : i32
    %dma_start3A_292 = tpu.memref_slice %arg10[%dma_start3A_283, %dma_start3A_290, %dma_start3A_291] : memref<5x64x128xf32, #tpu.memory_space<vmem>> -> memref<1x64x128xf32, #tpu.memory_space<vmem>>
    %dma_start3A_293 = tpu.memref_squeeze %dma_start3A_292 : memref<1x64x128xf32, #tpu.memory_space<vmem>> -> memref<64x128xf32, #tpu.memory_space<vmem>>
    %dma_start3A_294 = arith.constant 0 : i32
    %dma_start3A_295 = tpu.memref_slice %arg2[%add3A_282, %dma_start3A_294] : memref<16384x128xf32, #tpu.memory_space<hbm>> -> memref<64x128xf32, #tpu.memory_space<hbm>>
    tpu.enqueue_dma source(%dma_start3A_295 : memref<64x128xf32, #tpu.memory_space<hbm>>) target(%dma_start3A_293 : memref<64x128xf32, #tpu.memory_space<vmem>>) target_semaphore(%arg21 : memref<!tpu.dma_semaphore, #tpu.memory_space<semaphore_mem>>)
    %dma_wait3A_296 = arith.constant 1 : i32
    %dma_wait3A_297 = arith.constant 0 : i32
    %dma_wait3A_298 = arith.constant 0 : i32
    %dma_wait3A_299 = tpu.memref_slice %arg8[%dma_wait3A_296, %dma_wait3A_297, %dma_wait3A_298] : memref<5x64x128xf32, #tpu.memory_space<vmem>> -> memref<1x64x128xf32, #tpu.memory_space<vmem>>
    %dma_wait3A_300 = tpu.memref_squeeze %dma_wait3A_299 : memref<1x64x128xf32, #tpu.memory_space<vmem>> -> memref<64x128xf32, #tpu.memory_space<vmem>>
    %dma_wait3A_301 = arith.constant 64 : i32
    %dma_wait3A_302 = tpu.memref_slice %arg7[%dma_wait3A_301] : memref<512xi32, #tpu.memory_space<vmem>> -> memref<64xi32, #tpu.memory_space<vmem>>
    %dma_wait3A_303 = arith.constant 0 : i32
    %dma_wait3A_304 = arith.constant 0 : i32
    %dma_wait3A_305 = tpu.memref_slice %arg4[%dma_wait3A_303, %dma_wait3A_304] : memref<100000x128xf32, #tpu.memory_space<hbm>> -> memref<100000x128xf32, #tpu.memory_space<hbm>>
    tpu.wait_indirect_dma semaphore(%arg12 : memref<!tpu.dma_semaphore, #tpu.memory_space<semaphore_mem>>) src(%dma_wait3A_305 : memref<100000x128xf32, #tpu.memory_space<hbm>>) dst(%dma_wait3A_300 : memref<64x128xf32, #tpu.memory_space<vmem>>)
    %dma_wait3A_306 = arith.constant 1 : i32
    %dma_wait3A_307 = arith.constant 0 : i32
    %dma_wait3A_308 = arith.constant 0 : i32
    %dma_wait3A_309 = tpu.memref_slice %arg9[%dma_wait3A_306, %dma_wait3A_307, %dma_wait3A_308] : memref<5x64x128xf32, #tpu.memory_space<vmem>> -> memref<1x64x128xf32, #tpu.memory_space<vmem>>
    %dma_wait3A_310 = tpu.memref_squeeze %dma_wait3A_309 : memref<1x64x128xf32, #tpu.memory_space<vmem>> -> memref<64x128xf32, #tpu.memory_space<vmem>>
    %dma_wait3A_311 = arith.constant 64 : i32
    %dma_wait3A_312 = tpu.memref_slice %arg7[%dma_wait3A_311] : memref<512xi32, #tpu.memory_space<vmem>> -> memref<64xi32, #tpu.memory_space<vmem>>
    %dma_wait3A_313 = arith.constant 0 : i32
    %dma_wait3A_314 = arith.constant 0 : i32
    %dma_wait3A_315 = tpu.memref_slice %arg5[%dma_wait3A_313, %dma_wait3A_314] : memref<100000x128xf32, #tpu.memory_space<hbm>> -> memref<100000x128xf32, #tpu.memory_space<hbm>>
    tpu.wait_indirect_dma semaphore(%arg17 : memref<!tpu.dma_semaphore, #tpu.memory_space<semaphore_mem>>) src(%dma_wait3A_315 : memref<100000x128xf32, #tpu.memory_space<hbm>>) dst(%dma_wait3A_310 : memref<64x128xf32, #tpu.memory_space<vmem>>)
    %dma_wait3A_316 = arith.constant 1 : i32
    %dma_wait3A_317 = arith.constant 0 : i32
    %dma_wait3A_318 = arith.constant 0 : i32
    %dma_wait3A_319 = tpu.memref_slice %arg10[%dma_wait3A_316, %dma_wait3A_317, %dma_wait3A_318] : memref<5x64x128xf32, #tpu.memory_space<vmem>> -> memref<1x64x128xf32, #tpu.memory_space<vmem>>
    %dma_wait3A_320 = tpu.memref_squeeze %dma_wait3A_319 : memref<1x64x128xf32, #tpu.memory_space<vmem>> -> memref<64x128xf32, #tpu.memory_space<vmem>>
    %dma_wait3A_321 = arith.constant 0 : i32
    %dma_wait3A_322 = tpu.memref_slice %arg2[%add3A_20, %dma_wait3A_321] : memref<16384x128xf32, #tpu.memory_space<hbm>> -> memref<64x128xf32, #tpu.memory_space<hbm>>
    %dma_wait3A_323 = arith.constant 0 : i32
    %dma_wait3A_324 = arith.constant 0 : i32
    %dma_wait3A_325 = tpu.memref_slice %arg10[%dma_wait3A_316, %dma_wait3A_323, %dma_wait3A_324] : memref<5x64x128xf32, #tpu.memory_space<vmem>> -> memref<1x64x128xf32, #tpu.memory_space<vmem>>
    %dma_wait3A_326 = tpu.memref_squeeze %dma_wait3A_325 : memref<1x64x128xf32, #tpu.memory_space<vmem>> -> memref<64x128xf32, #tpu.memory_space<vmem>>
    %dma_wait3A_327 = arith.constant 0 : i32
    %dma_wait3A_328 = tpu.memref_slice %arg2[%add3A_20, %dma_wait3A_327] : memref<16384x128xf32, #tpu.memory_space<hbm>> -> memref<64x128xf32, #tpu.memory_space<hbm>>
    tpu.wait_dma2 semaphore(%arg22 : memref<!tpu.dma_semaphore, #tpu.memory_space<semaphore_mem>>) src(%dma_wait3A_328 : memref<64x128xf32, #tpu.memory_space<hbm>>) dst(%dma_wait3A_326 : memref<64x128xf32, #tpu.memory_space<vmem>>)
    %scan3A_329 = arith.constant 0 : i32
    %scan3A_330 = arith.constant 0 : i32
    %scan3A_331 = arith.constant 64 : i32
    %scan3A_332 = arith.addi %scan3A_330, %scan3A_331 : i32
    %scan3A_333 = arith.constant 1 : i32
    %scan3A_334 = scf.for %scan3A_860 = %scan3A_330 to %scan3A_332 step %scan3A_333 iter_args(%scan3A_861 = %scan3A_329) -> (i32)  : i32 {
      %get3A = arith.constant 1 : i32
      %get3A_862 = arith.index_cast %get3A : i32 to index
      %get3A_863 = arith.index_cast %scan3A_860 : i32 to index
      %get3A_864 = arith.constant 0 : index
      %get3A_865 = tpu.vector_load %arg8[%get3A_862, %get3A_863, %get3A_864] {strides = array<i32>} : memref<5x64x128xf32, #tpu.memory_space<vmem>>, vector<1x1x16xf32>,
      %get3A_866 = vector.shape_cast %get3A_865 : vector<1x1x16xf32> to vector<16xf32>
      %get3A_867 = arith.constant 1 : i32
      %get3A_868 = arith.index_cast %get3A_867 : i32 to index
      %get3A_869 = arith.index_cast %scan3A_860 : i32 to index
      %get3A_870 = arith.constant 0 : index
      %get3A_871 = tpu.vector_load %arg10[%get3A_868, %get3A_869, %get3A_870] {strides = array<i32>} : memref<5x64x128xf32, #tpu.memory_space<vmem>>, vector<1x1x16xf32>,
      %get3A_872 = vector.shape_cast %get3A_871 : vector<1x1x16xf32> to vector<16xf32>
      %mul3A_873 = arith.mulf %get3A_866, %get3A_872 : vector<16xf32>
      %get3A_874 = arith.constant 1 : i32
      %get3A_875 = arith.index_cast %get3A_874 : i32 to index
      %get3A_876 = arith.index_cast %scan3A_860 : i32 to index
      %get3A_877 = arith.constant 0 : index
      %get3A_878 = tpu.vector_load %arg9[%get3A_875, %get3A_876, %get3A_877] {strides = array<i32>} : memref<5x64x128xf32, #tpu.memory_space<vmem>>, vector<1x1x16xf32>,
      %get3A_879 = vector.shape_cast %get3A_878 : vector<1x1x16xf32> to vector<16xf32>
      %add3A_880 = arith.addf %mul3A_873, %get3A_879 : vector<16xf32>
      %swap3A = arith.constant 1 : i32
      %swap3A_881 = arith.index_cast %swap3A : i32 to index
      %swap3A_882 = arith.index_cast %scan3A_860 : i32 to index
      %swap3A_883 = arith.constant 0 : index
      %swap3A_884 = tpu.vector_load %arg10[%swap3A_881, %swap3A_882, %swap3A_883] {strides = array<i32>} : memref<5x64x128xf32, #tpu.memory_space<vmem>>, vector<1x1x16xf32>,
      %swap3A_885 = vector.shape_cast %swap3A_884 : vector<1x1x16xf32> to vector<16xf32>
      %swap3A_886 = vector.shape_cast %add3A_880 : vector<16xf32> to vector<1x1x16xf32>
      tpu.vector_store %arg10[%swap3A_881, %swap3A_882, %swap3A_883], %swap3A_886 {strides = array<i32>} : memref<5x64x128xf32, #tpu.memory_space<vmem>>, vector<1x1x16xf32>,
      %get3A_887 = arith.constant 1 : i32
      %get3A_888 = arith.index_cast %get3A_887 : i32 to index
      %get3A_889 = arith.index_cast %scan3A_860 : i32 to index
      %get3A_890 = arith.constant 16 : index
      %get3A_891 = tpu.vector_load %arg8[%get3A_888, %get3A_889, %get3A_890] {strides = array<i32>} : memref<5x64x128xf32, #tpu.memory_space<vmem>>, vector<1x1x16xf32>,
      %get3A_892 = vector.shape_cast %get3A_891 : vector<1x1x16xf32> to vector<16xf32>
      %get3A_893 = arith.constant 1 : i32
      %get3A_894 = arith.index_cast %get3A_893 : i32 to index
      %get3A_895 = arith.index_cast %scan3A_860 : i32 to index
      %get3A_896 = arith.constant 16 : index
      %get3A_897 = tpu.vector_load %arg10[%get3A_894, %get3A_895, %get3A_896] {strides = array<i32>} : memref<5x64x128xf32, #tpu.memory_space<vmem>>, vector<1x1x16xf32>,
      %get3A_898 = vector.shape_cast %get3A_897 : vector<1x1x16xf32> to vector<16xf32>
      %mul3A_899 = arith.mulf %get3A_892, %get3A_898 : vector<16xf32>
      %get3A_900 = arith.constant 1 : i32
      %get3A_901 = arith.index_cast %get3A_900 : i32 to index
      %get3A_902 = arith.index_cast %scan3A_860 : i32 to index
      %get3A_903 = arith.constant 16 : index
      %get3A_904 = tpu.vector_load %arg9[%get3A_901, %get3A_902, %get3A_903] {strides = array<i32>} : memref<5x64x128xf32, #tpu.memory_space<vmem>>, vector<1x1x16xf32>,
      %get3A_905 = vector.shape_cast %get3A_904 : vector<1x1x16xf32> to vector<16xf32>
      %add3A_906 = arith.addf %mul3A_899, %get3A_905 : vector<16xf32>
      %swap3A_907 = arith.constant 1 : i32
      %swap3A_908 = arith.index_cast %swap3A_907 : i32 to index
      %swap3A_909 = arith.index_cast %scan3A_860 : i32 to index
      %swap3A_910 = arith.constant 16 : index
      %swap3A_911 = tpu.vector_load %arg10[%swap3A_908, %swap3A_909, %swap3A_910] {strides = array<i32>} : memref<5x64x128xf32, #tpu.memory_space<vmem>>, vector<1x1x16xf32>,
      %swap3A_912 = vector.shape_cast %swap3A_911 : vector<1x1x16xf32> to vector<16xf32>
      %swap3A_913 = vector.shape_cast %add3A_906 : vector<16xf32> to vector<1x1x16xf32>
      tpu.vector_store %arg10[%swap3A_908, %swap3A_909, %swap3A_910], %swap3A_913 {strides = array<i32>} : memref<5x64x128xf32, #tpu.memory_space<vmem>>, vector<1x1x16xf32>,
      %get3A_914 = arith.constant 1 : i32
      %get3A_915 = arith.index_cast %get3A_914 : i32 to index
      %get3A_916 = arith.index_cast %scan3A_860 : i32 to index
      %get3A_917 = arith.constant 32 : index
      %get3A_918 = tpu.vector_load %arg8[%get3A_915, %get3A_916, %get3A_917] {strides = array<i32>} : memref<5x64x128xf32, #tpu.memory_space<vmem>>, vector<1x1x16xf32>,
      %get3A_919 = vector.shape_cast %get3A_918 : vector<1x1x16xf32> to vector<16xf32>
      %get3A_920 = arith.constant 1 : i32
      %get3A_921 = arith.index_cast %get3A_920 : i32 to index
      %get3A_922 = arith.index_cast %scan3A_860 : i32 to index
      %get3A_923 = arith.constant 32 : index
      %get3A_924 = tpu.vector_load %arg10[%get3A_921, %get3A_922, %get3A_923] {strides = array<i32>} : memref<5x64x128xf32, #tpu.memory_space<vmem>>, vector<1x1x16xf32>,
      %get3A_925 = vector.shape_cast %get3A_924 : vector<1x1x16xf32> to vector<16xf32>
      %mul3A_926 = arith.mulf %get3A_919, %get3A_925 : vector<16xf32>
      %get3A_927 = arith.constant 1 : i32
      %get3A_928 = arith.index_cast %get3A_927 : i32 to index
      %get3A_929 = arith.index_cast %scan3A_860 : i32 to index
      %get3A_930 = arith.constant 32 : index
      %get3A_931 = tpu.vector_load %arg9[%get3A_928, %get3A_929, %get3A_930] {strides = array<i32>} : memref<5x64x128xf32, #tpu.memory_space<vmem>>, vector<1x1x16xf32>,
      %get3A_932 = vector.shape_cast %get3A_931 : vector<1x1x16xf32> to vector<16xf32>
      %add3A_933 = arith.addf %mul3A_926, %get3A_932 : vector<16xf32>
      %swap3A_934 = arith.constant 1 : i32
      %swap3A_935 = arith.index_cast %swap3A_934 : i32 to index
      %swap3A_936 = arith.index_cast %scan3A_860 : i32 to index
      %swap3A_937 = arith.constant 32 : index
      %swap3A_938 = tpu.vector_load %arg10[%swap3A_935, %swap3A_936, %swap3A_937] {strides = array<i32>} : memref<5x64x128xf32, #tpu.memory_space<vmem>>, vector<1x1x16xf32>,
      %swap3A_939 = vector.shape_cast %swap3A_938 : vector<1x1x16xf32> to vector<16xf32>
      %swap3A_940 = vector.shape_cast %add3A_933 : vector<16xf32> to vector<1x1x16xf32>
      tpu.vector_store %arg10[%swap3A_935, %swap3A_936, %swap3A_937], %swap3A_940 {strides = array<i32>} : memref<5x64x128xf32, #tpu.memory_space<vmem>>, vector<1x1x16xf32>,
      %get3A_941 = arith.constant 1 : i32
      %get3A_942 = arith.index_cast %get3A_941 : i32 to index
      %get3A_943 = arith.index_cast %scan3A_860 : i32 to index
      %get3A_944 = arith.constant 48 : index
      %get3A_945 = tpu.vector_load %arg8[%get3A_942, %get3A_943, %get3A_944] {strides = array<i32>} : memref<5x64x128xf32, #tpu.memory_space<vmem>>, vector<1x1x16xf32>,
      %get3A_946 = vector.shape_cast %get3A_945 : vector<1x1x16xf32> to vector<16xf32>
      %get3A_947 = arith.constant 1 : i32
      %get3A_948 = arith.index_cast %get3A_947 : i32 to index
      %get3A_949 = arith.index_cast %scan3A_860 : i32 to index
      %get3A_950 = arith.constant 48 : index
      %get3A_951 = tpu.vector_load %arg10[%get3A_948, %get3A_949, %get3A_950] {strides = array<i32>} : memref<5x64x128xf32, #tpu.memory_space<vmem>>, vector<1x1x16xf32>,
      %get3A_952 = vector.shape_cast %get3A_951 : vector<1x1x16xf32> to vector<16xf32>
      %mul3A_953 = arith.mulf %get3A_946, %get3A_952 : vector<16xf32>
      %get3A_954 = arith.constant 1 : i32
      %get3A_955 = arith.index_cast %get3A_954 : i32 to index
      %get3A_956 = arith.index_cast %scan3A_860 : i32 to index
      %get3A_957 = arith.constant 48 : index
      %get3A_958 = tpu.vector_load %arg9[%get3A_955, %get3A_956, %get3A_957] {strides = array<i32>} : memref<5x64x128xf32, #tpu.memory_space<vmem>>, vector<1x1x16xf32>,
      %get3A_959 = vector.shape_cast %get3A_958 : vector<1x1x16xf32> to vector<16xf32>
      %add3A_960 = arith.addf %mul3A_953, %get3A_959 : vector<16xf32>
      %swap3A_961 = arith.constant 1 : i32
      %swap3A_962 = arith.index_cast %swap3A_961 : i32 to index
      %swap3A_963 = arith.index_cast %scan3A_860 : i32 to index
      %swap3A_964 = arith.constant 48 : index
      %swap3A_965 = tpu.vector_load %arg10[%swap3A_962, %swap3A_963, %swap3A_964] {strides = array<i32>} : memref<5x64x128xf32, #tpu.memory_space<vmem>>, vector<1x1x16xf32>,
      %swap3A_966 = vector.shape_cast %swap3A_965 : vector<1x1x16xf32> to vector<16xf32>
      %swap3A_967 = vector.shape_cast %add3A_960 : vector<16xf32> to vector<1x1x16xf32>
      tpu.vector_store %arg10[%swap3A_962, %swap3A_963, %swap3A_964], %swap3A_967 {strides = array<i32>} : memref<5x64x128xf32, #tpu.memory_space<vmem>>, vector<1x1x16xf32>,
      %get3A_968 = arith.constant 1 : i32
      %get3A_969 = arith.index_cast %get3A_968 : i32 to index
      %get3A_970 = arith.index_cast %scan3A_860 : i32 to index
      %get3A_971 = arith.constant 64 : index
      %get3A_972 = tpu.vector_load %arg8[%get3A_969, %get3A_970, %get3A_971] {strides = array<i32>} : memref<5x64x128xf32, #tpu.memory_space<vmem>>, vector<1x1x16xf32>,
      %get3A_973 = vector.shape_cast %get3A_972 : vector<1x1x16xf32> to vector<16xf32>
      %get3A_974 = arith.constant 1 : i32
      %get3A_975 = arith.index_cast %get3A_974 : i32 to index
      %get3A_976 = arith.index_cast %scan3A_860 : i32 to index
      %get3A_977 = arith.constant 64 : index
      %get3A_978 = tpu.vector_load %arg10[%get3A_975, %get3A_976, %get3A_977] {strides = array<i32>} : memref<5x64x128xf32, #tpu.memory_space<vmem>>, vector<1x1x16xf32>,
      %get3A_979 = vector.shape_cast %get3A_978 : vector<1x1x16xf32> to vector<16xf32>
      %mul3A_980 = arith.mulf %get3A_973, %get3A_979 : vector<16xf32>
      %get3A_981 = arith.constant 1 : i32
      %get3A_982 = arith.index_cast %get3A_981 : i32 to index
      %get3A_983 = arith.index_cast %scan3A_860 : i32 to index
      %get3A_984 = arith.constant 64 : index
      %get3A_985 = tpu.vector_load %arg9[%get3A_982, %get3A_983, %get3A_984] {strides = array<i32>} : memref<5x64x128xf32, #tpu.memory_space<vmem>>, vector<1x1x16xf32>,
      %get3A_986 = vector.shape_cast %get3A_985 : vector<1x1x16xf32> to vector<16xf32>
      %add3A_987 = arith.addf %mul3A_980, %get3A_986 : vector<16xf32>
      %swap3A_988 = arith.constant 1 : i32
      %swap3A_989 = arith.index_cast %swap3A_988 : i32 to index
      %swap3A_990 = arith.index_cast %scan3A_860 : i32 to index
      %swap3A_991 = arith.constant 64 : index
      %swap3A_992 = tpu.vector_load %arg10[%swap3A_989, %swap3A_990, %swap3A_991] {strides = array<i32>} : memref<5x64x128xf32, #tpu.memory_space<vmem>>, vector<1x1x16xf32>,
      %swap3A_993 = vector.shape_cast %swap3A_992 : vector<1x1x16xf32> to vector<16xf32>
      %swap3A_994 = vector.shape_cast %add3A_987 : vector<16xf32> to vector<1x1x16xf32>
      tpu.vector_store %arg10[%swap3A_989, %swap3A_990, %swap3A_991], %swap3A_994 {strides = array<i32>} : memref<5x64x128xf32, #tpu.memory_space<vmem>>, vector<1x1x16xf32>,
      %get3A_995 = arith.constant 1 : i32
      %get3A_996 = arith.index_cast %get3A_995 : i32 to index
      %get3A_997 = arith.index_cast %scan3A_860 : i32 to index
      %get3A_998 = arith.constant 80 : index
      %get3A_999 = tpu.vector_load %arg8[%get3A_996, %get3A_997, %get3A_998] {strides = array<i32>} : memref<5x64x128xf32, #tpu.memory_space<vmem>>, vector<1x1x16xf32>,
      %get3A_1000 = vector.shape_cast %get3A_999 : vector<1x1x16xf32> to vector<16xf32>
      %get3A_1001 = arith.constant 1 : i32
      %get3A_1002 = arith.index_cast %get3A_1001 : i32 to index
      %get3A_1003 = arith.index_cast %scan3A_860 : i32 to index
      %get3A_1004 = arith.constant 80 : index
      %get3A_1005 = tpu.vector_load %arg10[%get3A_1002, %get3A_1003, %get3A_1004] {strides = array<i32>} : memref<5x64x128xf32, #tpu.memory_space<vmem>>, vector<1x1x16xf32>,
      %get3A_1006 = vector.shape_cast %get3A_1005 : vector<1x1x16xf32> to vector<16xf32>
      %mul3A_1007 = arith.mulf %get3A_1000, %get3A_1006 : vector<16xf32>
      %get3A_1008 = arith.constant 1 : i32
      %get3A_1009 = arith.index_cast %get3A_1008 : i32 to index
      %get3A_1010 = arith.index_cast %scan3A_860 : i32 to index
      %get3A_1011 = arith.constant 80 : index
      %get3A_1012 = tpu.vector_load %arg9[%get3A_1009, %get3A_1010, %get3A_1011] {strides = array<i32>} : memref<5x64x128xf32, #tpu.memory_space<vmem>>, vector<1x1x16xf32>,
      %get3A_1013 = vector.shape_cast %get3A_1012 : vector<1x1x16xf32> to vector<16xf32>
      %add3A_1014 = arith.addf %mul3A_1007, %get3A_1013 : vector<16xf32>
      %swap3A_1015 = arith.constant 1 : i32
      %swap3A_1016 = arith.index_cast %swap3A_1015 : i32 to index
      %swap3A_1017 = arith.index_cast %scan3A_860 : i32 to index
      %swap3A_1018 = arith.constant 80 : index
      %swap3A_1019 = tpu.vector_load %arg10[%swap3A_1016, %swap3A_1017, %swap3A_1018] {strides = array<i32>} : memref<5x64x128xf32, #tpu.memory_space<vmem>>, vector<1x1x16xf32>,
      %swap3A_1020 = vector.shape_cast %swap3A_1019 : vector<1x1x16xf32> to vector<16xf32>
      %swap3A_1021 = vector.shape_cast %add3A_1014 : vector<16xf32> to vector<1x1x16xf32>
      tpu.vector_store %arg10[%swap3A_1016, %swap3A_1017, %swap3A_1018], %swap3A_1021 {strides = array<i32>} : memref<5x64x128xf32, #tpu.memory_space<vmem>>, vector<1x1x16xf32>,
      %get3A_1022 = arith.constant 1 : i32
      %get3A_1023 = arith.index_cast %get3A_1022 : i32 to index
      %get3A_1024 = arith.index_cast %scan3A_860 : i32 to index
      %get3A_1025 = arith.constant 96 : index
      %get3A_1026 = tpu.vector_load %arg8[%get3A_1023, %get3A_1024, %get3A_1025] {strides = array<i32>} : memref<5x64x128xf32, #tpu.memory_space<vmem>>, vector<1x1x16xf32>,
      %get3A_1027 = vector.shape_cast %get3A_1026 : vector<1x1x16xf32> to vector<16xf32>
      %get3A_1028 = arith.constant 1 : i32
      %get3A_1029 = arith.index_cast %get3A_1028 : i32 to index
      %get3A_1030 = arith.index_cast %scan3A_860 : i32 to index
      %get3A_1031 = arith.constant 96 : index
      %get3A_1032 = tpu.vector_load %arg10[%get3A_1029, %get3A_1030, %get3A_1031] {strides = array<i32>} : memref<5x64x128xf32, #tpu.memory_space<vmem>>, vector<1x1x16xf32>,
      %get3A_1033 = vector.shape_cast %get3A_1032 : vector<1x1x16xf32> to vector<16xf32>
      %mul3A_1034 = arith.mulf %get3A_1027, %get3A_1033 : vector<16xf32>
      %get3A_1035 = arith.constant 1 : i32
      %get3A_1036 = arith.index_cast %get3A_1035 : i32 to index
      %get3A_1037 = arith.index_cast %scan3A_860 : i32 to index
      %get3A_1038 = arith.constant 96 : index
      %get3A_1039 = tpu.vector_load %arg9[%get3A_1036, %get3A_1037, %get3A_1038] {strides = array<i32>} : memref<5x64x128xf32, #tpu.memory_space<vmem>>, vector<1x1x16xf32>,
      %get3A_1040 = vector.shape_cast %get3A_1039 : vector<1x1x16xf32> to vector<16xf32>
      %add3A_1041 = arith.addf %mul3A_1034, %get3A_1040 : vector<16xf32>
      %swap3A_1042 = arith.constant 1 : i32
      %swap3A_1043 = arith.index_cast %swap3A_1042 : i32 to index
      %swap3A_1044 = arith.index_cast %scan3A_860 : i32 to index
      %swap3A_1045 = arith.constant 96 : index
      %swap3A_1046 = tpu.vector_load %arg10[%swap3A_1043, %swap3A_1044, %swap3A_1045] {strides = array<i32>} : memref<5x64x128xf32, #tpu.memory_space<vmem>>, vector<1x1x16xf32>,
      %swap3A_1047 = vector.shape_cast %swap3A_1046 : vector<1x1x16xf32> to vector<16xf32>
      %swap3A_1048 = vector.shape_cast %add3A_1041 : vector<16xf32> to vector<1x1x16xf32>
      tpu.vector_store %arg10[%swap3A_1043, %swap3A_1044, %swap3A_1045], %swap3A_1048 {strides = array<i32>} : memref<5x64x128xf32, #tpu.memory_space<vmem>>, vector<1x1x16xf32>,
      %get3A_1049 = arith.constant 1 : i32
      %get3A_1050 = arith.index_cast %get3A_1049 : i32 to index
      %get3A_1051 = arith.index_cast %scan3A_860 : i32 to index
      %get3A_1052 = arith.constant 112 : index
      %get3A_1053 = tpu.vector_load %arg8[%get3A_1050, %get3A_1051, %get3A_1052] {strides = array<i32>} : memref<5x64x128xf32, #tpu.memory_space<vmem>>, vector<1x1x16xf32>,
      %get3A_1054 = vector.shape_cast %get3A_1053 : vector<1x1x16xf32> to vector<16xf32>
      %get3A_1055 = arith.constant 1 : i32
      %get3A_1056 = arith.index_cast %get3A_1055 : i32 to index
      %get3A_1057 = arith.index_cast %scan3A_860 : i32 to index
      %get3A_1058 = arith.constant 112 : index
      %get3A_1059 = tpu.vector_load %arg10[%get3A_1056, %get3A_1057, %get3A_1058] {strides = array<i32>} : memref<5x64x128xf32, #tpu.memory_space<vmem>>, vector<1x1x16xf32>,
      %get3A_1060 = vector.shape_cast %get3A_1059 : vector<1x1x16xf32> to vector<16xf32>
      %mul3A_1061 = arith.mulf %get3A_1054, %get3A_1060 : vector<16xf32>
      %get3A_1062 = arith.constant 1 : i32
      %get3A_1063 = arith.index_cast %get3A_1062 : i32 to index
      %get3A_1064 = arith.index_cast %scan3A_860 : i32 to index
      %get3A_1065 = arith.constant 112 : index
      %get3A_1066 = tpu.vector_load %arg9[%get3A_1063, %get3A_1064, %get3A_1065] {strides = array<i32>} : memref<5x64x128xf32, #tpu.memory_space<vmem>>, vector<1x1x16xf32>,
      %get3A_1067 = vector.shape_cast %get3A_1066 : vector<1x1x16xf32> to vector<16xf32>
      %add3A_1068 = arith.addf %mul3A_1061, %get3A_1067 : vector<16xf32>
      %swap3A_1069 = arith.constant 1 : i32
      %swap3A_1070 = arith.index_cast %swap3A_1069 : i32 to index
      %swap3A_1071 = arith.index_cast %scan3A_860 : i32 to index
      %swap3A_1072 = arith.constant 112 : index
      %swap3A_1073 = tpu.vector_load %arg10[%swap3A_1070, %swap3A_1071, %swap3A_1072] {strides = array<i32>} : memref<5x64x128xf32, #tpu.memory_space<vmem>>, vector<1x1x16xf32>,
      %swap3A_1074 = vector.shape_cast %swap3A_1073 : vector<1x1x16xf32> to vector<16xf32>
      %swap3A_1075 = vector.shape_cast %add3A_1068 : vector<16xf32> to vector<1x1x16xf32>
      tpu.vector_store %arg10[%swap3A_1070, %swap3A_1071, %swap3A_1072], %swap3A_1075 {strides = array<i32>} : memref<5x64x128xf32, #tpu.memory_space<vmem>>, vector<1x1x16xf32>,
      %scan3A_1076 = arith.constant 0 : i32
      scf.yield %scan3A_1076 : i32
    }
    %scan3A_335 = arith.constant 64 : i32
    %mul3A_336 = arith.constant 512 : i32
    %mul3A_337 = arith.muli %add3A, %mul3A_336 : i32
    %add3A_338 = arith.constant 64 : i32
    %add3A_339 = arith.addi %mul3A_337, %add3A_338 : i32
    %dma_start3A_340 = arith.constant 1 : i32
    %dma_start3A_341 = arith.constant 0 : i32
    %dma_start3A_342 = arith.constant 0 : i32
    %dma_start3A_343 = tpu.memref_slice %arg10[%dma_start3A_340, %dma_start3A_341, %dma_start3A_342] : memref<5x64x128xf32, #tpu.memory_space<vmem>> -> memref<1x64x128xf32, #tpu.memory_space<vmem>>
    %dma_start3A_344 = tpu.memref_squeeze %dma_start3A_343 : memref<1x64x128xf32, #tpu.memory_space<vmem>> -> memref<64x128xf32, #tpu.memory_space<vmem>>
    %dma_start3A_345 = arith.constant 0 : i32
    %dma_start3A_346 = tpu.memref_slice %arg6[%add3A_339, %dma_start3A_345] : memref<16384x128xf32, #tpu.memory_space<hbm>> -> memref<64x128xf32, #tpu.memory_space<hbm>>
    %dma_start3A_347 = arith.constant 0 : i32
    %dma_start3A_348 = tpu.memref_slice %arg6[%add3A_339, %dma_start3A_347] : memref<16384x128xf32, #tpu.memory_space<hbm>> -> memref<64x128xf32, #tpu.memory_space<hbm>>
    %dma_start3A_349 = arith.constant 0 : i32
    %dma_start3A_350 = arith.constant 0 : i32
    %dma_start3A_351 = tpu.memref_slice %arg10[%dma_start3A_340, %dma_start3A_349, %dma_start3A_350] : memref<5x64x128xf32, #tpu.memory_space<vmem>> -> memref<1x64x128xf32, #tpu.memory_space<vmem>>
    %dma_start3A_352 = tpu.memref_squeeze %dma_start3A_351 : memref<1x64x128xf32, #tpu.memory_space<vmem>> -> memref<64x128xf32, #tpu.memory_space<vmem>>
    tpu.enqueue_dma source(%dma_start3A_352 : memref<64x128xf32, #tpu.memory_space<vmem>>) target(%dma_start3A_348 : memref<64x128xf32, #tpu.memory_space<hbm>>) target_semaphore(%arg27 : memref<!tpu.dma_semaphore, #tpu.memory_space<semaphore_mem>>)
    %dma_wait3A_353 = arith.constant 1 : i32
    %dma_wait3A_354 = arith.constant 0 : i32
    %dma_wait3A_355 = arith.constant 0 : i32
    %dma_wait3A_356 = tpu.memref_slice %arg10[%dma_wait3A_353, %dma_wait3A_354, %dma_wait3A_355] : memref<5x64x128xf32, #tpu.memory_space<vmem>> -> memref<1x64x128xf32, #tpu.memory_space<vmem>>
    %dma_wait3A_357 = tpu.memref_squeeze %dma_wait3A_356 : memref<1x64x128xf32, #tpu.memory_space<vmem>> -> memref<64x128xf32, #tpu.memory_space<vmem>>
    %dma_wait3A_358 = arith.constant 0 : i32
    %dma_wait3A_359 = tpu.memref_slice %arg6[%add3A_339, %dma_wait3A_358] : memref<16384x128xf32, #tpu.memory_space<hbm>> -> memref<64x128xf32, #tpu.memory_space<hbm>>
    %dma_wait3A_360 = arith.constant 0 : i32
    %dma_wait3A_361 = tpu.memref_slice %arg6[%add3A_339, %dma_wait3A_360] : memref<16384x128xf32, #tpu.memory_space<hbm>> -> memref<64x128xf32, #tpu.memory_space<hbm>>
    %dma_wait3A_362 = arith.constant 0 : i32
    %dma_wait3A_363 = arith.constant 0 : i32
    %dma_wait3A_364 = tpu.memref_slice %arg10[%dma_wait3A_353, %dma_wait3A_362, %dma_wait3A_363] : memref<5x64x128xf32, #tpu.memory_space<vmem>> -> memref<1x64x128xf32, #tpu.memory_space<vmem>>
    %dma_wait3A_365 = tpu.memref_squeeze %dma_wait3A_364 : memref<1x64x128xf32, #tpu.memory_space<vmem>> -> memref<64x128xf32, #tpu.memory_space<vmem>>
    tpu.wait_dma2 semaphore(%arg27 : memref<!tpu.dma_semaphore, #tpu.memory_space<semaphore_mem>>) src(%dma_wait3A_365 : memref<64x128xf32, #tpu.memory_space<vmem>>) dst(%dma_wait3A_361 : memref<64x128xf32, #tpu.memory_space<hbm>>)
    %dma_start3A_366 = arith.constant 1 : i32
    %dma_start3A_367 = arith.constant 0 : i32
    %dma_start3A_368 = arith.constant 0 : i32
    %dma_start3A_369 = tpu.memref_slice %arg8[%dma_start3A_366, %dma_start3A_367, %dma_start3A_368] : memref<5x64x128xf32, #tpu.memory_space<vmem>> -> memref<1x64x128xf32, #tpu.memory_space<vmem>>
    %dma_start3A_370 = tpu.memref_squeeze %dma_start3A_369 : memref<1x64x128xf32, #tpu.memory_space<vmem>> -> memref<64x128xf32, #tpu.memory_space<vmem>>
    %dma_start3A_371 = arith.constant 384 : i32
    %dma_start3A_372 = tpu.memref_slice %arg7[%dma_start3A_371] : memref<512xi32, #tpu.memory_space<vmem>> -> memref<64xi32, #tpu.memory_space<vmem>>
    %dma_start3A_373 = arith.constant 0 : i32
    %dma_start3A_374 = arith.constant 0 : i32
    %dma_start3A_375 = tpu.memref_slice %arg4[%dma_start3A_373, %dma_start3A_374] : memref<100000x128xf32, #tpu.memory_space<hbm>> -> memref<100000x128xf32, #tpu.memory_space<hbm>>
    tpu.enqueue_indirect_dma source(%dma_start3A_375 : memref<100000x128xf32, #tpu.memory_space<hbm>>) target(%dma_start3A_370 : memref<64x128xf32, #tpu.memory_space<vmem>>) offsets(%dma_start3A_372 : memref<64xi32, #tpu.memory_space<vmem>>) semaphore(%arg12 : memref<!tpu.dma_semaphore, #tpu.memory_space<semaphore_mem>>)
    %dma_start3A_376 = arith.constant 1 : i32
    %dma_start3A_377 = arith.constant 0 : i32
    %dma_start3A_378 = arith.constant 0 : i32
    %dma_start3A_379 = tpu.memref_slice %arg9[%dma_start3A_376, %dma_start3A_377, %dma_start3A_378] : memref<5x64x128xf32, #tpu.memory_space<vmem>> -> memref<1x64x128xf32, #tpu.memory_space<vmem>>
    %dma_start3A_380 = tpu.memref_squeeze %dma_start3A_379 : memref<1x64x128xf32, #tpu.memory_space<vmem>> -> memref<64x128xf32, #tpu.memory_space<vmem>>
    %dma_start3A_381 = arith.constant 384 : i32
    %dma_start3A_382 = tpu.memref_slice %arg7[%dma_start3A_381] : memref<512xi32, #tpu.memory_space<vmem>> -> memref<64xi32, #tpu.memory_space<vmem>>
    %dma_start3A_383 = arith.constant 0 : i32
    %dma_start3A_384 = arith.constant 0 : i32
    %dma_start3A_385 = tpu.memref_slice %arg5[%dma_start3A_383, %dma_start3A_384] : memref<100000x128xf32, #tpu.memory_space<hbm>> -> memref<100000x128xf32, #tpu.memory_space<hbm>>
    tpu.enqueue_indirect_dma source(%dma_start3A_385 : memref<100000x128xf32, #tpu.memory_space<hbm>>) target(%dma_start3A_380 : memref<64x128xf32, #tpu.memory_space<vmem>>) offsets(%dma_start3A_382 : memref<64xi32, #tpu.memory_space<vmem>>) semaphore(%arg17 : memref<!tpu.dma_semaphore, #tpu.memory_space<semaphore_mem>>)
    %mul3A_386 = arith.constant 512 : i32
    %mul3A_387 = arith.muli %add3A, %mul3A_386 : i32
    %add3A_388 = arith.constant 384 : i32
    %add3A_389 = arith.addi %mul3A_387, %add3A_388 : i32
    %dma_start3A_390 = arith.constant 1 : i32
    %dma_start3A_391 = arith.constant 0 : i32
    %dma_start3A_392 = arith.constant 0 : i32
    %dma_start3A_393 = tpu.memref_slice %arg10[%dma_start3A_390, %dma_start3A_391, %dma_start3A_392] : memref<5x64x128xf32, #tpu.memory_space<vmem>> -> memref<1x64x128xf32, #tpu.memory_space<vmem>>
    %dma_start3A_394 = tpu.memref_squeeze %dma_start3A_393 : memref<1x64x128xf32, #tpu.memory_space<vmem>> -> memref<64x128xf32, #tpu.memory_space<vmem>>
    %dma_start3A_395 = arith.constant 0 : i32
    %dma_start3A_396 = tpu.memref_slice %arg2[%add3A_389, %dma_start3A_395] : memref<16384x128xf32, #tpu.memory_space<hbm>> -> memref<64x128xf32, #tpu.memory_space<hbm>>
    %dma_start3A_397 = arith.constant 0 : i32
    %dma_start3A_398 = arith.constant 0 : i32
    %dma_start3A_399 = tpu.memref_slice %arg10[%dma_start3A_390, %dma_start3A_397, %dma_start3A_398] : memref<5x64x128xf32, #tpu.memory_space<vmem>> -> memref<1x64x128xf32, #tpu.memory_space<vmem>>
    %dma_start3A_400 = tpu.memref_squeeze %dma_start3A_399 : memref<1x64x128xf32, #tpu.memory_space<vmem>> -> memref<64x128xf32, #tpu.memory_space<vmem>>
    %dma_start3A_401 = arith.constant 0 : i32
    %dma_start3A_402 = tpu.memref_slice %arg2[%add3A_389, %dma_start3A_401] : memref<16384x128xf32, #tpu.memory_space<hbm>> -> memref<64x128xf32, #tpu.memory_space<hbm>>
    tpu.enqueue_dma source(%dma_start3A_402 : memref<64x128xf32, #tpu.memory_space<hbm>>) target(%dma_start3A_400 : memref<64x128xf32, #tpu.memory_space<vmem>>) target_semaphore(%arg22 : memref<!tpu.dma_semaphore, #tpu.memory_space<semaphore_mem>>)
    %dma_wait3A_403 = arith.constant 2 : i32
    %dma_wait3A_404 = arith.constant 0 : i32
    %dma_wait3A_405 = arith.constant 0 : i32
    %dma_wait3A_406 = tpu.memref_slice %arg8[%dma_wait3A_403, %dma_wait3A_404, %dma_wait3A_405] : memref<5x64x128xf32, #tpu.memory_space<vmem>> -> memref<1x64x128xf32, #tpu.memory_space<vmem>>
    %dma_wait3A_407 = tpu.memref_squeeze %dma_wait3A_406 : memref<1x64x128xf32, #tpu.memory_space<vmem>> -> memref<64x128xf32, #tpu.memory_space<vmem>>
    %dma_wait3A_408 = arith.constant 128 : i32
    %dma_wait3A_409 = tpu.memref_slice %arg7[%dma_wait3A_408] : memref<512xi32, #tpu.memory_space<vmem>> -> memref<64xi32, #tpu.memory_space<vmem>>
    %dma_wait3A_410 = arith.constant 0 : i32
    %dma_wait3A_411 = arith.constant 0 : i32
    %dma_wait3A_412 = tpu.memref_slice %arg4[%dma_wait3A_410, %dma_wait3A_411] : memref<100000x128xf32, #tpu.memory_space<hbm>> -> memref<100000x128xf32, #tpu.memory_space<hbm>>
    tpu.wait_indirect_dma semaphore(%arg13 : memref<!tpu.dma_semaphore, #tpu.memory_space<semaphore_mem>>) src(%dma_wait3A_412 : memref<100000x128xf32, #tpu.memory_space<hbm>>) dst(%dma_wait3A_407 : memref<64x128xf32, #tpu.memory_space<vmem>>)
    %dma_wait3A_413 = arith.constant 2 : i32
    %dma_wait3A_414 = arith.constant 0 : i32
    %dma_wait3A_415 = arith.constant 0 : i32
    %dma_wait3A_416 = tpu.memref_slice %arg9[%dma_wait3A_413, %dma_wait3A_414, %dma_wait3A_415] : memref<5x64x128xf32, #tpu.memory_space<vmem>> -> memref<1x64x128xf32, #tpu.memory_space<vmem>>
    %dma_wait3A_417 = tpu.memref_squeeze %dma_wait3A_416 : memref<1x64x128xf32, #tpu.memory_space<vmem>> -> memref<64x128xf32, #tpu.memory_space<vmem>>
    %dma_wait3A_418 = arith.constant 128 : i32
    %dma_wait3A_419 = tpu.memref_slice %arg7[%dma_wait3A_418] : memref<512xi32, #tpu.memory_space<vmem>> -> memref<64xi32, #tpu.memory_space<vmem>>
    %dma_wait3A_420 = arith.constant 0 : i32
    %dma_wait3A_421 = arith.constant 0 : i32
    %dma_wait3A_422 = tpu.memref_slice %arg5[%dma_wait3A_420, %dma_wait3A_421] : memref<100000x128xf32, #tpu.memory_space<hbm>> -> memref<100000x128xf32, #tpu.memory_space<hbm>>
    tpu.wait_indirect_dma semaphore(%arg18 : memref<!tpu.dma_semaphore, #tpu.memory_space<semaphore_mem>>) src(%dma_wait3A_422 : memref<100000x128xf32, #tpu.memory_space<hbm>>) dst(%dma_wait3A_417 : memref<64x128xf32, #tpu.memory_space<vmem>>)
    %dma_wait3A_423 = arith.constant 2 : i32
    %dma_wait3A_424 = arith.constant 0 : i32
    %dma_wait3A_425 = arith.constant 0 : i32
    %dma_wait3A_426 = tpu.memref_slice %arg10[%dma_wait3A_423, %dma_wait3A_424, %dma_wait3A_425] : memref<5x64x128xf32, #tpu.memory_space<vmem>> -> memref<1x64x128xf32, #tpu.memory_space<vmem>>
    %dma_wait3A_427 = tpu.memref_squeeze %dma_wait3A_426 : memref<1x64x128xf32, #tpu.memory_space<vmem>> -> memref<64x128xf32, #tpu.memory_space<vmem>>
    %dma_wait3A_428 = arith.constant 0 : i32
    %dma_wait3A_429 = tpu.memref_slice %arg2[%add3A_37, %dma_wait3A_428] : memref<16384x128xf32, #tpu.memory_space<hbm>> -> memref<64x128xf32, #tpu.memory_space<hbm>>
    %dma_wait3A_430 = arith.constant 0 : i32
    %dma_wait3A_431 = arith.constant 0 : i32
    %dma_wait3A_432 = tpu.memref_slice %arg10[%dma_wait3A_423, %dma_wait3A_430, %dma_wait3A_431] : memref<5x64x128xf32, #tpu.memory_space<vmem>> -> memref<1x64x128xf32, #tpu.memory_space<vmem>>
    %dma_wait3A_433 = tpu.memref_squeeze %dma_wait3A_432 : memref<1x64x128xf32, #tpu.memory_space<vmem>> -> memref<64x128xf32, #tpu.memory_space<vmem>>
    %dma_wait3A_434 = arith.constant 0 : i32
    %dma_wait3A_435 = tpu.memref_slice %arg2[%add3A_37, %dma_wait3A_434] : memref<16384x128xf32, #tpu.memory_space<hbm>> -> memref<64x128xf32, #tpu.memory_space<hbm>>
    tpu.wait_dma2 semaphore(%arg23 : memref<!tpu.dma_semaphore, #tpu.memory_space<semaphore_mem>>) src(%dma_wait3A_435 : memref<64x128xf32, #tpu.memory_space<hbm>>) dst(%dma_wait3A_433 : memref<64x128xf32, #tpu.memory_space<vmem>>)
    %scan3A_436 = arith.constant 0 : i32
    %scan3A_437 = arith.constant 0 : i32
    %scan3A_438 = arith.constant 64 : i32
    %scan3A_439 = arith.addi %scan3A_437, %scan3A_438 : i32
    %scan3A_440 = arith.constant 1 : i32
    %scan3A_441 = scf.for %scan3A_860 = %scan3A_437 to %scan3A_439 step %scan3A_440 iter_args(%scan3A_861 = %scan3A_436) -> (i32)  : i32 {
      %get3A = arith.constant 2 : i32
      %get3A_862 = arith.index_cast %get3A : i32 to index
      %get3A_863 = arith.index_cast %scan3A_860 : i32 to index
      %get3A_864 = arith.constant 0 : index
      %get3A_865 = tpu.vector_load %arg8[%get3A_862, %get3A_863, %get3A_864] {strides = array<i32>} : memref<5x64x128xf32, #tpu.memory_space<vmem>>, vector<1x1x16xf32>,
      %get3A_866 = vector.shape_cast %get3A_865 : vector<1x1x16xf32> to vector<16xf32>
      %get3A_867 = arith.constant 2 : i32
      %get3A_868 = arith.index_cast %get3A_867 : i32 to index
      %get3A_869 = arith.index_cast %scan3A_860 : i32 to index
      %get3A_870 = arith.constant 0 : index
      %get3A_871 = tpu.vector_load %arg10[%get3A_868, %get3A_869, %get3A_870] {strides = array<i32>} : memref<5x64x128xf32, #tpu.memory_space<vmem>>, vector<1x1x16xf32>,
      %get3A_872 = vector.shape_cast %get3A_871 : vector<1x1x16xf32> to vector<16xf32>
      %mul3A_873 = arith.mulf %get3A_866, %get3A_872 : vector<16xf32>
      %get3A_874 = arith.constant 2 : i32
      %get3A_875 = arith.index_cast %get3A_874 : i32 to index
      %get3A_876 = arith.index_cast %scan3A_860 : i32 to index
      %get3A_877 = arith.constant 0 : index
      %get3A_878 = tpu.vector_load %arg9[%get3A_875, %get3A_876, %get3A_877] {strides = array<i32>} : memref<5x64x128xf32, #tpu.memory_space<vmem>>, vector<1x1x16xf32>,
      %get3A_879 = vector.shape_cast %get3A_878 : vector<1x1x16xf32> to vector<16xf32>
      %add3A_880 = arith.addf %mul3A_873, %get3A_879 : vector<16xf32>
      %swap3A = arith.constant 2 : i32
      %swap3A_881 = arith.index_cast %swap3A : i32 to index
      %swap3A_882 = arith.index_cast %scan3A_860 : i32 to index
      %swap3A_883 = arith.constant 0 : index
      %swap3A_884 = tpu.vector_load %arg10[%swap3A_881, %swap3A_882, %swap3A_883] {strides = array<i32>} : memref<5x64x128xf32, #tpu.memory_space<vmem>>, vector<1x1x16xf32>,
      %swap3A_885 = vector.shape_cast %swap3A_884 : vector<1x1x16xf32> to vector<16xf32>
      %swap3A_886 = vector.shape_cast %add3A_880 : vector<16xf32> to vector<1x1x16xf32>
      tpu.vector_store %arg10[%swap3A_881, %swap3A_882, %swap3A_883], %swap3A_886 {strides = array<i32>} : memref<5x64x128xf32, #tpu.memory_space<vmem>>, vector<1x1x16xf32>,
      %get3A_887 = arith.constant 2 : i32
      %get3A_888 = arith.index_cast %get3A_887 : i32 to index
      %get3A_889 = arith.index_cast %scan3A_860 : i32 to index
      %get3A_890 = arith.constant 16 : index
      %get3A_891 = tpu.vector_load %arg8[%get3A_888, %get3A_889, %get3A_890] {strides = array<i32>} : memref<5x64x128xf32, #tpu.memory_space<vmem>>, vector<1x1x16xf32>,
      %get3A_892 = vector.shape_cast %get3A_891 : vector<1x1x16xf32> to vector<16xf32>
      %get3A_893 = arith.constant 2 : i32
      %get3A_894 = arith.index_cast %get3A_893 : i32 to index
      %get3A_895 = arith.index_cast %scan3A_860 : i32 to index
      %get3A_896 = arith.constant 16 : index
      %get3A_897 = tpu.vector_load %arg10[%get3A_894, %get3A_895, %get3A_896] {strides = array<i32>} : memref<5x64x128xf32, #tpu.memory_space<vmem>>, vector<1x1x16xf32>,
      %get3A_898 = vector.shape_cast %get3A_897 : vector<1x1x16xf32> to vector<16xf32>
      %mul3A_899 = arith.mulf %get3A_892, %get3A_898 : vector<16xf32>
      %get3A_900 = arith.constant 2 : i32
      %get3A_901 = arith.index_cast %get3A_900 : i32 to index
      %get3A_902 = arith.index_cast %scan3A_860 : i32 to index
      %get3A_903 = arith.constant 16 : index
      %get3A_904 = tpu.vector_load %arg9[%get3A_901, %get3A_902, %get3A_903] {strides = array<i32>} : memref<5x64x128xf32, #tpu.memory_space<vmem>>, vector<1x1x16xf32>,
      %get3A_905 = vector.shape_cast %get3A_904 : vector<1x1x16xf32> to vector<16xf32>
      %add3A_906 = arith.addf %mul3A_899, %get3A_905 : vector<16xf32>
      %swap3A_907 = arith.constant 2 : i32
      %swap3A_908 = arith.index_cast %swap3A_907 : i32 to index
      %swap3A_909 = arith.index_cast %scan3A_860 : i32 to index
      %swap3A_910 = arith.constant 16 : index
      %swap3A_911 = tpu.vector_load %arg10[%swap3A_908, %swap3A_909, %swap3A_910] {strides = array<i32>} : memref<5x64x128xf32, #tpu.memory_space<vmem>>, vector<1x1x16xf32>,
      %swap3A_912 = vector.shape_cast %swap3A_911 : vector<1x1x16xf32> to vector<16xf32>
      %swap3A_913 = vector.shape_cast %add3A_906 : vector<16xf32> to vector<1x1x16xf32>
      tpu.vector_store %arg10[%swap3A_908, %swap3A_909, %swap3A_910], %swap3A_913 {strides = array<i32>} : memref<5x64x128xf32, #tpu.memory_space<vmem>>, vector<1x1x16xf32>,
      %get3A_914 = arith.constant 2 : i32
      %get3A_915 = arith.index_cast %get3A_914 : i32 to index
      %get3A_916 = arith.index_cast %scan3A_860 : i32 to index
      %get3A_917 = arith.constant 32 : index
      %get3A_918 = tpu.vector_load %arg8[%get3A_915, %get3A_916, %get3A_917] {strides = array<i32>} : memref<5x64x128xf32, #tpu.memory_space<vmem>>, vector<1x1x16xf32>,
      %get3A_919 = vector.shape_cast %get3A_918 : vector<1x1x16xf32> to vector<16xf32>
      %get3A_920 = arith.constant 2 : i32
      %get3A_921 = arith.index_cast %get3A_920 : i32 to index
      %get3A_922 = arith.index_cast %scan3A_860 : i32 to index
      %get3A_923 = arith.constant 32 : index
      %get3A_924 = tpu.vector_load %arg10[%get3A_921, %get3A_922, %get3A_923] {strides = array<i32>} : memref<5x64x128xf32, #tpu.memory_space<vmem>>, vector<1x1x16xf32>,
      %get3A_925 = vector.shape_cast %get3A_924 : vector<1x1x16xf32> to vector<16xf32>
      %mul3A_926 = arith.mulf %get3A_919, %get3A_925 : vector<16xf32>
      %get3A_927 = arith.constant 2 : i32
      %get3A_928 = arith.index_cast %get3A_927 : i32 to index
      %get3A_929 = arith.index_cast %scan3A_860 : i32 to index
      %get3A_930 = arith.constant 32 : index
      %get3A_931 = tpu.vector_load %arg9[%get3A_928, %get3A_929, %get3A_930] {strides = array<i32>} : memref<5x64x128xf32, #tpu.memory_space<vmem>>, vector<1x1x16xf32>,
      %get3A_932 = vector.shape_cast %get3A_931 : vector<1x1x16xf32> to vector<16xf32>
      %add3A_933 = arith.addf %mul3A_926, %get3A_932 : vector<16xf32>
      %swap3A_934 = arith.constant 2 : i32
      %swap3A_935 = arith.index_cast %swap3A_934 : i32 to index
      %swap3A_936 = arith.index_cast %scan3A_860 : i32 to index
      %swap3A_937 = arith.constant 32 : index
      %swap3A_938 = tpu.vector_load %arg10[%swap3A_935, %swap3A_936, %swap3A_937] {strides = array<i32>} : memref<5x64x128xf32, #tpu.memory_space<vmem>>, vector<1x1x16xf32>,
      %swap3A_939 = vector.shape_cast %swap3A_938 : vector<1x1x16xf32> to vector<16xf32>
      %swap3A_940 = vector.shape_cast %add3A_933 : vector<16xf32> to vector<1x1x16xf32>
      tpu.vector_store %arg10[%swap3A_935, %swap3A_936, %swap3A_937], %swap3A_940 {strides = array<i32>} : memref<5x64x128xf32, #tpu.memory_space<vmem>>, vector<1x1x16xf32>,
      %get3A_941 = arith.constant 2 : i32
      %get3A_942 = arith.index_cast %get3A_941 : i32 to index
      %get3A_943 = arith.index_cast %scan3A_860 : i32 to index
      %get3A_944 = arith.constant 48 : index
      %get3A_945 = tpu.vector_load %arg8[%get3A_942, %get3A_943, %get3A_944] {strides = array<i32>} : memref<5x64x128xf32, #tpu.memory_space<vmem>>, vector<1x1x16xf32>,
      %get3A_946 = vector.shape_cast %get3A_945 : vector<1x1x16xf32> to vector<16xf32>
      %get3A_947 = arith.constant 2 : i32
      %get3A_948 = arith.index_cast %get3A_947 : i32 to index
      %get3A_949 = arith.index_cast %scan3A_860 : i32 to index
      %get3A_950 = arith.constant 48 : index
      %get3A_951 = tpu.vector_load %arg10[%get3A_948, %get3A_949, %get3A_950] {strides = array<i32>} : memref<5x64x128xf32, #tpu.memory_space<vmem>>, vector<1x1x16xf32>,
      %get3A_952 = vector.shape_cast %get3A_951 : vector<1x1x16xf32> to vector<16xf32>
      %mul3A_953 = arith.mulf %get3A_946, %get3A_952 : vector<16xf32>
      %get3A_954 = arith.constant 2 : i32
      %get3A_955 = arith.index_cast %get3A_954 : i32 to index
      %get3A_956 = arith.index_cast %scan3A_860 : i32 to index
      %get3A_957 = arith.constant 48 : index
      %get3A_958 = tpu.vector_load %arg9[%get3A_955, %get3A_956, %get3A_957] {strides = array<i32>} : memref<5x64x128xf32, #tpu.memory_space<vmem>>, vector<1x1x16xf32>,
      %get3A_959 = vector.shape_cast %get3A_958 : vector<1x1x16xf32> to vector<16xf32>
      %add3A_960 = arith.addf %mul3A_953, %get3A_959 : vector<16xf32>
      %swap3A_961 = arith.constant 2 : i32
      %swap3A_962 = arith.index_cast %swap3A_961 : i32 to index
      %swap3A_963 = arith.index_cast %scan3A_860 : i32 to index
      %swap3A_964 = arith.constant 48 : index
      %swap3A_965 = tpu.vector_load %arg10[%swap3A_962, %swap3A_963, %swap3A_964] {strides = array<i32>} : memref<5x64x128xf32, #tpu.memory_space<vmem>>, vector<1x1x16xf32>,
      %swap3A_966 = vector.shape_cast %swap3A_965 : vector<1x1x16xf32> to vector<16xf32>
      %swap3A_967 = vector.shape_cast %add3A_960 : vector<16xf32> to vector<1x1x16xf32>
      tpu.vector_store %arg10[%swap3A_962, %swap3A_963, %swap3A_964], %swap3A_967 {strides = array<i32>} : memref<5x64x128xf32, #tpu.memory_space<vmem>>, vector<1x1x16xf32>,
      %get3A_968 = arith.constant 2 : i32
      %get3A_969 = arith.index_cast %get3A_968 : i32 to index
      %get3A_970 = arith.index_cast %scan3A_860 : i32 to index
      %get3A_971 = arith.constant 64 : index
      %get3A_972 = tpu.vector_load %arg8[%get3A_969, %get3A_970, %get3A_971] {strides = array<i32>} : memref<5x64x128xf32, #tpu.memory_space<vmem>>, vector<1x1x16xf32>,
      %get3A_973 = vector.shape_cast %get3A_972 : vector<1x1x16xf32> to vector<16xf32>
      %get3A_974 = arith.constant 2 : i32
      %get3A_975 = arith.index_cast %get3A_974 : i32 to index
      %get3A_976 = arith.index_cast %scan3A_860 : i32 to index
      %get3A_977 = arith.constant 64 : index
      %get3A_978 = tpu.vector_load %arg10[%get3A_975, %get3A_976, %get3A_977] {strides = array<i32>} : memref<5x64x128xf32, #tpu.memory_space<vmem>>, vector<1x1x16xf32>,
      %get3A_979 = vector.shape_cast %get3A_978 : vector<1x1x16xf32> to vector<16xf32>
      %mul3A_980 = arith.mulf %get3A_973, %get3A_979 : vector<16xf32>
      %get3A_981 = arith.constant 2 : i32
      %get3A_982 = arith.index_cast %get3A_981 : i32 to index
      %get3A_983 = arith.index_cast %scan3A_860 : i32 to index
      %get3A_984 = arith.constant 64 : index
      %get3A_985 = tpu.vector_load %arg9[%get3A_982, %get3A_983, %get3A_984] {strides = array<i32>} : memref<5x64x128xf32, #tpu.memory_space<vmem>>, vector<1x1x16xf32>,
      %get3A_986 = vector.shape_cast %get3A_985 : vector<1x1x16xf32> to vector<16xf32>
      %add3A_987 = arith.addf %mul3A_980, %get3A_986 : vector<16xf32>
      %swap3A_988 = arith.constant 2 : i32
      %swap3A_989 = arith.index_cast %swap3A_988 : i32 to index
      %swap3A_990 = arith.index_cast %scan3A_860 : i32 to index
      %swap3A_991 = arith.constant 64 : index
      %swap3A_992 = tpu.vector_load %arg10[%swap3A_989, %swap3A_990, %swap3A_991] {strides = array<i32>} : memref<5x64x128xf32, #tpu.memory_space<vmem>>, vector<1x1x16xf32>,
      %swap3A_993 = vector.shape_cast %swap3A_992 : vector<1x1x16xf32> to vector<16xf32>
      %swap3A_994 = vector.shape_cast %add3A_987 : vector<16xf32> to vector<1x1x16xf32>
      tpu.vector_store %arg10[%swap3A_989, %swap3A_990, %swap3A_991], %swap3A_994 {strides = array<i32>} : memref<5x64x128xf32, #tpu.memory_space<vmem>>, vector<1x1x16xf32>,
      %get3A_995 = arith.constant 2 : i32
      %get3A_996 = arith.index_cast %get3A_995 : i32 to index
      %get3A_997 = arith.index_cast %scan3A_860 : i32 to index
      %get3A_998 = arith.constant 80 : index
      %get3A_999 = tpu.vector_load %arg8[%get3A_996, %get3A_997, %get3A_998] {strides = array<i32>} : memref<5x64x128xf32, #tpu.memory_space<vmem>>, vector<1x1x16xf32>,
      %get3A_1000 = vector.shape_cast %get3A_999 : vector<1x1x16xf32> to vector<16xf32>
      %get3A_1001 = arith.constant 2 : i32
      %get3A_1002 = arith.index_cast %get3A_1001 : i32 to index
      %get3A_1003 = arith.index_cast %scan3A_860 : i32 to index
      %get3A_1004 = arith.constant 80 : index
      %get3A_1005 = tpu.vector_load %arg10[%get3A_1002, %get3A_1003, %get3A_1004] {strides = array<i32>} : memref<5x64x128xf32, #tpu.memory_space<vmem>>, vector<1x1x16xf32>,
      %get3A_1006 = vector.shape_cast %get3A_1005 : vector<1x1x16xf32> to vector<16xf32>
      %mul3A_1007 = arith.mulf %get3A_1000, %get3A_1006 : vector<16xf32>
      %get3A_1008 = arith.constant 2 : i32
      %get3A_1009 = arith.index_cast %get3A_1008 : i32 to index
      %get3A_1010 = arith.index_cast %scan3A_860 : i32 to index
      %get3A_1011 = arith.constant 80 : index
      %get3A_1012 = tpu.vector_load %arg9[%get3A_1009, %get3A_1010, %get3A_1011] {strides = array<i32>} : memref<5x64x128xf32, #tpu.memory_space<vmem>>, vector<1x1x16xf32>,
      %get3A_1013 = vector.shape_cast %get3A_1012 : vector<1x1x16xf32> to vector<16xf32>
      %add3A_1014 = arith.addf %mul3A_1007, %get3A_1013 : vector<16xf32>
      %swap3A_1015 = arith.constant 2 : i32
      %swap3A_1016 = arith.index_cast %swap3A_1015 : i32 to index
      %swap3A_1017 = arith.index_cast %scan3A_860 : i32 to index
      %swap3A_1018 = arith.constant 80 : index
      %swap3A_1019 = tpu.vector_load %arg10[%swap3A_1016, %swap3A_1017, %swap3A_1018] {strides = array<i32>} : memref<5x64x128xf32, #tpu.memory_space<vmem>>, vector<1x1x16xf32>,
      %swap3A_1020 = vector.shape_cast %swap3A_1019 : vector<1x1x16xf32> to vector<16xf32>
      %swap3A_1021 = vector.shape_cast %add3A_1014 : vector<16xf32> to vector<1x1x16xf32>
      tpu.vector_store %arg10[%swap3A_1016, %swap3A_1017, %swap3A_1018], %swap3A_1021 {strides = array<i32>} : memref<5x64x128xf32, #tpu.memory_space<vmem>>, vector<1x1x16xf32>,
      %get3A_1022 = arith.constant 2 : i32
      %get3A_1023 = arith.index_cast %get3A_1022 : i32 to index
      %get3A_1024 = arith.index_cast %scan3A_860 : i32 to index
      %get3A_1025 = arith.constant 96 : index
      %get3A_1026 = tpu.vector_load %arg8[%get3A_1023, %get3A_1024, %get3A_1025] {strides = array<i32>} : memref<5x64x128xf32, #tpu.memory_space<vmem>>, vector<1x1x16xf32>,
      %get3A_1027 = vector.shape_cast %get3A_1026 : vector<1x1x16xf32> to vector<16xf32>
      %get3A_1028 = arith.constant 2 : i32
      %get3A_1029 = arith.index_cast %get3A_1028 : i32 to index
      %get3A_1030 = arith.index_cast %scan3A_860 : i32 to index
      %get3A_1031 = arith.constant 96 : index
      %get3A_1032 = tpu.vector_load %arg10[%get3A_1029, %get3A_1030, %get3A_1031] {strides = array<i32>} : memref<5x64x128xf32, #tpu.memory_space<vmem>>, vector<1x1x16xf32>,
      %get3A_1033 = vector.shape_cast %get3A_1032 : vector<1x1x16xf32> to vector<16xf32>
      %mul3A_1034 = arith.mulf %get3A_1027, %get3A_1033 : vector<16xf32>
      %get3A_1035 = arith.constant 2 : i32
      %get3A_1036 = arith.index_cast %get3A_1035 : i32 to index
      %get3A_1037 = arith.index_cast %scan3A_860 : i32 to index
      %get3A_1038 = arith.constant 96 : index
      %get3A_1039 = tpu.vector_load %arg9[%get3A_1036, %get3A_1037, %get3A_1038] {strides = array<i32>} : memref<5x64x128xf32, #tpu.memory_space<vmem>>, vector<1x1x16xf32>,
      %get3A_1040 = vector.shape_cast %get3A_1039 : vector<1x1x16xf32> to vector<16xf32>
      %add3A_1041 = arith.addf %mul3A_1034, %get3A_1040 : vector<16xf32>
      %swap3A_1042 = arith.constant 2 : i32
      %swap3A_1043 = arith.index_cast %swap3A_1042 : i32 to index
      %swap3A_1044 = arith.index_cast %scan3A_860 : i32 to index
      %swap3A_1045 = arith.constant 96 : index
      %swap3A_1046 = tpu.vector_load %arg10[%swap3A_1043, %swap3A_1044, %swap3A_1045] {strides = array<i32>} : memref<5x64x128xf32, #tpu.memory_space<vmem>>, vector<1x1x16xf32>,
      %swap3A_1047 = vector.shape_cast %swap3A_1046 : vector<1x1x16xf32> to vector<16xf32>
      %swap3A_1048 = vector.shape_cast %add3A_1041 : vector<16xf32> to vector<1x1x16xf32>
      tpu.vector_store %arg10[%swap3A_1043, %swap3A_1044, %swap3A_1045], %swap3A_1048 {strides = array<i32>} : memref<5x64x128xf32, #tpu.memory_space<vmem>>, vector<1x1x16xf32>,
      %get3A_1049 = arith.constant 2 : i32
      %get3A_1050 = arith.index_cast %get3A_1049 : i32 to index
      %get3A_1051 = arith.index_cast %scan3A_860 : i32 to index
      %get3A_1052 = arith.constant 112 : index
      %get3A_1053 = tpu.vector_load %arg8[%get3A_1050, %get3A_1051, %get3A_1052] {strides = array<i32>} : memref<5x64x128xf32, #tpu.memory_space<vmem>>, vector<1x1x16xf32>,
      %get3A_1054 = vector.shape_cast %get3A_1053 : vector<1x1x16xf32> to vector<16xf32>
      %get3A_1055 = arith.constant 2 : i32
      %get3A_1056 = arith.index_cast %get3A_1055 : i32 to index
      %get3A_1057 = arith.index_cast %scan3A_860 : i32 to index
      %get3A_1058 = arith.constant 112 : index
      %get3A_1059 = tpu.vector_load %arg10[%get3A_1056, %get3A_1057, %get3A_1058] {strides = array<i32>} : memref<5x64x128xf32, #tpu.memory_space<vmem>>, vector<1x1x16xf32>,
      %get3A_1060 = vector.shape_cast %get3A_1059 : vector<1x1x16xf32> to vector<16xf32>
      %mul3A_1061 = arith.mulf %get3A_1054, %get3A_1060 : vector<16xf32>
      %get3A_1062 = arith.constant 2 : i32
      %get3A_1063 = arith.index_cast %get3A_1062 : i32 to index
      %get3A_1064 = arith.index_cast %scan3A_860 : i32 to index
      %get3A_1065 = arith.constant 112 : index
      %get3A_1066 = tpu.vector_load %arg9[%get3A_1063, %get3A_1064, %get3A_1065] {strides = array<i32>} : memref<5x64x128xf32, #tpu.memory_space<vmem>>, vector<1x1x16xf32>,
      %get3A_1067 = vector.shape_cast %get3A_1066 : vector<1x1x16xf32> to vector<16xf32>
      %add3A_1068 = arith.addf %mul3A_1061, %get3A_1067 : vector<16xf32>
      %swap3A_1069 = arith.constant 2 : i32
      %swap3A_1070 = arith.index_cast %swap3A_1069 : i32 to index
      %swap3A_1071 = arith.index_cast %scan3A_860 : i32 to index
      %swap3A_1072 = arith.constant 112 : index
      %swap3A_1073 = tpu.vector_load %arg10[%swap3A_1070, %swap3A_1071, %swap3A_1072] {strides = array<i32>} : memref<5x64x128xf32, #tpu.memory_space<vmem>>, vector<1x1x16xf32>,
      %swap3A_1074 = vector.shape_cast %swap3A_1073 : vector<1x1x16xf32> to vector<16xf32>
      %swap3A_1075 = vector.shape_cast %add3A_1068 : vector<16xf32> to vector<1x1x16xf32>
      tpu.vector_store %arg10[%swap3A_1070, %swap3A_1071, %swap3A_1072], %swap3A_1075 {strides = array<i32>} : memref<5x64x128xf32, #tpu.memory_space<vmem>>, vector<1x1x16xf32>,
      %scan3A_1076 = arith.constant 0 : i32
      scf.yield %scan3A_1076 : i32
    }
    %scan3A_442 = arith.constant 64 : i32
    %mul3A_443 = arith.constant 512 : i32
    %mul3A_444 = arith.muli %add3A, %mul3A_443 : i32
    %add3A_445 = arith.constant 128 : i32
    %add3A_446 = arith.addi %mul3A_444, %add3A_445 : i32
    %dma_start3A_447 = arith.constant 2 : i32
    %dma_start3A_448 = arith.constant 0 : i32
    %dma_start3A_449 = arith.constant 0 : i32
    %dma_start3A_450 = tpu.memref_slice %arg10[%dma_start3A_447, %dma_start3A_448, %dma_start3A_449] : memref<5x64x128xf32, #tpu.memory_space<vmem>> -> memref<1x64x128xf32, #tpu.memory_space<vmem>>
    %dma_start3A_451 = tpu.memref_squeeze %dma_start3A_450 : memref<1x64x128xf32, #tpu.memory_space<vmem>> -> memref<64x128xf32, #tpu.memory_space<vmem>>
    %dma_start3A_452 = arith.constant 0 : i32
    %dma_start3A_453 = tpu.memref_slice %arg6[%add3A_446, %dma_start3A_452] : memref<16384x128xf32, #tpu.memory_space<hbm>> -> memref<64x128xf32, #tpu.memory_space<hbm>>
    %dma_start3A_454 = arith.constant 0 : i32
    %dma_start3A_455 = tpu.memref_slice %arg6[%add3A_446, %dma_start3A_454] : memref<16384x128xf32, #tpu.memory_space<hbm>> -> memref<64x128xf32, #tpu.memory_space<hbm>>
    %dma_start3A_456 = arith.constant 0 : i32
    %dma_start3A_457 = arith.constant 0 : i32
    %dma_start3A_458 = tpu.memref_slice %arg10[%dma_start3A_447, %dma_start3A_456, %dma_start3A_457] : memref<5x64x128xf32, #tpu.memory_space<vmem>> -> memref<1x64x128xf32, #tpu.memory_space<vmem>>
    %dma_start3A_459 = tpu.memref_squeeze %dma_start3A_458 : memref<1x64x128xf32, #tpu.memory_space<vmem>> -> memref<64x128xf32, #tpu.memory_space<vmem>>
    tpu.enqueue_dma source(%dma_start3A_459 : memref<64x128xf32, #tpu.memory_space<vmem>>) target(%dma_start3A_455 : memref<64x128xf32, #tpu.memory_space<hbm>>) target_semaphore(%arg28 : memref<!tpu.dma_semaphore, #tpu.memory_space<semaphore_mem>>)
    %dma_wait3A_460 = arith.constant 2 : i32
    %dma_wait3A_461 = arith.constant 0 : i32
    %dma_wait3A_462 = arith.constant 0 : i32
    %dma_wait3A_463 = tpu.memref_slice %arg10[%dma_wait3A_460, %dma_wait3A_461, %dma_wait3A_462] : memref<5x64x128xf32, #tpu.memory_space<vmem>> -> memref<1x64x128xf32, #tpu.memory_space<vmem>>
    %dma_wait3A_464 = tpu.memref_squeeze %dma_wait3A_463 : memref<1x64x128xf32, #tpu.memory_space<vmem>> -> memref<64x128xf32, #tpu.memory_space<vmem>>
    %dma_wait3A_465 = arith.constant 0 : i32
    %dma_wait3A_466 = tpu.memref_slice %arg6[%add3A_446, %dma_wait3A_465] : memref<16384x128xf32, #tpu.memory_space<hbm>> -> memref<64x128xf32, #tpu.memory_space<hbm>>
    %dma_wait3A_467 = arith.constant 0 : i32
    %dma_wait3A_468 = tpu.memref_slice %arg6[%add3A_446, %dma_wait3A_467] : memref<16384x128xf32, #tpu.memory_space<hbm>> -> memref<64x128xf32, #tpu.memory_space<hbm>>
    %dma_wait3A_469 = arith.constant 0 : i32
    %dma_wait3A_470 = arith.constant 0 : i32
    %dma_wait3A_471 = tpu.memref_slice %arg10[%dma_wait3A_460, %dma_wait3A_469, %dma_wait3A_470] : memref<5x64x128xf32, #tpu.memory_space<vmem>> -> memref<1x64x128xf32, #tpu.memory_space<vmem>>
    %dma_wait3A_472 = tpu.memref_squeeze %dma_wait3A_471 : memref<1x64x128xf32, #tpu.memory_space<vmem>> -> memref<64x128xf32, #tpu.memory_space<vmem>>
    tpu.wait_dma2 semaphore(%arg28 : memref<!tpu.dma_semaphore, #tpu.memory_space<semaphore_mem>>) src(%dma_wait3A_472 : memref<64x128xf32, #tpu.memory_space<vmem>>) dst(%dma_wait3A_468 : memref<64x128xf32, #tpu.memory_space<hbm>>)
    %dma_start3A_473 = arith.constant 2 : i32
    %dma_start3A_474 = arith.constant 0 : i32
    %dma_start3A_475 = arith.constant 0 : i32
    %dma_start3A_476 = tpu.memref_slice %arg8[%dma_start3A_473, %dma_start3A_474, %dma_start3A_475] : memref<5x64x128xf32, #tpu.memory_space<vmem>> -> memref<1x64x128xf32, #tpu.memory_space<vmem>>
    %dma_start3A_477 = tpu.memref_squeeze %dma_start3A_476 : memref<1x64x128xf32, #tpu.memory_space<vmem>> -> memref<64x128xf32, #tpu.memory_space<vmem>>
    %dma_start3A_478 = arith.constant 448 : i32
    %dma_start3A_479 = tpu.memref_slice %arg7[%dma_start3A_478] : memref<512xi32, #tpu.memory_space<vmem>> -> memref<64xi32, #tpu.memory_space<vmem>>
    %dma_start3A_480 = arith.constant 0 : i32
    %dma_start3A_481 = arith.constant 0 : i32
    %dma_start3A_482 = tpu.memref_slice %arg4[%dma_start3A_480, %dma_start3A_481] : memref<100000x128xf32, #tpu.memory_space<hbm>> -> memref<100000x128xf32, #tpu.memory_space<hbm>>
    tpu.enqueue_indirect_dma source(%dma_start3A_482 : memref<100000x128xf32, #tpu.memory_space<hbm>>) target(%dma_start3A_477 : memref<64x128xf32, #tpu.memory_space<vmem>>) offsets(%dma_start3A_479 : memref<64xi32, #tpu.memory_space<vmem>>) semaphore(%arg13 : memref<!tpu.dma_semaphore, #tpu.memory_space<semaphore_mem>>)
    %dma_start3A_483 = arith.constant 2 : i32
    %dma_start3A_484 = arith.constant 0 : i32
    %dma_start3A_485 = arith.constant 0 : i32
    %dma_start3A_486 = tpu.memref_slice %arg9[%dma_start3A_483, %dma_start3A_484, %dma_start3A_485] : memref<5x64x128xf32, #tpu.memory_space<vmem>> -> memref<1x64x128xf32, #tpu.memory_space<vmem>>
    %dma_start3A_487 = tpu.memref_squeeze %dma_start3A_486 : memref<1x64x128xf32, #tpu.memory_space<vmem>> -> memref<64x128xf32, #tpu.memory_space<vmem>>
    %dma_start3A_488 = arith.constant 448 : i32
    %dma_start3A_489 = tpu.memref_slice %arg7[%dma_start3A_488] : memref<512xi32, #tpu.memory_space<vmem>> -> memref<64xi32, #tpu.memory_space<vmem>>
    %dma_start3A_490 = arith.constant 0 : i32
    %dma_start3A_491 = arith.constant 0 : i32
    %dma_start3A_492 = tpu.memref_slice %arg5[%dma_start3A_490, %dma_start3A_491] : memref<100000x128xf32, #tpu.memory_space<hbm>> -> memref<100000x128xf32, #tpu.memory_space<hbm>>
    tpu.enqueue_indirect_dma source(%dma_start3A_492 : memref<100000x128xf32, #tpu.memory_space<hbm>>) target(%dma_start3A_487 : memref<64x128xf32, #tpu.memory_space<vmem>>) offsets(%dma_start3A_489 : memref<64xi32, #tpu.memory_space<vmem>>) semaphore(%arg18 : memref<!tpu.dma_semaphore, #tpu.memory_space<semaphore_mem>>)
    %mul3A_493 = arith.constant 512 : i32
    %mul3A_494 = arith.muli %add3A, %mul3A_493 : i32
    %add3A_495 = arith.constant 448 : i32
    %add3A_496 = arith.addi %mul3A_494, %add3A_495 : i32
    %dma_start3A_497 = arith.constant 2 : i32
    %dma_start3A_498 = arith.constant 0 : i32
    %dma_start3A_499 = arith.constant 0 : i32
    %dma_start3A_500 = tpu.memref_slice %arg10[%dma_start3A_497, %dma_start3A_498, %dma_start3A_499] : memref<5x64x128xf32, #tpu.memory_space<vmem>> -> memref<1x64x128xf32, #tpu.memory_space<vmem>>
    %dma_start3A_501 = tpu.memref_squeeze %dma_start3A_500 : memref<1x64x128xf32, #tpu.memory_space<vmem>> -> memref<64x128xf32, #tpu.memory_space<vmem>>
    %dma_start3A_502 = arith.constant 0 : i32
    %dma_start3A_503 = tpu.memref_slice %arg2[%add3A_496, %dma_start3A_502] : memref<16384x128xf32, #tpu.memory_space<hbm>> -> memref<64x128xf32, #tpu.memory_space<hbm>>
    %dma_start3A_504 = arith.constant 0 : i32
    %dma_start3A_505 = arith.constant 0 : i32
    %dma_start3A_506 = tpu.memref_slice %arg10[%dma_start3A_497, %dma_start3A_504, %dma_start3A_505] : memref<5x64x128xf32, #tpu.memory_space<vmem>> -> memref<1x64x128xf32, #tpu.memory_space<vmem>>
    %dma_start3A_507 = tpu.memref_squeeze %dma_start3A_506 : memref<1x64x128xf32, #tpu.memory_space<vmem>> -> memref<64x128xf32, #tpu.memory_space<vmem>>
    %dma_start3A_508 = arith.constant 0 : i32
    %dma_start3A_509 = tpu.memref_slice %arg2[%add3A_496, %dma_start3A_508] : memref<16384x128xf32, #tpu.memory_space<hbm>> -> memref<64x128xf32, #tpu.memory_space<hbm>>
    tpu.enqueue_dma source(%dma_start3A_509 : memref<64x128xf32, #tpu.memory_space<hbm>>) target(%dma_start3A_507 : memref<64x128xf32, #tpu.memory_space<vmem>>) target_semaphore(%arg23 : memref<!tpu.dma_semaphore, #tpu.memory_space<semaphore_mem>>)
    %dma_wait3A_510 = arith.constant 3 : i32
    %dma_wait3A_511 = arith.constant 0 : i32
    %dma_wait3A_512 = arith.constant 0 : i32
    %dma_wait3A_513 = tpu.memref_slice %arg8[%dma_wait3A_510, %dma_wait3A_511, %dma_wait3A_512] : memref<5x64x128xf32, #tpu.memory_space<vmem>> -> memref<1x64x128xf32, #tpu.memory_space<vmem>>
    %dma_wait3A_514 = tpu.memref_squeeze %dma_wait3A_513 : memref<1x64x128xf32, #tpu.memory_space<vmem>> -> memref<64x128xf32, #tpu.memory_space<vmem>>
    %dma_wait3A_515 = arith.constant 192 : i32
    %dma_wait3A_516 = tpu.memref_slice %arg7[%dma_wait3A_515] : memref<512xi32, #tpu.memory_space<vmem>> -> memref<64xi32, #tpu.memory_space<vmem>>
    %dma_wait3A_517 = arith.constant 0 : i32
    %dma_wait3A_518 = arith.constant 0 : i32
    %dma_wait3A_519 = tpu.memref_slice %arg4[%dma_wait3A_517, %dma_wait3A_518] : memref<100000x128xf32, #tpu.memory_space<hbm>> -> memref<100000x128xf32, #tpu.memory_space<hbm>>
    tpu.wait_indirect_dma semaphore(%arg14 : memref<!tpu.dma_semaphore, #tpu.memory_space<semaphore_mem>>) src(%dma_wait3A_519 : memref<100000x128xf32, #tpu.memory_space<hbm>>) dst(%dma_wait3A_514 : memref<64x128xf32, #tpu.memory_space<vmem>>)
    %dma_wait3A_520 = arith.constant 3 : i32
    %dma_wait3A_521 = arith.constant 0 : i32
    %dma_wait3A_522 = arith.constant 0 : i32
    %dma_wait3A_523 = tpu.memref_slice %arg9[%dma_wait3A_520, %dma_wait3A_521, %dma_wait3A_522] : memref<5x64x128xf32, #tpu.memory_space<vmem>> -> memref<1x64x128xf32, #tpu.memory_space<vmem>>
    %dma_wait3A_524 = tpu.memref_squeeze %dma_wait3A_523 : memref<1x64x128xf32, #tpu.memory_space<vmem>> -> memref<64x128xf32, #tpu.memory_space<vmem>>
    %dma_wait3A_525 = arith.constant 192 : i32
    %dma_wait3A_526 = tpu.memref_slice %arg7[%dma_wait3A_525] : memref<512xi32, #tpu.memory_space<vmem>> -> memref<64xi32, #tpu.memory_space<vmem>>
    %dma_wait3A_527 = arith.constant 0 : i32
    %dma_wait3A_528 = arith.constant 0 : i32
    %dma_wait3A_529 = tpu.memref_slice %arg5[%dma_wait3A_527, %dma_wait3A_528] : memref<100000x128xf32, #tpu.memory_space<hbm>> -> memref<100000x128xf32, #tpu.memory_space<hbm>>
    tpu.wait_indirect_dma semaphore(%arg19 : memref<!tpu.dma_semaphore, #tpu.memory_space<semaphore_mem>>) src(%dma_wait3A_529 : memref<100000x128xf32, #tpu.memory_space<hbm>>) dst(%dma_wait3A_524 : memref<64x128xf32, #tpu.memory_space<vmem>>)
    %dma_wait3A_530 = arith.constant 3 : i32
    %dma_wait3A_531 = arith.constant 0 : i32
    %dma_wait3A_532 = arith.constant 0 : i32
    %dma_wait3A_533 = tpu.memref_slice %arg10[%dma_wait3A_530, %dma_wait3A_531, %dma_wait3A_532] : memref<5x64x128xf32, #tpu.memory_space<vmem>> -> memref<1x64x128xf32, #tpu.memory_space<vmem>>
    %dma_wait3A_534 = tpu.memref_squeeze %dma_wait3A_533 : memref<1x64x128xf32, #tpu.memory_space<vmem>> -> memref<64x128xf32, #tpu.memory_space<vmem>>
    %dma_wait3A_535 = arith.constant 0 : i32
    %dma_wait3A_536 = tpu.memref_slice %arg2[%add3A_54, %dma_wait3A_535] : memref<16384x128xf32, #tpu.memory_space<hbm>> -> memref<64x128xf32, #tpu.memory_space<hbm>>
    %dma_wait3A_537 = arith.constant 0 : i32
    %dma_wait3A_538 = arith.constant 0 : i32
    %dma_wait3A_539 = tpu.memref_slice %arg10[%dma_wait3A_530, %dma_wait3A_537, %dma_wait3A_538] : memref<5x64x128xf32, #tpu.memory_space<vmem>> -> memref<1x64x128xf32, #tpu.memory_space<vmem>>
    %dma_wait3A_540 = tpu.memref_squeeze %dma_wait3A_539 : memref<1x64x128xf32, #tpu.memory_space<vmem>> -> memref<64x128xf32, #tpu.memory_space<vmem>>
    %dma_wait3A_541 = arith.constant 0 : i32
    %dma_wait3A_542 = tpu.memref_slice %arg2[%add3A_54, %dma_wait3A_541] : memref<16384x128xf32, #tpu.memory_space<hbm>> -> memref<64x128xf32, #tpu.memory_space<hbm>>
    tpu.wait_dma2 semaphore(%arg24 : memref<!tpu.dma_semaphore, #tpu.memory_space<semaphore_mem>>) src(%dma_wait3A_542 : memref<64x128xf32, #tpu.memory_space<hbm>>) dst(%dma_wait3A_540 : memref<64x128xf32, #tpu.memory_space<vmem>>)
    %scan3A_543 = arith.constant 0 : i32
    %scan3A_544 = arith.constant 0 : i32
    %scan3A_545 = arith.constant 64 : i32
    %scan3A_546 = arith.addi %scan3A_544, %scan3A_545 : i32
    %scan3A_547 = arith.constant 1 : i32
    %scan3A_548 = scf.for %scan3A_860 = %scan3A_544 to %scan3A_546 step %scan3A_547 iter_args(%scan3A_861 = %scan3A_543) -> (i32)  : i32 {
      %get3A = arith.constant 3 : i32
      %get3A_862 = arith.index_cast %get3A : i32 to index
      %get3A_863 = arith.index_cast %scan3A_860 : i32 to index
      %get3A_864 = arith.constant 0 : index
      %get3A_865 = tpu.vector_load %arg8[%get3A_862, %get3A_863, %get3A_864] {strides = array<i32>} : memref<5x64x128xf32, #tpu.memory_space<vmem>>, vector<1x1x16xf32>,
      %get3A_866 = vector.shape_cast %get3A_865 : vector<1x1x16xf32> to vector<16xf32>
      %get3A_867 = arith.constant 3 : i32
      %get3A_868 = arith.index_cast %get3A_867 : i32 to index
      %get3A_869 = arith.index_cast %scan3A_860 : i32 to index
      %get3A_870 = arith.constant 0 : index
      %get3A_871 = tpu.vector_load %arg10[%get3A_868, %get3A_869, %get3A_870] {strides = array<i32>} : memref<5x64x128xf32, #tpu.memory_space<vmem>>, vector<1x1x16xf32>,
      %get3A_872 = vector.shape_cast %get3A_871 : vector<1x1x16xf32> to vector<16xf32>
      %mul3A_873 = arith.mulf %get3A_866, %get3A_872 : vector<16xf32>
      %get3A_874 = arith.constant 3 : i32
      %get3A_875 = arith.index_cast %get3A_874 : i32 to index
      %get3A_876 = arith.index_cast %scan3A_860 : i32 to index
      %get3A_877 = arith.constant 0 : index
      %get3A_878 = tpu.vector_load %arg9[%get3A_875, %get3A_876, %get3A_877] {strides = array<i32>} : memref<5x64x128xf32, #tpu.memory_space<vmem>>, vector<1x1x16xf32>,
      %get3A_879 = vector.shape_cast %get3A_878 : vector<1x1x16xf32> to vector<16xf32>
      %add3A_880 = arith.addf %mul3A_873, %get3A_879 : vector<16xf32>
      %swap3A = arith.constant 3 : i32
      %swap3A_881 = arith.index_cast %swap3A : i32 to index
      %swap3A_882 = arith.index_cast %scan3A_860 : i32 to index
      %swap3A_883 = arith.constant 0 : index
      %swap3A_884 = tpu.vector_load %arg10[%swap3A_881, %swap3A_882, %swap3A_883] {strides = array<i32>} : memref<5x64x128xf32, #tpu.memory_space<vmem>>, vector<1x1x16xf32>,
      %swap3A_885 = vector.shape_cast %swap3A_884 : vector<1x1x16xf32> to vector<16xf32>
      %swap3A_886 = vector.shape_cast %add3A_880 : vector<16xf32> to vector<1x1x16xf32>
      tpu.vector_store %arg10[%swap3A_881, %swap3A_882, %swap3A_883], %swap3A_886 {strides = array<i32>} : memref<5x64x128xf32, #tpu.memory_space<vmem>>, vector<1x1x16xf32>,
      %get3A_887 = arith.constant 3 : i32
      %get3A_888 = arith.index_cast %get3A_887 : i32 to index
      %get3A_889 = arith.index_cast %scan3A_860 : i32 to index
      %get3A_890 = arith.constant 16 : index
      %get3A_891 = tpu.vector_load %arg8[%get3A_888, %get3A_889, %get3A_890] {strides = array<i32>} : memref<5x64x128xf32, #tpu.memory_space<vmem>>, vector<1x1x16xf32>,
      %get3A_892 = vector.shape_cast %get3A_891 : vector<1x1x16xf32> to vector<16xf32>
      %get3A_893 = arith.constant 3 : i32
      %get3A_894 = arith.index_cast %get3A_893 : i32 to index
      %get3A_895 = arith.index_cast %scan3A_860 : i32 to index
      %get3A_896 = arith.constant 16 : index
      %get3A_897 = tpu.vector_load %arg10[%get3A_894, %get3A_895, %get3A_896] {strides = array<i32>} : memref<5x64x128xf32, #tpu.memory_space<vmem>>, vector<1x1x16xf32>,
      %get3A_898 = vector.shape_cast %get3A_897 : vector<1x1x16xf32> to vector<16xf32>
      %mul3A_899 = arith.mulf %get3A_892, %get3A_898 : vector<16xf32>
      %get3A_900 = arith.constant 3 : i32
      %get3A_901 = arith.index_cast %get3A_900 : i32 to index
      %get3A_902 = arith.index_cast %scan3A_860 : i32 to index
      %get3A_903 = arith.constant 16 : index
      %get3A_904 = tpu.vector_load %arg9[%get3A_901, %get3A_902, %get3A_903] {strides = array<i32>} : memref<5x64x128xf32, #tpu.memory_space<vmem>>, vector<1x1x16xf32>,
      %get3A_905 = vector.shape_cast %get3A_904 : vector<1x1x16xf32> to vector<16xf32>
      %add3A_906 = arith.addf %mul3A_899, %get3A_905 : vector<16xf32>
      %swap3A_907 = arith.constant 3 : i32
      %swap3A_908 = arith.index_cast %swap3A_907 : i32 to index
      %swap3A_909 = arith.index_cast %scan3A_860 : i32 to index
      %swap3A_910 = arith.constant 16 : index
      %swap3A_911 = tpu.vector_load %arg10[%swap3A_908, %swap3A_909, %swap3A_910] {strides = array<i32>} : memref<5x64x128xf32, #tpu.memory_space<vmem>>, vector<1x1x16xf32>,
      %swap3A_912 = vector.shape_cast %swap3A_911 : vector<1x1x16xf32> to vector<16xf32>
      %swap3A_913 = vector.shape_cast %add3A_906 : vector<16xf32> to vector<1x1x16xf32>
      tpu.vector_store %arg10[%swap3A_908, %swap3A_909, %swap3A_910], %swap3A_913 {strides = array<i32>} : memref<5x64x128xf32, #tpu.memory_space<vmem>>, vector<1x1x16xf32>,
      %get3A_914 = arith.constant 3 : i32
      %get3A_915 = arith.index_cast %get3A_914 : i32 to index
      %get3A_916 = arith.index_cast %scan3A_860 : i32 to index
      %get3A_917 = arith.constant 32 : index
      %get3A_918 = tpu.vector_load %arg8[%get3A_915, %get3A_916, %get3A_917] {strides = array<i32>} : memref<5x64x128xf32, #tpu.memory_space<vmem>>, vector<1x1x16xf32>,
      %get3A_919 = vector.shape_cast %get3A_918 : vector<1x1x16xf32> to vector<16xf32>
      %get3A_920 = arith.constant 3 : i32
      %get3A_921 = arith.index_cast %get3A_920 : i32 to index
      %get3A_922 = arith.index_cast %scan3A_860 : i32 to index
      %get3A_923 = arith.constant 32 : index
      %get3A_924 = tpu.vector_load %arg10[%get3A_921, %get3A_922, %get3A_923] {strides = array<i32>} : memref<5x64x128xf32, #tpu.memory_space<vmem>>, vector<1x1x16xf32>,
      %get3A_925 = vector.shape_cast %get3A_924 : vector<1x1x16xf32> to vector<16xf32>
      %mul3A_926 = arith.mulf %get3A_919, %get3A_925 : vector<16xf32>
      %get3A_927 = arith.constant 3 : i32
      %get3A_928 = arith.index_cast %get3A_927 : i32 to index
      %get3A_929 = arith.index_cast %scan3A_860 : i32 to index
      %get3A_930 = arith.constant 32 : index
      %get3A_931 = tpu.vector_load %arg9[%get3A_928, %get3A_929, %get3A_930] {strides = array<i32>} : memref<5x64x128xf32, #tpu.memory_space<vmem>>, vector<1x1x16xf32>,
      %get3A_932 = vector.shape_cast %get3A_931 : vector<1x1x16xf32> to vector<16xf32>
      %add3A_933 = arith.addf %mul3A_926, %get3A_932 : vector<16xf32>
      %swap3A_934 = arith.constant 3 : i32
      %swap3A_935 = arith.index_cast %swap3A_934 : i32 to index
      %swap3A_936 = arith.index_cast %scan3A_860 : i32 to index
      %swap3A_937 = arith.constant 32 : index
      %swap3A_938 = tpu.vector_load %arg10[%swap3A_935, %swap3A_936, %swap3A_937] {strides = array<i32>} : memref<5x64x128xf32, #tpu.memory_space<vmem>>, vector<1x1x16xf32>,
      %swap3A_939 = vector.shape_cast %swap3A_938 : vector<1x1x16xf32> to vector<16xf32>
      %swap3A_940 = vector.shape_cast %add3A_933 : vector<16xf32> to vector<1x1x16xf32>
      tpu.vector_store %arg10[%swap3A_935, %swap3A_936, %swap3A_937], %swap3A_940 {strides = array<i32>} : memref<5x64x128xf32, #tpu.memory_space<vmem>>, vector<1x1x16xf32>,
      %get3A_941 = arith.constant 3 : i32
      %get3A_942 = arith.index_cast %get3A_941 : i32 to index
      %get3A_943 = arith.index_cast %scan3A_860 : i32 to index
      %get3A_944 = arith.constant 48 : index
      %get3A_945 = tpu.vector_load %arg8[%get3A_942, %get3A_943, %get3A_944] {strides = array<i32>} : memref<5x64x128xf32, #tpu.memory_space<vmem>>, vector<1x1x16xf32>,
      %get3A_946 = vector.shape_cast %get3A_945 : vector<1x1x16xf32> to vector<16xf32>
      %get3A_947 = arith.constant 3 : i32
      %get3A_948 = arith.index_cast %get3A_947 : i32 to index
      %get3A_949 = arith.index_cast %scan3A_860 : i32 to index
      %get3A_950 = arith.constant 48 : index
      %get3A_951 = tpu.vector_load %arg10[%get3A_948, %get3A_949, %get3A_950] {strides = array<i32>} : memref<5x64x128xf32, #tpu.memory_space<vmem>>, vector<1x1x16xf32>,
      %get3A_952 = vector.shape_cast %get3A_951 : vector<1x1x16xf32> to vector<16xf32>
      %mul3A_953 = arith.mulf %get3A_946, %get3A_952 : vector<16xf32>
      %get3A_954 = arith.constant 3 : i32
      %get3A_955 = arith.index_cast %get3A_954 : i32 to index
      %get3A_956 = arith.index_cast %scan3A_860 : i32 to index
      %get3A_957 = arith.constant 48 : index
      %get3A_958 = tpu.vector_load %arg9[%get3A_955, %get3A_956, %get3A_957] {strides = array<i32>} : memref<5x64x128xf32, #tpu.memory_space<vmem>>, vector<1x1x16xf32>,
      %get3A_959 = vector.shape_cast %get3A_958 : vector<1x1x16xf32> to vector<16xf32>
      %add3A_960 = arith.addf %mul3A_953, %get3A_959 : vector<16xf32>
      %swap3A_961 = arith.constant 3 : i32
      %swap3A_962 = arith.index_cast %swap3A_961 : i32 to index
      %swap3A_963 = arith.index_cast %scan3A_860 : i32 to index
      %swap3A_964 = arith.constant 48 : index
      %swap3A_965 = tpu.vector_load %arg10[%swap3A_962, %swap3A_963, %swap3A_964] {strides = array<i32>} : memref<5x64x128xf32, #tpu.memory_space<vmem>>, vector<1x1x16xf32>,
      %swap3A_966 = vector.shape_cast %swap3A_965 : vector<1x1x16xf32> to vector<16xf32>
      %swap3A_967 = vector.shape_cast %add3A_960 : vector<16xf32> to vector<1x1x16xf32>
      tpu.vector_store %arg10[%swap3A_962, %swap3A_963, %swap3A_964], %swap3A_967 {strides = array<i32>} : memref<5x64x128xf32, #tpu.memory_space<vmem>>, vector<1x1x16xf32>,
      %get3A_968 = arith.constant 3 : i32
      %get3A_969 = arith.index_cast %get3A_968 : i32 to index
      %get3A_970 = arith.index_cast %scan3A_860 : i32 to index
      %get3A_971 = arith.constant 64 : index
      %get3A_972 = tpu.vector_load %arg8[%get3A_969, %get3A_970, %get3A_971] {strides = array<i32>} : memref<5x64x128xf32, #tpu.memory_space<vmem>>, vector<1x1x16xf32>,
      %get3A_973 = vector.shape_cast %get3A_972 : vector<1x1x16xf32> to vector<16xf32>
      %get3A_974 = arith.constant 3 : i32
      %get3A_975 = arith.index_cast %get3A_974 : i32 to index
      %get3A_976 = arith.index_cast %scan3A_860 : i32 to index
      %get3A_977 = arith.constant 64 : index
      %get3A_978 = tpu.vector_load %arg10[%get3A_975, %get3A_976, %get3A_977] {strides = array<i32>} : memref<5x64x128xf32, #tpu.memory_space<vmem>>, vector<1x1x16xf32>,
      %get3A_979 = vector.shape_cast %get3A_978 : vector<1x1x16xf32> to vector<16xf32>
      %mul3A_980 = arith.mulf %get3A_973, %get3A_979 : vector<16xf32>
      %get3A_981 = arith.constant 3 : i32
      %get3A_982 = arith.index_cast %get3A_981 : i32 to index
      %get3A_983 = arith.index_cast %scan3A_860 : i32 to index
      %get3A_984 = arith.constant 64 : index
      %get3A_985 = tpu.vector_load %arg9[%get3A_982, %get3A_983, %get3A_984] {strides = array<i32>} : memref<5x64x128xf32, #tpu.memory_space<vmem>>, vector<1x1x16xf32>,
      %get3A_986 = vector.shape_cast %get3A_985 : vector<1x1x16xf32> to vector<16xf32>
      %add3A_987 = arith.addf %mul3A_980, %get3A_986 : vector<16xf32>
      %swap3A_988 = arith.constant 3 : i32
      %swap3A_989 = arith.index_cast %swap3A_988 : i32 to index
      %swap3A_990 = arith.index_cast %scan3A_860 : i32 to index
      %swap3A_991 = arith.constant 64 : index
      %swap3A_992 = tpu.vector_load %arg10[%swap3A_989, %swap3A_990, %swap3A_991] {strides = array<i32>} : memref<5x64x128xf32, #tpu.memory_space<vmem>>, vector<1x1x16xf32>,
      %swap3A_993 = vector.shape_cast %swap3A_992 : vector<1x1x16xf32> to vector<16xf32>
      %swap3A_994 = vector.shape_cast %add3A_987 : vector<16xf32> to vector<1x1x16xf32>
      tpu.vector_store %arg10[%swap3A_989, %swap3A_990, %swap3A_991], %swap3A_994 {strides = array<i32>} : memref<5x64x128xf32, #tpu.memory_space<vmem>>, vector<1x1x16xf32>,
      %get3A_995 = arith.constant 3 : i32
      %get3A_996 = arith.index_cast %get3A_995 : i32 to index
      %get3A_997 = arith.index_cast %scan3A_860 : i32 to index
      %get3A_998 = arith.constant 80 : index
      %get3A_999 = tpu.vector_load %arg8[%get3A_996, %get3A_997, %get3A_998] {strides = array<i32>} : memref<5x64x128xf32, #tpu.memory_space<vmem>>, vector<1x1x16xf32>,
      %get3A_1000 = vector.shape_cast %get3A_999 : vector<1x1x16xf32> to vector<16xf32>
      %get3A_1001 = arith.constant 3 : i32
      %get3A_1002 = arith.index_cast %get3A_1001 : i32 to index
      %get3A_1003 = arith.index_cast %scan3A_860 : i32 to index
      %get3A_1004 = arith.constant 80 : index
      %get3A_1005 = tpu.vector_load %arg10[%get3A_1002, %get3A_1003, %get3A_1004] {strides = array<i32>} : memref<5x64x128xf32, #tpu.memory_space<vmem>>, vector<1x1x16xf32>,
      %get3A_1006 = vector.shape_cast %get3A_1005 : vector<1x1x16xf32> to vector<16xf32>
      %mul3A_1007 = arith.mulf %get3A_1000, %get3A_1006 : vector<16xf32>
      %get3A_1008 = arith.constant 3 : i32
      %get3A_1009 = arith.index_cast %get3A_1008 : i32 to index
      %get3A_1010 = arith.index_cast %scan3A_860 : i32 to index
      %get3A_1011 = arith.constant 80 : index
      %get3A_1012 = tpu.vector_load %arg9[%get3A_1009, %get3A_1010, %get3A_1011] {strides = array<i32>} : memref<5x64x128xf32, #tpu.memory_space<vmem>>, vector<1x1x16xf32>,
      %get3A_1013 = vector.shape_cast %get3A_1012 : vector<1x1x16xf32> to vector<16xf32>
      %add3A_1014 = arith.addf %mul3A_1007, %get3A_1013 : vector<16xf32>
      %swap3A_1015 = arith.constant 3 : i32
      %swap3A_1016 = arith.index_cast %swap3A_1015 : i32 to index
      %swap3A_1017 = arith.index_cast %scan3A_860 : i32 to index
      %swap3A_1018 = arith.constant 80 : index
      %swap3A_1019 = tpu.vector_load %arg10[%swap3A_1016, %swap3A_1017, %swap3A_1018] {strides = array<i32>} : memref<5x64x128xf32, #tpu.memory_space<vmem>>, vector<1x1x16xf32>,
      %swap3A_1020 = vector.shape_cast %swap3A_1019 : vector<1x1x16xf32> to vector<16xf32>
      %swap3A_1021 = vector.shape_cast %add3A_1014 : vector<16xf32> to vector<1x1x16xf32>
      tpu.vector_store %arg10[%swap3A_1016, %swap3A_1017, %swap3A_1018], %swap3A_1021 {strides = array<i32>} : memref<5x64x128xf32, #tpu.memory_space<vmem>>, vector<1x1x16xf32>,
      %get3A_1022 = arith.constant 3 : i32
      %get3A_1023 = arith.index_cast %get3A_1022 : i32 to index
      %get3A_1024 = arith.index_cast %scan3A_860 : i32 to index
      %get3A_1025 = arith.constant 96 : index
      %get3A_1026 = tpu.vector_load %arg8[%get3A_1023, %get3A_1024, %get3A_1025] {strides = array<i32>} : memref<5x64x128xf32, #tpu.memory_space<vmem>>, vector<1x1x16xf32>,
      %get3A_1027 = vector.shape_cast %get3A_1026 : vector<1x1x16xf32> to vector<16xf32>
      %get3A_1028 = arith.constant 3 : i32
      %get3A_1029 = arith.index_cast %get3A_1028 : i32 to index
      %get3A_1030 = arith.index_cast %scan3A_860 : i32 to index
      %get3A_1031 = arith.constant 96 : index
      %get3A_1032 = tpu.vector_load %arg10[%get3A_1029, %get3A_1030, %get3A_1031] {strides = array<i32>} : memref<5x64x128xf32, #tpu.memory_space<vmem>>, vector<1x1x16xf32>,
      %get3A_1033 = vector.shape_cast %get3A_1032 : vector<1x1x16xf32> to vector<16xf32>
      %mul3A_1034 = arith.mulf %get3A_1027, %get3A_1033 : vector<16xf32>
      %get3A_1035 = arith.constant 3 : i32
      %get3A_1036 = arith.index_cast %get3A_1035 : i32 to index
      %get3A_1037 = arith.index_cast %scan3A_860 : i32 to index
      %get3A_1038 = arith.constant 96 : index
      %get3A_1039 = tpu.vector_load %arg9[%get3A_1036, %get3A_1037, %get3A_1038] {strides = array<i32>} : memref<5x64x128xf32, #tpu.memory_space<vmem>>, vector<1x1x16xf32>,
      %get3A_1040 = vector.shape_cast %get3A_1039 : vector<1x1x16xf32> to vector<16xf32>
      %add3A_1041 = arith.addf %mul3A_1034, %get3A_1040 : vector<16xf32>
      %swap3A_1042 = arith.constant 3 : i32
      %swap3A_1043 = arith.index_cast %swap3A_1042 : i32 to index
      %swap3A_1044 = arith.index_cast %scan3A_860 : i32 to index
      %swap3A_1045 = arith.constant 96 : index
      %swap3A_1046 = tpu.vector_load %arg10[%swap3A_1043, %swap3A_1044, %swap3A_1045] {strides = array<i32>} : memref<5x64x128xf32, #tpu.memory_space<vmem>>, vector<1x1x16xf32>,
      %swap3A_1047 = vector.shape_cast %swap3A_1046 : vector<1x1x16xf32> to vector<16xf32>
      %swap3A_1048 = vector.shape_cast %add3A_1041 : vector<16xf32> to vector<1x1x16xf32>
      tpu.vector_store %arg10[%swap3A_1043, %swap3A_1044, %swap3A_1045], %swap3A_1048 {strides = array<i32>} : memref<5x64x128xf32, #tpu.memory_space<vmem>>, vector<1x1x16xf32>,
      %get3A_1049 = arith.constant 3 : i32
      %get3A_1050 = arith.index_cast %get3A_1049 : i32 to index
      %get3A_1051 = arith.index_cast %scan3A_860 : i32 to index
      %get3A_1052 = arith.constant 112 : index
      %get3A_1053 = tpu.vector_load %arg8[%get3A_1050, %get3A_1051, %get3A_1052] {strides = array<i32>} : memref<5x64x128xf32, #tpu.memory_space<vmem>>, vector<1x1x16xf32>,
      %get3A_1054 = vector.shape_cast %get3A_1053 : vector<1x1x16xf32> to vector<16xf32>
      %get3A_1055 = arith.constant 3 : i32
      %get3A_1056 = arith.index_cast %get3A_1055 : i32 to index
      %get3A_1057 = arith.index_cast %scan3A_860 : i32 to index
      %get3A_1058 = arith.constant 112 : index
      %get3A_1059 = tpu.vector_load %arg10[%get3A_1056, %get3A_1057, %get3A_1058] {strides = array<i32>} : memref<5x64x128xf32, #tpu.memory_space<vmem>>, vector<1x1x16xf32>,
      %get3A_1060 = vector.shape_cast %get3A_1059 : vector<1x1x16xf32> to vector<16xf32>
      %mul3A_1061 = arith.mulf %get3A_1054, %get3A_1060 : vector<16xf32>
      %get3A_1062 = arith.constant 3 : i32
      %get3A_1063 = arith.index_cast %get3A_1062 : i32 to index
      %get3A_1064 = arith.index_cast %scan3A_860 : i32 to index
      %get3A_1065 = arith.constant 112 : index
      %get3A_1066 = tpu.vector_load %arg9[%get3A_1063, %get3A_1064, %get3A_1065] {strides = array<i32>} : memref<5x64x128xf32, #tpu.memory_space<vmem>>, vector<1x1x16xf32>,
      %get3A_1067 = vector.shape_cast %get3A_1066 : vector<1x1x16xf32> to vector<16xf32>
      %add3A_1068 = arith.addf %mul3A_1061, %get3A_1067 : vector<16xf32>
      %swap3A_1069 = arith.constant 3 : i32
      %swap3A_1070 = arith.index_cast %swap3A_1069 : i32 to index
      %swap3A_1071 = arith.index_cast %scan3A_860 : i32 to index
      %swap3A_1072 = arith.constant 112 : index
      %swap3A_1073 = tpu.vector_load %arg10[%swap3A_1070, %swap3A_1071, %swap3A_1072] {strides = array<i32>} : memref<5x64x128xf32, #tpu.memory_space<vmem>>, vector<1x1x16xf32>,
      %swap3A_1074 = vector.shape_cast %swap3A_1073 : vector<1x1x16xf32> to vector<16xf32>
      %swap3A_1075 = vector.shape_cast %add3A_1068 : vector<16xf32> to vector<1x1x16xf32>
      tpu.vector_store %arg10[%swap3A_1070, %swap3A_1071, %swap3A_1072], %swap3A_1075 {strides = array<i32>} : memref<5x64x128xf32, #tpu.memory_space<vmem>>, vector<1x1x16xf32>,
      %scan3A_1076 = arith.constant 0 : i32
      scf.yield %scan3A_1076 : i32
    }
    %scan3A_549 = arith.constant 64 : i32
    %mul3A_550 = arith.constant 512 : i32
    %mul3A_551 = arith.muli %add3A, %mul3A_550 : i32
    %add3A_552 = arith.constant 192 : i32
    %add3A_553 = arith.addi %mul3A_551, %add3A_552 : i32
    %dma_start3A_554 = arith.constant 3 : i32
    %dma_start3A_555 = arith.constant 0 : i32
    %dma_start3A_556 = arith.constant 0 : i32
    %dma_start3A_557 = tpu.memref_slice %arg10[%dma_start3A_554, %dma_start3A_555, %dma_start3A_556] : memref<5x64x128xf32, #tpu.memory_space<vmem>> -> memref<1x64x128xf32, #tpu.memory_space<vmem>>
    %dma_start3A_558 = tpu.memref_squeeze %dma_start3A_557 : memref<1x64x128xf32, #tpu.memory_space<vmem>> -> memref<64x128xf32, #tpu.memory_space<vmem>>
    %dma_start3A_559 = arith.constant 0 : i32
    %dma_start3A_560 = tpu.memref_slice %arg6[%add3A_553, %dma_start3A_559] : memref<16384x128xf32, #tpu.memory_space<hbm>> -> memref<64x128xf32, #tpu.memory_space<hbm>>
    %dma_start3A_561 = arith.constant 0 : i32
    %dma_start3A_562 = tpu.memref_slice %arg6[%add3A_553, %dma_start3A_561] : memref<16384x128xf32, #tpu.memory_space<hbm>> -> memref<64x128xf32, #tpu.memory_space<hbm>>
    %dma_start3A_563 = arith.constant 0 : i32
    %dma_start3A_564 = arith.constant 0 : i32
    %dma_start3A_565 = tpu.memref_slice %arg10[%dma_start3A_554, %dma_start3A_563, %dma_start3A_564] : memref<5x64x128xf32, #tpu.memory_space<vmem>> -> memref<1x64x128xf32, #tpu.memory_space<vmem>>
    %dma_start3A_566 = tpu.memref_squeeze %dma_start3A_565 : memref<1x64x128xf32, #tpu.memory_space<vmem>> -> memref<64x128xf32, #tpu.memory_space<vmem>>
    tpu.enqueue_dma source(%dma_start3A_566 : memref<64x128xf32, #tpu.memory_space<vmem>>) target(%dma_start3A_562 : memref<64x128xf32, #tpu.memory_space<hbm>>) target_semaphore(%arg29 : memref<!tpu.dma_semaphore, #tpu.memory_space<semaphore_mem>>)
    %dma_wait3A_567 = arith.constant 4 : i32
    %dma_wait3A_568 = arith.constant 0 : i32
    %dma_wait3A_569 = arith.constant 0 : i32
    %dma_wait3A_570 = tpu.memref_slice %arg8[%dma_wait3A_567, %dma_wait3A_568, %dma_wait3A_569] : memref<5x64x128xf32, #tpu.memory_space<vmem>> -> memref<1x64x128xf32, #tpu.memory_space<vmem>>
    %dma_wait3A_571 = tpu.memref_squeeze %dma_wait3A_570 : memref<1x64x128xf32, #tpu.memory_space<vmem>> -> memref<64x128xf32, #tpu.memory_space<vmem>>
    %dma_wait3A_572 = arith.constant 256 : i32
    %dma_wait3A_573 = tpu.memref_slice %arg7[%dma_wait3A_572] : memref<512xi32, #tpu.memory_space<vmem>> -> memref<64xi32, #tpu.memory_space<vmem>>
    %dma_wait3A_574 = arith.constant 0 : i32
    %dma_wait3A_575 = arith.constant 0 : i32
    %dma_wait3A_576 = tpu.memref_slice %arg4[%dma_wait3A_574, %dma_wait3A_575] : memref<100000x128xf32, #tpu.memory_space<hbm>> -> memref<100000x128xf32, #tpu.memory_space<hbm>>
    tpu.wait_indirect_dma semaphore(%arg15 : memref<!tpu.dma_semaphore, #tpu.memory_space<semaphore_mem>>) src(%dma_wait3A_576 : memref<100000x128xf32, #tpu.memory_space<hbm>>) dst(%dma_wait3A_571 : memref<64x128xf32, #tpu.memory_space<vmem>>)
    %dma_wait3A_577 = arith.constant 4 : i32
    %dma_wait3A_578 = arith.constant 0 : i32
    %dma_wait3A_579 = arith.constant 0 : i32
    %dma_wait3A_580 = tpu.memref_slice %arg9[%dma_wait3A_577, %dma_wait3A_578, %dma_wait3A_579] : memref<5x64x128xf32, #tpu.memory_space<vmem>> -> memref<1x64x128xf32, #tpu.memory_space<vmem>>
    %dma_wait3A_581 = tpu.memref_squeeze %dma_wait3A_580 : memref<1x64x128xf32, #tpu.memory_space<vmem>> -> memref<64x128xf32, #tpu.memory_space<vmem>>
    %dma_wait3A_582 = arith.constant 256 : i32
    %dma_wait3A_583 = tpu.memref_slice %arg7[%dma_wait3A_582] : memref<512xi32, #tpu.memory_space<vmem>> -> memref<64xi32, #tpu.memory_space<vmem>>
    %dma_wait3A_584 = arith.constant 0 : i32
    %dma_wait3A_585 = arith.constant 0 : i32
    %dma_wait3A_586 = tpu.memref_slice %arg5[%dma_wait3A_584, %dma_wait3A_585] : memref<100000x128xf32, #tpu.memory_space<hbm>> -> memref<100000x128xf32, #tpu.memory_space<hbm>>
    tpu.wait_indirect_dma semaphore(%arg20 : memref<!tpu.dma_semaphore, #tpu.memory_space<semaphore_mem>>) src(%dma_wait3A_586 : memref<100000x128xf32, #tpu.memory_space<hbm>>) dst(%dma_wait3A_581 : memref<64x128xf32, #tpu.memory_space<vmem>>)
    %dma_wait3A_587 = arith.constant 4 : i32
    %dma_wait3A_588 = arith.constant 0 : i32
    %dma_wait3A_589 = arith.constant 0 : i32
    %dma_wait3A_590 = tpu.memref_slice %arg10[%dma_wait3A_587, %dma_wait3A_588, %dma_wait3A_589] : memref<5x64x128xf32, #tpu.memory_space<vmem>> -> memref<1x64x128xf32, #tpu.memory_space<vmem>>
    %dma_wait3A_591 = tpu.memref_squeeze %dma_wait3A_590 : memref<1x64x128xf32, #tpu.memory_space<vmem>> -> memref<64x128xf32, #tpu.memory_space<vmem>>
    %dma_wait3A_592 = arith.constant 0 : i32
    %dma_wait3A_593 = tpu.memref_slice %arg2[%add3A_177, %dma_wait3A_592] : memref<16384x128xf32, #tpu.memory_space<hbm>> -> memref<64x128xf32, #tpu.memory_space<hbm>>
    %dma_wait3A_594 = arith.constant 0 : i32
    %dma_wait3A_595 = arith.constant 0 : i32
    %dma_wait3A_596 = tpu.memref_slice %arg10[%dma_wait3A_587, %dma_wait3A_594, %dma_wait3A_595] : memref<5x64x128xf32, #tpu.memory_space<vmem>> -> memref<1x64x128xf32, #tpu.memory_space<vmem>>
    %dma_wait3A_597 = tpu.memref_squeeze %dma_wait3A_596 : memref<1x64x128xf32, #tpu.memory_space<vmem>> -> memref<64x128xf32, #tpu.memory_space<vmem>>
    %dma_wait3A_598 = arith.constant 0 : i32
    %dma_wait3A_599 = tpu.memref_slice %arg2[%add3A_177, %dma_wait3A_598] : memref<16384x128xf32, #tpu.memory_space<hbm>> -> memref<64x128xf32, #tpu.memory_space<hbm>>
    tpu.wait_dma2 semaphore(%arg25 : memref<!tpu.dma_semaphore, #tpu.memory_space<semaphore_mem>>) src(%dma_wait3A_599 : memref<64x128xf32, #tpu.memory_space<hbm>>) dst(%dma_wait3A_597 : memref<64x128xf32, #tpu.memory_space<vmem>>)
    %scan3A_600 = arith.constant 0 : i32
    %scan3A_601 = arith.constant 0 : i32
    %scan3A_602 = arith.constant 64 : i32
    %scan3A_603 = arith.addi %scan3A_601, %scan3A_602 : i32
    %scan3A_604 = arith.constant 1 : i32
    %scan3A_605 = scf.for %scan3A_860 = %scan3A_601 to %scan3A_603 step %scan3A_604 iter_args(%scan3A_861 = %scan3A_600) -> (i32)  : i32 {
      %get3A = arith.constant 4 : i32
      %get3A_862 = arith.index_cast %get3A : i32 to index
      %get3A_863 = arith.index_cast %scan3A_860 : i32 to index
      %get3A_864 = arith.constant 0 : index
      %get3A_865 = tpu.vector_load %arg8[%get3A_862, %get3A_863, %get3A_864] {strides = array<i32>} : memref<5x64x128xf32, #tpu.memory_space<vmem>>, vector<1x1x16xf32>,
      %get3A_866 = vector.shape_cast %get3A_865 : vector<1x1x16xf32> to vector<16xf32>
      %get3A_867 = arith.constant 4 : i32
      %get3A_868 = arith.index_cast %get3A_867 : i32 to index
      %get3A_869 = arith.index_cast %scan3A_860 : i32 to index
      %get3A_870 = arith.constant 0 : index
      %get3A_871 = tpu.vector_load %arg10[%get3A_868, %get3A_869, %get3A_870] {strides = array<i32>} : memref<5x64x128xf32, #tpu.memory_space<vmem>>, vector<1x1x16xf32>,
      %get3A_872 = vector.shape_cast %get3A_871 : vector<1x1x16xf32> to vector<16xf32>
      %mul3A_873 = arith.mulf %get3A_866, %get3A_872 : vector<16xf32>
      %get3A_874 = arith.constant 4 : i32
      %get3A_875 = arith.index_cast %get3A_874 : i32 to index
      %get3A_876 = arith.index_cast %scan3A_860 : i32 to index
      %get3A_877 = arith.constant 0 : index
      %get3A_878 = tpu.vector_load %arg9[%get3A_875, %get3A_876, %get3A_877] {strides = array<i32>} : memref<5x64x128xf32, #tpu.memory_space<vmem>>, vector<1x1x16xf32>,
      %get3A_879 = vector.shape_cast %get3A_878 : vector<1x1x16xf32> to vector<16xf32>
      %add3A_880 = arith.addf %mul3A_873, %get3A_879 : vector<16xf32>
      %swap3A = arith.constant 4 : i32
      %swap3A_881 = arith.index_cast %swap3A : i32 to index
      %swap3A_882 = arith.index_cast %scan3A_860 : i32 to index
      %swap3A_883 = arith.constant 0 : index
      %swap3A_884 = tpu.vector_load %arg10[%swap3A_881, %swap3A_882, %swap3A_883] {strides = array<i32>} : memref<5x64x128xf32, #tpu.memory_space<vmem>>, vector<1x1x16xf32>,
      %swap3A_885 = vector.shape_cast %swap3A_884 : vector<1x1x16xf32> to vector<16xf32>
      %swap3A_886 = vector.shape_cast %add3A_880 : vector<16xf32> to vector<1x1x16xf32>
      tpu.vector_store %arg10[%swap3A_881, %swap3A_882, %swap3A_883], %swap3A_886 {strides = array<i32>} : memref<5x64x128xf32, #tpu.memory_space<vmem>>, vector<1x1x16xf32>,
      %get3A_887 = arith.constant 4 : i32
      %get3A_888 = arith.index_cast %get3A_887 : i32 to index
      %get3A_889 = arith.index_cast %scan3A_860 : i32 to index
      %get3A_890 = arith.constant 16 : index
      %get3A_891 = tpu.vector_load %arg8[%get3A_888, %get3A_889, %get3A_890] {strides = array<i32>} : memref<5x64x128xf32, #tpu.memory_space<vmem>>, vector<1x1x16xf32>,
      %get3A_892 = vector.shape_cast %get3A_891 : vector<1x1x16xf32> to vector<16xf32>
      %get3A_893 = arith.constant 4 : i32
      %get3A_894 = arith.index_cast %get3A_893 : i32 to index
      %get3A_895 = arith.index_cast %scan3A_860 : i32 to index
      %get3A_896 = arith.constant 16 : index
      %get3A_897 = tpu.vector_load %arg10[%get3A_894, %get3A_895, %get3A_896] {strides = array<i32>} : memref<5x64x128xf32, #tpu.memory_space<vmem>>, vector<1x1x16xf32>,
      %get3A_898 = vector.shape_cast %get3A_897 : vector<1x1x16xf32> to vector<16xf32>
      %mul3A_899 = arith.mulf %get3A_892, %get3A_898 : vector<16xf32>
      %get3A_900 = arith.constant 4 : i32
      %get3A_901 = arith.index_cast %get3A_900 : i32 to index
      %get3A_902 = arith.index_cast %scan3A_860 : i32 to index
      %get3A_903 = arith.constant 16 : index
      %get3A_904 = tpu.vector_load %arg9[%get3A_901, %get3A_902, %get3A_903] {strides = array<i32>} : memref<5x64x128xf32, #tpu.memory_space<vmem>>, vector<1x1x16xf32>,
      %get3A_905 = vector.shape_cast %get3A_904 : vector<1x1x16xf32> to vector<16xf32>
      %add3A_906 = arith.addf %mul3A_899, %get3A_905 : vector<16xf32>
      %swap3A_907 = arith.constant 4 : i32
      %swap3A_908 = arith.index_cast %swap3A_907 : i32 to index
      %swap3A_909 = arith.index_cast %scan3A_860 : i32 to index
      %swap3A_910 = arith.constant 16 : index
      %swap3A_911 = tpu.vector_load %arg10[%swap3A_908, %swap3A_909, %swap3A_910] {strides = array<i32>} : memref<5x64x128xf32, #tpu.memory_space<vmem>>, vector<1x1x16xf32>,
      %swap3A_912 = vector.shape_cast %swap3A_911 : vector<1x1x16xf32> to vector<16xf32>
      %swap3A_913 = vector.shape_cast %add3A_906 : vector<16xf32> to vector<1x1x16xf32>
      tpu.vector_store %arg10[%swap3A_908, %swap3A_909, %swap3A_910], %swap3A_913 {strides = array<i32>} : memref<5x64x128xf32, #tpu.memory_space<vmem>>, vector<1x1x16xf32>,
      %get3A_914 = arith.constant 4 : i32
      %get3A_915 = arith.index_cast %get3A_914 : i32 to index
      %get3A_916 = arith.index_cast %scan3A_860 : i32 to index
      %get3A_917 = arith.constant 32 : index
      %get3A_918 = tpu.vector_load %arg8[%get3A_915, %get3A_916, %get3A_917] {strides = array<i32>} : memref<5x64x128xf32, #tpu.memory_space<vmem>>, vector<1x1x16xf32>,
      %get3A_919 = vector.shape_cast %get3A_918 : vector<1x1x16xf32> to vector<16xf32>
      %get3A_920 = arith.constant 4 : i32
      %get3A_921 = arith.index_cast %get3A_920 : i32 to index
      %get3A_922 = arith.index_cast %scan3A_860 : i32 to index
      %get3A_923 = arith.constant 32 : index
      %get3A_924 = tpu.vector_load %arg10[%get3A_921, %get3A_922, %get3A_923] {strides = array<i32>} : memref<5x64x128xf32, #tpu.memory_space<vmem>>, vector<1x1x16xf32>,
      %get3A_925 = vector.shape_cast %get3A_924 : vector<1x1x16xf32> to vector<16xf32>
      %mul3A_926 = arith.mulf %get3A_919, %get3A_925 : vector<16xf32>
      %get3A_927 = arith.constant 4 : i32
      %get3A_928 = arith.index_cast %get3A_927 : i32 to index
      %get3A_929 = arith.index_cast %scan3A_860 : i32 to index
      %get3A_930 = arith.constant 32 : index
      %get3A_931 = tpu.vector_load %arg9[%get3A_928, %get3A_929, %get3A_930] {strides = array<i32>} : memref<5x64x128xf32, #tpu.memory_space<vmem>>, vector<1x1x16xf32>,
      %get3A_932 = vector.shape_cast %get3A_931 : vector<1x1x16xf32> to vector<16xf32>
      %add3A_933 = arith.addf %mul3A_926, %get3A_932 : vector<16xf32>
      %swap3A_934 = arith.constant 4 : i32
      %swap3A_935 = arith.index_cast %swap3A_934 : i32 to index
      %swap3A_936 = arith.index_cast %scan3A_860 : i32 to index
      %swap3A_937 = arith.constant 32 : index
      %swap3A_938 = tpu.vector_load %arg10[%swap3A_935, %swap3A_936, %swap3A_937] {strides = array<i32>} : memref<5x64x128xf32, #tpu.memory_space<vmem>>, vector<1x1x16xf32>,
      %swap3A_939 = vector.shape_cast %swap3A_938 : vector<1x1x16xf32> to vector<16xf32>
      %swap3A_940 = vector.shape_cast %add3A_933 : vector<16xf32> to vector<1x1x16xf32>
      tpu.vector_store %arg10[%swap3A_935, %swap3A_936, %swap3A_937], %swap3A_940 {strides = array<i32>} : memref<5x64x128xf32, #tpu.memory_space<vmem>>, vector<1x1x16xf32>,
      %get3A_941 = arith.constant 4 : i32
      %get3A_942 = arith.index_cast %get3A_941 : i32 to index
      %get3A_943 = arith.index_cast %scan3A_860 : i32 to index
      %get3A_944 = arith.constant 48 : index
      %get3A_945 = tpu.vector_load %arg8[%get3A_942, %get3A_943, %get3A_944] {strides = array<i32>} : memref<5x64x128xf32, #tpu.memory_space<vmem>>, vector<1x1x16xf32>,
      %get3A_946 = vector.shape_cast %get3A_945 : vector<1x1x16xf32> to vector<16xf32>
      %get3A_947 = arith.constant 4 : i32
      %get3A_948 = arith.index_cast %get3A_947 : i32 to index
      %get3A_949 = arith.index_cast %scan3A_860 : i32 to index
      %get3A_950 = arith.constant 48 : index
      %get3A_951 = tpu.vector_load %arg10[%get3A_948, %get3A_949, %get3A_950] {strides = array<i32>} : memref<5x64x128xf32, #tpu.memory_space<vmem>>, vector<1x1x16xf32>,
      %get3A_952 = vector.shape_cast %get3A_951 : vector<1x1x16xf32> to vector<16xf32>
      %mul3A_953 = arith.mulf %get3A_946, %get3A_952 : vector<16xf32>
      %get3A_954 = arith.constant 4 : i32
      %get3A_955 = arith.index_cast %get3A_954 : i32 to index
      %get3A_956 = arith.index_cast %scan3A_860 : i32 to index
      %get3A_957 = arith.constant 48 : index
      %get3A_958 = tpu.vector_load %arg9[%get3A_955, %get3A_956, %get3A_957] {strides = array<i32>} : memref<5x64x128xf32, #tpu.memory_space<vmem>>, vector<1x1x16xf32>,
      %get3A_959 = vector.shape_cast %get3A_958 : vector<1x1x16xf32> to vector<16xf32>
      %add3A_960 = arith.addf %mul3A_953, %get3A_959 : vector<16xf32>
      %swap3A_961 = arith.constant 4 : i32
      %swap3A_962 = arith.index_cast %swap3A_961 : i32 to index
      %swap3A_963 = arith.index_cast %scan3A_860 : i32 to index
      %swap3A_964 = arith.constant 48 : index
      %swap3A_965 = tpu.vector_load %arg10[%swap3A_962, %swap3A_963, %swap3A_964] {strides = array<i32>} : memref<5x64x128xf32, #tpu.memory_space<vmem>>, vector<1x1x16xf32>,
      %swap3A_966 = vector.shape_cast %swap3A_965 : vector<1x1x16xf32> to vector<16xf32>
      %swap3A_967 = vector.shape_cast %add3A_960 : vector<16xf32> to vector<1x1x16xf32>
      tpu.vector_store %arg10[%swap3A_962, %swap3A_963, %swap3A_964], %swap3A_967 {strides = array<i32>} : memref<5x64x128xf32, #tpu.memory_space<vmem>>, vector<1x1x16xf32>,
      %get3A_968 = arith.constant 4 : i32
      %get3A_969 = arith.index_cast %get3A_968 : i32 to index
      %get3A_970 = arith.index_cast %scan3A_860 : i32 to index
      %get3A_971 = arith.constant 64 : index
      %get3A_972 = tpu.vector_load %arg8[%get3A_969, %get3A_970, %get3A_971] {strides = array<i32>} : memref<5x64x128xf32, #tpu.memory_space<vmem>>, vector<1x1x16xf32>,
      %get3A_973 = vector.shape_cast %get3A_972 : vector<1x1x16xf32> to vector<16xf32>
      %get3A_974 = arith.constant 4 : i32
      %get3A_975 = arith.index_cast %get3A_974 : i32 to index
      %get3A_976 = arith.index_cast %scan3A_860 : i32 to index
      %get3A_977 = arith.constant 64 : index
      %get3A_978 = tpu.vector_load %arg10[%get3A_975, %get3A_976, %get3A_977] {strides = array<i32>} : memref<5x64x128xf32, #tpu.memory_space<vmem>>, vector<1x1x16xf32>,
      %get3A_979 = vector.shape_cast %get3A_978 : vector<1x1x16xf32> to vector<16xf32>
      %mul3A_980 = arith.mulf %get3A_973, %get3A_979 : vector<16xf32>
      %get3A_981 = arith.constant 4 : i32
      %get3A_982 = arith.index_cast %get3A_981 : i32 to index
      %get3A_983 = arith.index_cast %scan3A_860 : i32 to index
      %get3A_984 = arith.constant 64 : index
      %get3A_985 = tpu.vector_load %arg9[%get3A_982, %get3A_983, %get3A_984] {strides = array<i32>} : memref<5x64x128xf32, #tpu.memory_space<vmem>>, vector<1x1x16xf32>,
      %get3A_986 = vector.shape_cast %get3A_985 : vector<1x1x16xf32> to vector<16xf32>
      %add3A_987 = arith.addf %mul3A_980, %get3A_986 : vector<16xf32>
      %swap3A_988 = arith.constant 4 : i32
      %swap3A_989 = arith.index_cast %swap3A_988 : i32 to index
      %swap3A_990 = arith.index_cast %scan3A_860 : i32 to index
      %swap3A_991 = arith.constant 64 : index
      %swap3A_992 = tpu.vector_load %arg10[%swap3A_989, %swap3A_990, %swap3A_991] {strides = array<i32>} : memref<5x64x128xf32, #tpu.memory_space<vmem>>, vector<1x1x16xf32>,
      %swap3A_993 = vector.shape_cast %swap3A_992 : vector<1x1x16xf32> to vector<16xf32>
      %swap3A_994 = vector.shape_cast %add3A_987 : vector<16xf32> to vector<1x1x16xf32>
      tpu.vector_store %arg10[%swap3A_989, %swap3A_990, %swap3A_991], %swap3A_994 {strides = array<i32>} : memref<5x64x128xf32, #tpu.memory_space<vmem>>, vector<1x1x16xf32>,
      %get3A_995 = arith.constant 4 : i32
      %get3A_996 = arith.index_cast %get3A_995 : i32 to index
      %get3A_997 = arith.index_cast %scan3A_860 : i32 to index
      %get3A_998 = arith.constant 80 : index
      %get3A_999 = tpu.vector_load %arg8[%get3A_996, %get3A_997, %get3A_998] {strides = array<i32>} : memref<5x64x128xf32, #tpu.memory_space<vmem>>, vector<1x1x16xf32>,
      %get3A_1000 = vector.shape_cast %get3A_999 : vector<1x1x16xf32> to vector<16xf32>
      %get3A_1001 = arith.constant 4 : i32
      %get3A_1002 = arith.index_cast %get3A_1001 : i32 to index
      %get3A_1003 = arith.index_cast %scan3A_860 : i32 to index
      %get3A_1004 = arith.constant 80 : index
      %get3A_1005 = tpu.vector_load %arg10[%get3A_1002, %get3A_1003, %get3A_1004] {strides = array<i32>} : memref<5x64x128xf32, #tpu.memory_space<vmem>>, vector<1x1x16xf32>,
      %get3A_1006 = vector.shape_cast %get3A_1005 : vector<1x1x16xf32> to vector<16xf32>
      %mul3A_1007 = arith.mulf %get3A_1000, %get3A_1006 : vector<16xf32>
      %get3A_1008 = arith.constant 4 : i32
      %get3A_1009 = arith.index_cast %get3A_1008 : i32 to index
      %get3A_1010 = arith.index_cast %scan3A_860 : i32 to index
      %get3A_1011 = arith.constant 80 : index
      %get3A_1012 = tpu.vector_load %arg9[%get3A_1009, %get3A_1010, %get3A_1011] {strides = array<i32>} : memref<5x64x128xf32, #tpu.memory_space<vmem>>, vector<1x1x16xf32>,
      %get3A_1013 = vector.shape_cast %get3A_1012 : vector<1x1x16xf32> to vector<16xf32>
      %add3A_1014 = arith.addf %mul3A_1007, %get3A_1013 : vector<16xf32>
      %swap3A_1015 = arith.constant 4 : i32
      %swap3A_1016 = arith.index_cast %swap3A_1015 : i32 to index
      %swap3A_1017 = arith.index_cast %scan3A_860 : i32 to index
      %swap3A_1018 = arith.constant 80 : index
      %swap3A_1019 = tpu.vector_load %arg10[%swap3A_1016, %swap3A_1017, %swap3A_1018] {strides = array<i32>} : memref<5x64x128xf32, #tpu.memory_space<vmem>>, vector<1x1x16xf32>,
      %swap3A_1020 = vector.shape_cast %swap3A_1019 : vector<1x1x16xf32> to vector<16xf32>
      %swap3A_1021 = vector.shape_cast %add3A_1014 : vector<16xf32> to vector<1x1x16xf32>
      tpu.vector_store %arg10[%swap3A_1016, %swap3A_1017, %swap3A_1018], %swap3A_1021 {strides = array<i32>} : memref<5x64x128xf32, #tpu.memory_space<vmem>>, vector<1x1x16xf32>,
      %get3A_1022 = arith.constant 4 : i32
      %get3A_1023 = arith.index_cast %get3A_1022 : i32 to index
      %get3A_1024 = arith.index_cast %scan3A_860 : i32 to index
      %get3A_1025 = arith.constant 96 : index
      %get3A_1026 = tpu.vector_load %arg8[%get3A_1023, %get3A_1024, %get3A_1025] {strides = array<i32>} : memref<5x64x128xf32, #tpu.memory_space<vmem>>, vector<1x1x16xf32>,
      %get3A_1027 = vector.shape_cast %get3A_1026 : vector<1x1x16xf32> to vector<16xf32>
      %get3A_1028 = arith.constant 4 : i32
      %get3A_1029 = arith.index_cast %get3A_1028 : i32 to index
      %get3A_1030 = arith.index_cast %scan3A_860 : i32 to index
      %get3A_1031 = arith.constant 96 : index
      %get3A_1032 = tpu.vector_load %arg10[%get3A_1029, %get3A_1030, %get3A_1031] {strides = array<i32>} : memref<5x64x128xf32, #tpu.memory_space<vmem>>, vector<1x1x16xf32>,
      %get3A_1033 = vector.shape_cast %get3A_1032 : vector<1x1x16xf32> to vector<16xf32>
      %mul3A_1034 = arith.mulf %get3A_1027, %get3A_1033 : vector<16xf32>
      %get3A_1035 = arith.constant 4 : i32
      %get3A_1036 = arith.index_cast %get3A_1035 : i32 to index
      %get3A_1037 = arith.index_cast %scan3A_860 : i32 to index
      %get3A_1038 = arith.constant 96 : index
      %get3A_1039 = tpu.vector_load %arg9[%get3A_1036, %get3A_1037, %get3A_1038] {strides = array<i32>} : memref<5x64x128xf32, #tpu.memory_space<vmem>>, vector<1x1x16xf32>,
      %get3A_1040 = vector.shape_cast %get3A_1039 : vector<1x1x16xf32> to vector<16xf32>
      %add3A_1041 = arith.addf %mul3A_1034, %get3A_1040 : vector<16xf32>
      %swap3A_1042 = arith.constant 4 : i32
      %swap3A_1043 = arith.index_cast %swap3A_1042 : i32 to index
      %swap3A_1044 = arith.index_cast %scan3A_860 : i32 to index
      %swap3A_1045 = arith.constant 96 : index
      %swap3A_1046 = tpu.vector_load %arg10[%swap3A_1043, %swap3A_1044, %swap3A_1045] {strides = array<i32>} : memref<5x64x128xf32, #tpu.memory_space<vmem>>, vector<1x1x16xf32>,
      %swap3A_1047 = vector.shape_cast %swap3A_1046 : vector<1x1x16xf32> to vector<16xf32>
      %swap3A_1048 = vector.shape_cast %add3A_1041 : vector<16xf32> to vector<1x1x16xf32>
      tpu.vector_store %arg10[%swap3A_1043, %swap3A_1044, %swap3A_1045], %swap3A_1048 {strides = array<i32>} : memref<5x64x128xf32, #tpu.memory_space<vmem>>, vector<1x1x16xf32>,
      %get3A_1049 = arith.constant 4 : i32
      %get3A_1050 = arith.index_cast %get3A_1049 : i32 to index
      %get3A_1051 = arith.index_cast %scan3A_860 : i32 to index
      %get3A_1052 = arith.constant 112 : index
      %get3A_1053 = tpu.vector_load %arg8[%get3A_1050, %get3A_1051, %get3A_1052] {strides = array<i32>} : memref<5x64x128xf32, #tpu.memory_space<vmem>>, vector<1x1x16xf32>,
      %get3A_1054 = vector.shape_cast %get3A_1053 : vector<1x1x16xf32> to vector<16xf32>
      %get3A_1055 = arith.constant 4 : i32
      %get3A_1056 = arith.index_cast %get3A_1055 : i32 to index
      %get3A_1057 = arith.index_cast %scan3A_860 : i32 to index
      %get3A_1058 = arith.constant 112 : index
      %get3A_1059 = tpu.vector_load %arg10[%get3A_1056, %get3A_1057, %get3A_1058] {strides = array<i32>} : memref<5x64x128xf32, #tpu.memory_space<vmem>>, vector<1x1x16xf32>,
      %get3A_1060 = vector.shape_cast %get3A_1059 : vector<1x1x16xf32> to vector<16xf32>
      %mul3A_1061 = arith.mulf %get3A_1054, %get3A_1060 : vector<16xf32>
      %get3A_1062 = arith.constant 4 : i32
      %get3A_1063 = arith.index_cast %get3A_1062 : i32 to index
      %get3A_1064 = arith.index_cast %scan3A_860 : i32 to index
      %get3A_1065 = arith.constant 112 : index
      %get3A_1066 = tpu.vector_load %arg9[%get3A_1063, %get3A_1064, %get3A_1065] {strides = array<i32>} : memref<5x64x128xf32, #tpu.memory_space<vmem>>, vector<1x1x16xf32>,
      %get3A_1067 = vector.shape_cast %get3A_1066 : vector<1x1x16xf32> to vector<16xf32>
      %add3A_1068 = arith.addf %mul3A_1061, %get3A_1067 : vector<16xf32>
      %swap3A_1069 = arith.constant 4 : i32
      %swap3A_1070 = arith.index_cast %swap3A_1069 : i32 to index
      %swap3A_1071 = arith.index_cast %scan3A_860 : i32 to index
      %swap3A_1072 = arith.constant 112 : index
      %swap3A_1073 = tpu.vector_load %arg10[%swap3A_1070, %swap3A_1071, %swap3A_1072] {strides = array<i32>} : memref<5x64x128xf32, #tpu.memory_space<vmem>>, vector<1x1x16xf32>,
      %swap3A_1074 = vector.shape_cast %swap3A_1073 : vector<1x1x16xf32> to vector<16xf32>
      %swap3A_1075 = vector.shape_cast %add3A_1068 : vector<16xf32> to vector<1x1x16xf32>
      tpu.vector_store %arg10[%swap3A_1070, %swap3A_1071, %swap3A_1072], %swap3A_1075 {strides = array<i32>} : memref<5x64x128xf32, #tpu.memory_space<vmem>>, vector<1x1x16xf32>,
      %scan3A_1076 = arith.constant 0 : i32
      scf.yield %scan3A_1076 : i32
    }
    %scan3A_606 = arith.constant 64 : i32
    %mul3A_607 = arith.constant 512 : i32
    %mul3A_608 = arith.muli %add3A, %mul3A_607 : i32
    %add3A_609 = arith.constant 256 : i32
    %add3A_610 = arith.addi %mul3A_608, %add3A_609 : i32
    %dma_start3A_611 = arith.constant 4 : i32
    %dma_start3A_612 = arith.constant 0 : i32
    %dma_start3A_613 = arith.constant 0 : i32
    %dma_start3A_614 = tpu.memref_slice %arg10[%dma_start3A_611, %dma_start3A_612, %dma_start3A_613] : memref<5x64x128xf32, #tpu.memory_space<vmem>> -> memref<1x64x128xf32, #tpu.memory_space<vmem>>
    %dma_start3A_615 = tpu.memref_squeeze %dma_start3A_614 : memref<1x64x128xf32, #tpu.memory_space<vmem>> -> memref<64x128xf32, #tpu.memory_space<vmem>>
    %dma_start3A_616 = arith.constant 0 : i32
    %dma_start3A_617 = tpu.memref_slice %arg6[%add3A_610, %dma_start3A_616] : memref<16384x128xf32, #tpu.memory_space<hbm>> -> memref<64x128xf32, #tpu.memory_space<hbm>>
    %dma_start3A_618 = arith.constant 0 : i32
    %dma_start3A_619 = tpu.memref_slice %arg6[%add3A_610, %dma_start3A_618] : memref<16384x128xf32, #tpu.memory_space<hbm>> -> memref<64x128xf32, #tpu.memory_space<hbm>>
    %dma_start3A_620 = arith.constant 0 : i32
    %dma_start3A_621 = arith.constant 0 : i32
    %dma_start3A_622 = tpu.memref_slice %arg10[%dma_start3A_611, %dma_start3A_620, %dma_start3A_621] : memref<5x64x128xf32, #tpu.memory_space<vmem>> -> memref<1x64x128xf32, #tpu.memory_space<vmem>>
    %dma_start3A_623 = tpu.memref_squeeze %dma_start3A_622 : memref<1x64x128xf32, #tpu.memory_space<vmem>> -> memref<64x128xf32, #tpu.memory_space<vmem>>
    tpu.enqueue_dma source(%dma_start3A_623 : memref<64x128xf32, #tpu.memory_space<vmem>>) target(%dma_start3A_619 : memref<64x128xf32, #tpu.memory_space<hbm>>) target_semaphore(%arg30 : memref<!tpu.dma_semaphore, #tpu.memory_space<semaphore_mem>>)
    %dma_wait3A_624 = arith.constant 0 : i32
    %dma_wait3A_625 = arith.constant 0 : i32
    %dma_wait3A_626 = arith.constant 0 : i32
    %dma_wait3A_627 = tpu.memref_slice %arg8[%dma_wait3A_624, %dma_wait3A_625, %dma_wait3A_626] : memref<5x64x128xf32, #tpu.memory_space<vmem>> -> memref<1x64x128xf32, #tpu.memory_space<vmem>>
    %dma_wait3A_628 = tpu.memref_squeeze %dma_wait3A_627 : memref<1x64x128xf32, #tpu.memory_space<vmem>> -> memref<64x128xf32, #tpu.memory_space<vmem>>
    %dma_wait3A_629 = arith.constant 0 : i32
    %dma_wait3A_630 = tpu.memref_slice %arg7[%dma_wait3A_629] : memref<512xi32, #tpu.memory_space<vmem>> -> memref<64xi32, #tpu.memory_space<vmem>>
    %dma_wait3A_631 = arith.constant 0 : i32
    %dma_wait3A_632 = arith.constant 0 : i32
    %dma_wait3A_633 = tpu.memref_slice %arg4[%dma_wait3A_631, %dma_wait3A_632] : memref<100000x128xf32, #tpu.memory_space<hbm>> -> memref<100000x128xf32, #tpu.memory_space<hbm>>
    tpu.wait_indirect_dma semaphore(%arg11 : memref<!tpu.dma_semaphore, #tpu.memory_space<semaphore_mem>>) src(%dma_wait3A_633 : memref<100000x128xf32, #tpu.memory_space<hbm>>) dst(%dma_wait3A_628 : memref<64x128xf32, #tpu.memory_space<vmem>>)
    %dma_wait3A_634 = arith.constant 0 : i32
    %dma_wait3A_635 = arith.constant 0 : i32
    %dma_wait3A_636 = arith.constant 0 : i32
    %dma_wait3A_637 = tpu.memref_slice %arg9[%dma_wait3A_634, %dma_wait3A_635, %dma_wait3A_636] : memref<5x64x128xf32, #tpu.memory_space<vmem>> -> memref<1x64x128xf32, #tpu.memory_space<vmem>>
    %dma_wait3A_638 = tpu.memref_squeeze %dma_wait3A_637 : memref<1x64x128xf32, #tpu.memory_space<vmem>> -> memref<64x128xf32, #tpu.memory_space<vmem>>
    %dma_wait3A_639 = arith.constant 0 : i32
    %dma_wait3A_640 = tpu.memref_slice %arg7[%dma_wait3A_639] : memref<512xi32, #tpu.memory_space<vmem>> -> memref<64xi32, #tpu.memory_space<vmem>>
    %dma_wait3A_641 = arith.constant 0 : i32
    %dma_wait3A_642 = arith.constant 0 : i32
    %dma_wait3A_643 = tpu.memref_slice %arg5[%dma_wait3A_641, %dma_wait3A_642] : memref<100000x128xf32, #tpu.memory_space<hbm>> -> memref<100000x128xf32, #tpu.memory_space<hbm>>
    tpu.wait_indirect_dma semaphore(%arg16 : memref<!tpu.dma_semaphore, #tpu.memory_space<semaphore_mem>>) src(%dma_wait3A_643 : memref<100000x128xf32, #tpu.memory_space<hbm>>) dst(%dma_wait3A_638 : memref<64x128xf32, #tpu.memory_space<vmem>>)
    %dma_wait3A_644 = arith.constant 0 : i32
    %dma_wait3A_645 = arith.constant 0 : i32
    %dma_wait3A_646 = arith.constant 0 : i32
    %dma_wait3A_647 = tpu.memref_slice %arg10[%dma_wait3A_644, %dma_wait3A_645, %dma_wait3A_646] : memref<5x64x128xf32, #tpu.memory_space<vmem>> -> memref<1x64x128xf32, #tpu.memory_space<vmem>>
    %dma_wait3A_648 = tpu.memref_squeeze %dma_wait3A_647 : memref<1x64x128xf32, #tpu.memory_space<vmem>> -> memref<64x128xf32, #tpu.memory_space<vmem>>
    %dma_wait3A_649 = arith.constant 0 : i32
    %dma_wait3A_650 = tpu.memref_slice %arg2[%add3A_4, %dma_wait3A_649] : memref<16384x128xf32, #tpu.memory_space<hbm>> -> memref<64x128xf32, #tpu.memory_space<hbm>>
    %dma_wait3A_651 = arith.constant 0 : i32
    %dma_wait3A_652 = arith.constant 0 : i32
    %dma_wait3A_653 = tpu.memref_slice %arg10[%dma_wait3A_644, %dma_wait3A_651, %dma_wait3A_652] : memref<5x64x128xf32, #tpu.memory_space<vmem>> -> memref<1x64x128xf32, #tpu.memory_space<vmem>>
    %dma_wait3A_654 = tpu.memref_squeeze %dma_wait3A_653 : memref<1x64x128xf32, #tpu.memory_space<vmem>> -> memref<64x128xf32, #tpu.memory_space<vmem>>
    %dma_wait3A_655 = arith.constant 0 : i32
    %dma_wait3A_656 = tpu.memref_slice %arg2[%add3A_4, %dma_wait3A_655] : memref<16384x128xf32, #tpu.memory_space<hbm>> -> memref<64x128xf32, #tpu.memory_space<hbm>>
    tpu.wait_dma2 semaphore(%arg21 : memref<!tpu.dma_semaphore, #tpu.memory_space<semaphore_mem>>) src(%dma_wait3A_656 : memref<64x128xf32, #tpu.memory_space<hbm>>) dst(%dma_wait3A_654 : memref<64x128xf32, #tpu.memory_space<vmem>>)
    %scan3A_657 = arith.constant 0 : i32
    %scan3A_658 = arith.constant 0 : i32
    %scan3A_659 = arith.constant 64 : i32
    %scan3A_660 = arith.addi %scan3A_658, %scan3A_659 : i32
    %scan3A_661 = arith.constant 1 : i32
    %scan3A_662 = scf.for %scan3A_860 = %scan3A_658 to %scan3A_660 step %scan3A_661 iter_args(%scan3A_861 = %scan3A_657) -> (i32)  : i32 {
      %get3A = arith.constant 0 : i32
      %get3A_862 = arith.index_cast %get3A : i32 to index
      %get3A_863 = arith.index_cast %scan3A_860 : i32 to index
      %get3A_864 = arith.constant 0 : index
      %get3A_865 = tpu.vector_load %arg8[%get3A_862, %get3A_863, %get3A_864] {strides = array<i32>} : memref<5x64x128xf32, #tpu.memory_space<vmem>>, vector<1x1x16xf32>,
      %get3A_866 = vector.shape_cast %get3A_865 : vector<1x1x16xf32> to vector<16xf32>
      %get3A_867 = arith.constant 0 : i32
      %get3A_868 = arith.index_cast %get3A_867 : i32 to index
      %get3A_869 = arith.index_cast %scan3A_860 : i32 to index
      %get3A_870 = arith.constant 0 : index
      %get3A_871 = tpu.vector_load %arg10[%get3A_868, %get3A_869, %get3A_870] {strides = array<i32>} : memref<5x64x128xf32, #tpu.memory_space<vmem>>, vector<1x1x16xf32>,
      %get3A_872 = vector.shape_cast %get3A_871 : vector<1x1x16xf32> to vector<16xf32>
      %mul3A_873 = arith.mulf %get3A_866, %get3A_872 : vector<16xf32>
      %get3A_874 = arith.constant 0 : i32
      %get3A_875 = arith.index_cast %get3A_874 : i32 to index
      %get3A_876 = arith.index_cast %scan3A_860 : i32 to index
      %get3A_877 = arith.constant 0 : index
      %get3A_878 = tpu.vector_load %arg9[%get3A_875, %get3A_876, %get3A_877] {strides = array<i32>} : memref<5x64x128xf32, #tpu.memory_space<vmem>>, vector<1x1x16xf32>,
      %get3A_879 = vector.shape_cast %get3A_878 : vector<1x1x16xf32> to vector<16xf32>
      %add3A_880 = arith.addf %mul3A_873, %get3A_879 : vector<16xf32>
      %swap3A = arith.constant 0 : i32
      %swap3A_881 = arith.index_cast %swap3A : i32 to index
      %swap3A_882 = arith.index_cast %scan3A_860 : i32 to index
      %swap3A_883 = arith.constant 0 : index
      %swap3A_884 = tpu.vector_load %arg10[%swap3A_881, %swap3A_882, %swap3A_883] {strides = array<i32>} : memref<5x64x128xf32, #tpu.memory_space<vmem>>, vector<1x1x16xf32>,
      %swap3A_885 = vector.shape_cast %swap3A_884 : vector<1x1x16xf32> to vector<16xf32>
      %swap3A_886 = vector.shape_cast %add3A_880 : vector<16xf32> to vector<1x1x16xf32>
      tpu.vector_store %arg10[%swap3A_881, %swap3A_882, %swap3A_883], %swap3A_886 {strides = array<i32>} : memref<5x64x128xf32, #tpu.memory_space<vmem>>, vector<1x1x16xf32>,
      %get3A_887 = arith.constant 0 : i32
      %get3A_888 = arith.index_cast %get3A_887 : i32 to index
      %get3A_889 = arith.index_cast %scan3A_860 : i32 to index
      %get3A_890 = arith.constant 16 : index
      %get3A_891 = tpu.vector_load %arg8[%get3A_888, %get3A_889, %get3A_890] {strides = array<i32>} : memref<5x64x128xf32, #tpu.memory_space<vmem>>, vector<1x1x16xf32>,
      %get3A_892 = vector.shape_cast %get3A_891 : vector<1x1x16xf32> to vector<16xf32>
      %get3A_893 = arith.constant 0 : i32
      %get3A_894 = arith.index_cast %get3A_893 : i32 to index
      %get3A_895 = arith.index_cast %scan3A_860 : i32 to index
      %get3A_896 = arith.constant 16 : index
      %get3A_897 = tpu.vector_load %arg10[%get3A_894, %get3A_895, %get3A_896] {strides = array<i32>} : memref<5x64x128xf32, #tpu.memory_space<vmem>>, vector<1x1x16xf32>,
      %get3A_898 = vector.shape_cast %get3A_897 : vector<1x1x16xf32> to vector<16xf32>
      %mul3A_899 = arith.mulf %get3A_892, %get3A_898 : vector<16xf32>
      %get3A_900 = arith.constant 0 : i32
      %get3A_901 = arith.index_cast %get3A_900 : i32 to index
      %get3A_902 = arith.index_cast %scan3A_860 : i32 to index
      %get3A_903 = arith.constant 16 : index
      %get3A_904 = tpu.vector_load %arg9[%get3A_901, %get3A_902, %get3A_903] {strides = array<i32>} : memref<5x64x128xf32, #tpu.memory_space<vmem>>, vector<1x1x16xf32>,
      %get3A_905 = vector.shape_cast %get3A_904 : vector<1x1x16xf32> to vector<16xf32>
      %add3A_906 = arith.addf %mul3A_899, %get3A_905 : vector<16xf32>
      %swap3A_907 = arith.constant 0 : i32
      %swap3A_908 = arith.index_cast %swap3A_907 : i32 to index
      %swap3A_909 = arith.index_cast %scan3A_860 : i32 to index
      %swap3A_910 = arith.constant 16 : index
      %swap3A_911 = tpu.vector_load %arg10[%swap3A_908, %swap3A_909, %swap3A_910] {strides = array<i32>} : memref<5x64x128xf32, #tpu.memory_space<vmem>>, vector<1x1x16xf32>,
      %swap3A_912 = vector.shape_cast %swap3A_911 : vector<1x1x16xf32> to vector<16xf32>
      %swap3A_913 = vector.shape_cast %add3A_906 : vector<16xf32> to vector<1x1x16xf32>
      tpu.vector_store %arg10[%swap3A_908, %swap3A_909, %swap3A_910], %swap3A_913 {strides = array<i32>} : memref<5x64x128xf32, #tpu.memory_space<vmem>>, vector<1x1x16xf32>,
      %get3A_914 = arith.constant 0 : i32
      %get3A_915 = arith.index_cast %get3A_914 : i32 to index
      %get3A_916 = arith.index_cast %scan3A_860 : i32 to index
      %get3A_917 = arith.constant 32 : index
      %get3A_918 = tpu.vector_load %arg8[%get3A_915, %get3A_916, %get3A_917] {strides = array<i32>} : memref<5x64x128xf32, #tpu.memory_space<vmem>>, vector<1x1x16xf32>,
      %get3A_919 = vector.shape_cast %get3A_918 : vector<1x1x16xf32> to vector<16xf32>
      %get3A_920 = arith.constant 0 : i32
      %get3A_921 = arith.index_cast %get3A_920 : i32 to index
      %get3A_922 = arith.index_cast %scan3A_860 : i32 to index
      %get3A_923 = arith.constant 32 : index
      %get3A_924 = tpu.vector_load %arg10[%get3A_921, %get3A_922, %get3A_923] {strides = array<i32>} : memref<5x64x128xf32, #tpu.memory_space<vmem>>, vector<1x1x16xf32>,
      %get3A_925 = vector.shape_cast %get3A_924 : vector<1x1x16xf32> to vector<16xf32>
      %mul3A_926 = arith.mulf %get3A_919, %get3A_925 : vector<16xf32>
      %get3A_927 = arith.constant 0 : i32
      %get3A_928 = arith.index_cast %get3A_927 : i32 to index
      %get3A_929 = arith.index_cast %scan3A_860 : i32 to index
      %get3A_930 = arith.constant 32 : index
      %get3A_931 = tpu.vector_load %arg9[%get3A_928, %get3A_929, %get3A_930] {strides = array<i32>} : memref<5x64x128xf32, #tpu.memory_space<vmem>>, vector<1x1x16xf32>,
      %get3A_932 = vector.shape_cast %get3A_931 : vector<1x1x16xf32> to vector<16xf32>
      %add3A_933 = arith.addf %mul3A_926, %get3A_932 : vector<16xf32>
      %swap3A_934 = arith.constant 0 : i32
      %swap3A_935 = arith.index_cast %swap3A_934 : i32 to index
      %swap3A_936 = arith.index_cast %scan3A_860 : i32 to index
      %swap3A_937 = arith.constant 32 : index
      %swap3A_938 = tpu.vector_load %arg10[%swap3A_935, %swap3A_936, %swap3A_937] {strides = array<i32>} : memref<5x64x128xf32, #tpu.memory_space<vmem>>, vector<1x1x16xf32>,
      %swap3A_939 = vector.shape_cast %swap3A_938 : vector<1x1x16xf32> to vector<16xf32>
      %swap3A_940 = vector.shape_cast %add3A_933 : vector<16xf32> to vector<1x1x16xf32>
      tpu.vector_store %arg10[%swap3A_935, %swap3A_936, %swap3A_937], %swap3A_940 {strides = array<i32>} : memref<5x64x128xf32, #tpu.memory_space<vmem>>, vector<1x1x16xf32>,
      %get3A_941 = arith.constant 0 : i32
      %get3A_942 = arith.index_cast %get3A_941 : i32 to index
      %get3A_943 = arith.index_cast %scan3A_860 : i32 to index
      %get3A_944 = arith.constant 48 : index
      %get3A_945 = tpu.vector_load %arg8[%get3A_942, %get3A_943, %get3A_944] {strides = array<i32>} : memref<5x64x128xf32, #tpu.memory_space<vmem>>, vector<1x1x16xf32>,
      %get3A_946 = vector.shape_cast %get3A_945 : vector<1x1x16xf32> to vector<16xf32>
      %get3A_947 = arith.constant 0 : i32
      %get3A_948 = arith.index_cast %get3A_947 : i32 to index
      %get3A_949 = arith.index_cast %scan3A_860 : i32 to index
      %get3A_950 = arith.constant 48 : index
      %get3A_951 = tpu.vector_load %arg10[%get3A_948, %get3A_949, %get3A_950] {strides = array<i32>} : memref<5x64x128xf32, #tpu.memory_space<vmem>>, vector<1x1x16xf32>,
      %get3A_952 = vector.shape_cast %get3A_951 : vector<1x1x16xf32> to vector<16xf32>
      %mul3A_953 = arith.mulf %get3A_946, %get3A_952 : vector<16xf32>
      %get3A_954 = arith.constant 0 : i32
      %get3A_955 = arith.index_cast %get3A_954 : i32 to index
      %get3A_956 = arith.index_cast %scan3A_860 : i32 to index
      %get3A_957 = arith.constant 48 : index
      %get3A_958 = tpu.vector_load %arg9[%get3A_955, %get3A_956, %get3A_957] {strides = array<i32>} : memref<5x64x128xf32, #tpu.memory_space<vmem>>, vector<1x1x16xf32>,
      %get3A_959 = vector.shape_cast %get3A_958 : vector<1x1x16xf32> to vector<16xf32>
      %add3A_960 = arith.addf %mul3A_953, %get3A_959 : vector<16xf32>
      %swap3A_961 = arith.constant 0 : i32
      %swap3A_962 = arith.index_cast %swap3A_961 : i32 to index
      %swap3A_963 = arith.index_cast %scan3A_860 : i32 to index
      %swap3A_964 = arith.constant 48 : index
      %swap3A_965 = tpu.vector_load %arg10[%swap3A_962, %swap3A_963, %swap3A_964] {strides = array<i32>} : memref<5x64x128xf32, #tpu.memory_space<vmem>>, vector<1x1x16xf32>,
      %swap3A_966 = vector.shape_cast %swap3A_965 : vector<1x1x16xf32> to vector<16xf32>
      %swap3A_967 = vector.shape_cast %add3A_960 : vector<16xf32> to vector<1x1x16xf32>
      tpu.vector_store %arg10[%swap3A_962, %swap3A_963, %swap3A_964], %swap3A_967 {strides = array<i32>} : memref<5x64x128xf32, #tpu.memory_space<vmem>>, vector<1x1x16xf32>,
      %get3A_968 = arith.constant 0 : i32
      %get3A_969 = arith.index_cast %get3A_968 : i32 to index
      %get3A_970 = arith.index_cast %scan3A_860 : i32 to index
      %get3A_971 = arith.constant 64 : index
      %get3A_972 = tpu.vector_load %arg8[%get3A_969, %get3A_970, %get3A_971] {strides = array<i32>} : memref<5x64x128xf32, #tpu.memory_space<vmem>>, vector<1x1x16xf32>,
      %get3A_973 = vector.shape_cast %get3A_972 : vector<1x1x16xf32> to vector<16xf32>
      %get3A_974 = arith.constant 0 : i32
      %get3A_975 = arith.index_cast %get3A_974 : i32 to index
      %get3A_976 = arith.index_cast %scan3A_860 : i32 to index
      %get3A_977 = arith.constant 64 : index
      %get3A_978 = tpu.vector_load %arg10[%get3A_975, %get3A_976, %get3A_977] {strides = array<i32>} : memref<5x64x128xf32, #tpu.memory_space<vmem>>, vector<1x1x16xf32>,
      %get3A_979 = vector.shape_cast %get3A_978 : vector<1x1x16xf32> to vector<16xf32>
      %mul3A_980 = arith.mulf %get3A_973, %get3A_979 : vector<16xf32>
      %get3A_981 = arith.constant 0 : i32
      %get3A_982 = arith.index_cast %get3A_981 : i32 to index
      %get3A_983 = arith.index_cast %scan3A_860 : i32 to index
      %get3A_984 = arith.constant 64 : index
      %get3A_985 = tpu.vector_load %arg9[%get3A_982, %get3A_983, %get3A_984] {strides = array<i32>} : memref<5x64x128xf32, #tpu.memory_space<vmem>>, vector<1x1x16xf32>,
      %get3A_986 = vector.shape_cast %get3A_985 : vector<1x1x16xf32> to vector<16xf32>
      %add3A_987 = arith.addf %mul3A_980, %get3A_986 : vector<16xf32>
      %swap3A_988 = arith.constant 0 : i32
      %swap3A_989 = arith.index_cast %swap3A_988 : i32 to index
      %swap3A_990 = arith.index_cast %scan3A_860 : i32 to index
      %swap3A_991 = arith.constant 64 : index
      %swap3A_992 = tpu.vector_load %arg10[%swap3A_989, %swap3A_990, %swap3A_991] {strides = array<i32>} : memref<5x64x128xf32, #tpu.memory_space<vmem>>, vector<1x1x16xf32>,
      %swap3A_993 = vector.shape_cast %swap3A_992 : vector<1x1x16xf32> to vector<16xf32>
      %swap3A_994 = vector.shape_cast %add3A_987 : vector<16xf32> to vector<1x1x16xf32>
      tpu.vector_store %arg10[%swap3A_989, %swap3A_990, %swap3A_991], %swap3A_994 {strides = array<i32>} : memref<5x64x128xf32, #tpu.memory_space<vmem>>, vector<1x1x16xf32>,
      %get3A_995 = arith.constant 0 : i32
      %get3A_996 = arith.index_cast %get3A_995 : i32 to index
      %get3A_997 = arith.index_cast %scan3A_860 : i32 to index
      %get3A_998 = arith.constant 80 : index
      %get3A_999 = tpu.vector_load %arg8[%get3A_996, %get3A_997, %get3A_998] {strides = array<i32>} : memref<5x64x128xf32, #tpu.memory_space<vmem>>, vector<1x1x16xf32>,
      %get3A_1000 = vector.shape_cast %get3A_999 : vector<1x1x16xf32> to vector<16xf32>
      %get3A_1001 = arith.constant 0 : i32
      %get3A_1002 = arith.index_cast %get3A_1001 : i32 to index
      %get3A_1003 = arith.index_cast %scan3A_860 : i32 to index
      %get3A_1004 = arith.constant 80 : index
      %get3A_1005 = tpu.vector_load %arg10[%get3A_1002, %get3A_1003, %get3A_1004] {strides = array<i32>} : memref<5x64x128xf32, #tpu.memory_space<vmem>>, vector<1x1x16xf32>,
      %get3A_1006 = vector.shape_cast %get3A_1005 : vector<1x1x16xf32> to vector<16xf32>
      %mul3A_1007 = arith.mulf %get3A_1000, %get3A_1006 : vector<16xf32>
      %get3A_1008 = arith.constant 0 : i32
      %get3A_1009 = arith.index_cast %get3A_1008 : i32 to index
      %get3A_1010 = arith.index_cast %scan3A_860 : i32 to index
      %get3A_1011 = arith.constant 80 : index
      %get3A_1012 = tpu.vector_load %arg9[%get3A_1009, %get3A_1010, %get3A_1011] {strides = array<i32>} : memref<5x64x128xf32, #tpu.memory_space<vmem>>, vector<1x1x16xf32>,
      %get3A_1013 = vector.shape_cast %get3A_1012 : vector<1x1x16xf32> to vector<16xf32>
      %add3A_1014 = arith.addf %mul3A_1007, %get3A_1013 : vector<16xf32>
      %swap3A_1015 = arith.constant 0 : i32
      %swap3A_1016 = arith.index_cast %swap3A_1015 : i32 to index
      %swap3A_1017 = arith.index_cast %scan3A_860 : i32 to index
      %swap3A_1018 = arith.constant 80 : index
      %swap3A_1019 = tpu.vector_load %arg10[%swap3A_1016, %swap3A_1017, %swap3A_1018] {strides = array<i32>} : memref<5x64x128xf32, #tpu.memory_space<vmem>>, vector<1x1x16xf32>,
      %swap3A_1020 = vector.shape_cast %swap3A_1019 : vector<1x1x16xf32> to vector<16xf32>
      %swap3A_1021 = vector.shape_cast %add3A_1014 : vector<16xf32> to vector<1x1x16xf32>
      tpu.vector_store %arg10[%swap3A_1016, %swap3A_1017, %swap3A_1018], %swap3A_1021 {strides = array<i32>} : memref<5x64x128xf32, #tpu.memory_space<vmem>>, vector<1x1x16xf32>,
      %get3A_1022 = arith.constant 0 : i32
      %get3A_1023 = arith.index_cast %get3A_1022 : i32 to index
      %get3A_1024 = arith.index_cast %scan3A_860 : i32 to index
      %get3A_1025 = arith.constant 96 : index
      %get3A_1026 = tpu.vector_load %arg8[%get3A_1023, %get3A_1024, %get3A_1025] {strides = array<i32>} : memref<5x64x128xf32, #tpu.memory_space<vmem>>, vector<1x1x16xf32>,
      %get3A_1027 = vector.shape_cast %get3A_1026 : vector<1x1x16xf32> to vector<16xf32>
      %get3A_1028 = arith.constant 0 : i32
      %get3A_1029 = arith.index_cast %get3A_1028 : i32 to index
      %get3A_1030 = arith.index_cast %scan3A_860 : i32 to index
      %get3A_1031 = arith.constant 96 : index
      %get3A_1032 = tpu.vector_load %arg10[%get3A_1029, %get3A_1030, %get3A_1031] {strides = array<i32>} : memref<5x64x128xf32, #tpu.memory_space<vmem>>, vector<1x1x16xf32>,
      %get3A_1033 = vector.shape_cast %get3A_1032 : vector<1x1x16xf32> to vector<16xf32>
      %mul3A_1034 = arith.mulf %get3A_1027, %get3A_1033 : vector<16xf32>
      %get3A_1035 = arith.constant 0 : i32
      %get3A_1036 = arith.index_cast %get3A_1035 : i32 to index
      %get3A_1037 = arith.index_cast %scan3A_860 : i32 to index
      %get3A_1038 = arith.constant 96 : index
      %get3A_1039 = tpu.vector_load %arg9[%get3A_1036, %get3A_1037, %get3A_1038] {strides = array<i32>} : memref<5x64x128xf32, #tpu.memory_space<vmem>>, vector<1x1x16xf32>,
      %get3A_1040 = vector.shape_cast %get3A_1039 : vector<1x1x16xf32> to vector<16xf32>
      %add3A_1041 = arith.addf %mul3A_1034, %get3A_1040 : vector<16xf32>
      %swap3A_1042 = arith.constant 0 : i32
      %swap3A_1043 = arith.index_cast %swap3A_1042 : i32 to index
      %swap3A_1044 = arith.index_cast %scan3A_860 : i32 to index
      %swap3A_1045 = arith.constant 96 : index
      %swap3A_1046 = tpu.vector_load %arg10[%swap3A_1043, %swap3A_1044, %swap3A_1045] {strides = array<i32>} : memref<5x64x128xf32, #tpu.memory_space<vmem>>, vector<1x1x16xf32>,
      %swap3A_1047 = vector.shape_cast %swap3A_1046 : vector<1x1x16xf32> to vector<16xf32>
      %swap3A_1048 = vector.shape_cast %add3A_1041 : vector<16xf32> to vector<1x1x16xf32>
      tpu.vector_store %arg10[%swap3A_1043, %swap3A_1044, %swap3A_1045], %swap3A_1048 {strides = array<i32>} : memref<5x64x128xf32, #tpu.memory_space<vmem>>, vector<1x1x16xf32>,
      %get3A_1049 = arith.constant 0 : i32
      %get3A_1050 = arith.index_cast %get3A_1049 : i32 to index
      %get3A_1051 = arith.index_cast %scan3A_860 : i32 to index
      %get3A_1052 = arith.constant 112 : index
      %get3A_1053 = tpu.vector_load %arg8[%get3A_1050, %get3A_1051, %get3A_1052] {strides = array<i32>} : memref<5x64x128xf32, #tpu.memory_space<vmem>>, vector<1x1x16xf32>,
      %get3A_1054 = vector.shape_cast %get3A_1053 : vector<1x1x16xf32> to vector<16xf32>
      %get3A_1055 = arith.constant 0 : i32
      %get3A_1056 = arith.index_cast %get3A_1055 : i32 to index
      %get3A_1057 = arith.index_cast %scan3A_860 : i32 to index
      %get3A_1058 = arith.constant 112 : index
      %get3A_1059 = tpu.vector_load %arg10[%get3A_1056, %get3A_1057, %get3A_1058] {strides = array<i32>} : memref<5x64x128xf32, #tpu.memory_space<vmem>>, vector<1x1x16xf32>,
      %get3A_1060 = vector.shape_cast %get3A_1059 : vector<1x1x16xf32> to vector<16xf32>
      %mul3A_1061 = arith.mulf %get3A_1054, %get3A_1060 : vector<16xf32>
      %get3A_1062 = arith.constant 0 : i32
      %get3A_1063 = arith.index_cast %get3A_1062 : i32 to index
      %get3A_1064 = arith.index_cast %scan3A_860 : i32 to index
      %get3A_1065 = arith.constant 112 : index
      %get3A_1066 = tpu.vector_load %arg9[%get3A_1063, %get3A_1064, %get3A_1065] {strides = array<i32>} : memref<5x64x128xf32, #tpu.memory_space<vmem>>, vector<1x1x16xf32>,
      %get3A_1067 = vector.shape_cast %get3A_1066 : vector<1x1x16xf32> to vector<16xf32>
      %add3A_1068 = arith.addf %mul3A_1061, %get3A_1067 : vector<16xf32>
      %swap3A_1069 = arith.constant 0 : i32
      %swap3A_1070 = arith.index_cast %swap3A_1069 : i32 to index
      %swap3A_1071 = arith.index_cast %scan3A_860 : i32 to index
      %swap3A_1072 = arith.constant 112 : index
      %swap3A_1073 = tpu.vector_load %arg10[%swap3A_1070, %swap3A_1071, %swap3A_1072] {strides = array<i32>} : memref<5x64x128xf32, #tpu.memory_space<vmem>>, vector<1x1x16xf32>,
      %swap3A_1074 = vector.shape_cast %swap3A_1073 : vector<1x1x16xf32> to vector<16xf32>
      %swap3A_1075 = vector.shape_cast %add3A_1068 : vector<16xf32> to vector<1x1x16xf32>
      tpu.vector_store %arg10[%swap3A_1070, %swap3A_1071, %swap3A_1072], %swap3A_1075 {strides = array<i32>} : memref<5x64x128xf32, #tpu.memory_space<vmem>>, vector<1x1x16xf32>,
      %scan3A_1076 = arith.constant 0 : i32
      scf.yield %scan3A_1076 : i32
    }
    %scan3A_663 = arith.constant 64 : i32
    %mul3A_664 = arith.constant 512 : i32
    %mul3A_665 = arith.muli %add3A, %mul3A_664 : i32
    %add3A_666 = arith.constant 320 : i32
    %add3A_667 = arith.addi %mul3A_665, %add3A_666 : i32
    %dma_start3A_668 = arith.constant 0 : i32
    %dma_start3A_669 = arith.constant 0 : i32
    %dma_start3A_670 = arith.constant 0 : i32
    %dma_start3A_671 = tpu.memref_slice %arg10[%dma_start3A_668, %dma_start3A_669, %dma_start3A_670] : memref<5x64x128xf32, #tpu.memory_space<vmem>> -> memref<1x64x128xf32, #tpu.memory_space<vmem>>
    %dma_start3A_672 = tpu.memref_squeeze %dma_start3A_671 : memref<1x64x128xf32, #tpu.memory_space<vmem>> -> memref<64x128xf32, #tpu.memory_space<vmem>>
    %dma_start3A_673 = arith.constant 0 : i32
    %dma_start3A_674 = tpu.memref_slice %arg6[%add3A_667, %dma_start3A_673] : memref<16384x128xf32, #tpu.memory_space<hbm>> -> memref<64x128xf32, #tpu.memory_space<hbm>>
    %dma_start3A_675 = arith.constant 0 : i32
    %dma_start3A_676 = tpu.memref_slice %arg6[%add3A_667, %dma_start3A_675] : memref<16384x128xf32, #tpu.memory_space<hbm>> -> memref<64x128xf32, #tpu.memory_space<hbm>>
    %dma_start3A_677 = arith.constant 0 : i32
    %dma_start3A_678 = arith.constant 0 : i32
    %dma_start3A_679 = tpu.memref_slice %arg10[%dma_start3A_668, %dma_start3A_677, %dma_start3A_678] : memref<5x64x128xf32, #tpu.memory_space<vmem>> -> memref<1x64x128xf32, #tpu.memory_space<vmem>>
    %dma_start3A_680 = tpu.memref_squeeze %dma_start3A_679 : memref<1x64x128xf32, #tpu.memory_space<vmem>> -> memref<64x128xf32, #tpu.memory_space<vmem>>
    tpu.enqueue_dma source(%dma_start3A_680 : memref<64x128xf32, #tpu.memory_space<vmem>>) target(%dma_start3A_676 : memref<64x128xf32, #tpu.memory_space<hbm>>) target_semaphore(%arg26 : memref<!tpu.dma_semaphore, #tpu.memory_space<semaphore_mem>>)
    %dma_wait3A_681 = arith.constant 1 : i32
    %dma_wait3A_682 = arith.constant 0 : i32
    %dma_wait3A_683 = arith.constant 0 : i32
    %dma_wait3A_684 = tpu.memref_slice %arg8[%dma_wait3A_681, %dma_wait3A_682, %dma_wait3A_683] : memref<5x64x128xf32, #tpu.memory_space<vmem>> -> memref<1x64x128xf32, #tpu.memory_space<vmem>>
    %dma_wait3A_685 = tpu.memref_squeeze %dma_wait3A_684 : memref<1x64x128xf32, #tpu.memory_space<vmem>> -> memref<64x128xf32, #tpu.memory_space<vmem>>
    %dma_wait3A_686 = arith.constant 64 : i32
    %dma_wait3A_687 = tpu.memref_slice %arg7[%dma_wait3A_686] : memref<512xi32, #tpu.memory_space<vmem>> -> memref<64xi32, #tpu.memory_space<vmem>>
    %dma_wait3A_688 = arith.constant 0 : i32
    %dma_wait3A_689 = arith.constant 0 : i32
    %dma_wait3A_690 = tpu.memref_slice %arg4[%dma_wait3A_688, %dma_wait3A_689] : memref<100000x128xf32, #tpu.memory_space<hbm>> -> memref<100000x128xf32, #tpu.memory_space<hbm>>
    tpu.wait_indirect_dma semaphore(%arg12 : memref<!tpu.dma_semaphore, #tpu.memory_space<semaphore_mem>>) src(%dma_wait3A_690 : memref<100000x128xf32, #tpu.memory_space<hbm>>) dst(%dma_wait3A_685 : memref<64x128xf32, #tpu.memory_space<vmem>>)
    %dma_wait3A_691 = arith.constant 1 : i32
    %dma_wait3A_692 = arith.constant 0 : i32
    %dma_wait3A_693 = arith.constant 0 : i32
    %dma_wait3A_694 = tpu.memref_slice %arg9[%dma_wait3A_691, %dma_wait3A_692, %dma_wait3A_693] : memref<5x64x128xf32, #tpu.memory_space<vmem>> -> memref<1x64x128xf32, #tpu.memory_space<vmem>>
    %dma_wait3A_695 = tpu.memref_squeeze %dma_wait3A_694 : memref<1x64x128xf32, #tpu.memory_space<vmem>> -> memref<64x128xf32, #tpu.memory_space<vmem>>
    %dma_wait3A_696 = arith.constant 64 : i32
    %dma_wait3A_697 = tpu.memref_slice %arg7[%dma_wait3A_696] : memref<512xi32, #tpu.memory_space<vmem>> -> memref<64xi32, #tpu.memory_space<vmem>>
    %dma_wait3A_698 = arith.constant 0 : i32
    %dma_wait3A_699 = arith.constant 0 : i32
    %dma_wait3A_700 = tpu.memref_slice %arg5[%dma_wait3A_698, %dma_wait3A_699] : memref<100000x128xf32, #tpu.memory_space<hbm>> -> memref<100000x128xf32, #tpu.memory_space<hbm>>
    tpu.wait_indirect_dma semaphore(%arg17 : memref<!tpu.dma_semaphore, #tpu.memory_space<semaphore_mem>>) src(%dma_wait3A_700 : memref<100000x128xf32, #tpu.memory_space<hbm>>) dst(%dma_wait3A_695 : memref<64x128xf32, #tpu.memory_space<vmem>>)
    %dma_wait3A_701 = arith.constant 1 : i32
    %dma_wait3A_702 = arith.constant 0 : i32
    %dma_wait3A_703 = arith.constant 0 : i32
    %dma_wait3A_704 = tpu.memref_slice %arg10[%dma_wait3A_701, %dma_wait3A_702, %dma_wait3A_703] : memref<5x64x128xf32, #tpu.memory_space<vmem>> -> memref<1x64x128xf32, #tpu.memory_space<vmem>>
    %dma_wait3A_705 = tpu.memref_squeeze %dma_wait3A_704 : memref<1x64x128xf32, #tpu.memory_space<vmem>> -> memref<64x128xf32, #tpu.memory_space<vmem>>
    %dma_wait3A_706 = arith.constant 0 : i32
    %dma_wait3A_707 = tpu.memref_slice %arg2[%add3A_20, %dma_wait3A_706] : memref<16384x128xf32, #tpu.memory_space<hbm>> -> memref<64x128xf32, #tpu.memory_space<hbm>>
    %dma_wait3A_708 = arith.constant 0 : i32
    %dma_wait3A_709 = arith.constant 0 : i32
    %dma_wait3A_710 = tpu.memref_slice %arg10[%dma_wait3A_701, %dma_wait3A_708, %dma_wait3A_709] : memref<5x64x128xf32, #tpu.memory_space<vmem>> -> memref<1x64x128xf32, #tpu.memory_space<vmem>>
    %dma_wait3A_711 = tpu.memref_squeeze %dma_wait3A_710 : memref<1x64x128xf32, #tpu.memory_space<vmem>> -> memref<64x128xf32, #tpu.memory_space<vmem>>
    %dma_wait3A_712 = arith.constant 0 : i32
    %dma_wait3A_713 = tpu.memref_slice %arg2[%add3A_20, %dma_wait3A_712] : memref<16384x128xf32, #tpu.memory_space<hbm>> -> memref<64x128xf32, #tpu.memory_space<hbm>>
    tpu.wait_dma2 semaphore(%arg22 : memref<!tpu.dma_semaphore, #tpu.memory_space<semaphore_mem>>) src(%dma_wait3A_713 : memref<64x128xf32, #tpu.memory_space<hbm>>) dst(%dma_wait3A_711 : memref<64x128xf32, #tpu.memory_space<vmem>>)
    %scan3A_714 = arith.constant 0 : i32
    %scan3A_715 = arith.constant 0 : i32
    %scan3A_716 = arith.constant 64 : i32
    %scan3A_717 = arith.addi %scan3A_715, %scan3A_716 : i32
    %scan3A_718 = arith.constant 1 : i32
    %scan3A_719 = scf.for %scan3A_860 = %scan3A_715 to %scan3A_717 step %scan3A_718 iter_args(%scan3A_861 = %scan3A_714) -> (i32)  : i32 {
      %get3A = arith.constant 1 : i32
      %get3A_862 = arith.index_cast %get3A : i32 to index
      %get3A_863 = arith.index_cast %scan3A_860 : i32 to index
      %get3A_864 = arith.constant 0 : index
      %get3A_865 = tpu.vector_load %arg8[%get3A_862, %get3A_863, %get3A_864] {strides = array<i32>} : memref<5x64x128xf32, #tpu.memory_space<vmem>>, vector<1x1x16xf32>,
      %get3A_866 = vector.shape_cast %get3A_865 : vector<1x1x16xf32> to vector<16xf32>
      %get3A_867 = arith.constant 1 : i32
      %get3A_868 = arith.index_cast %get3A_867 : i32 to index
      %get3A_869 = arith.index_cast %scan3A_860 : i32 to index
      %get3A_870 = arith.constant 0 : index
      %get3A_871 = tpu.vector_load %arg10[%get3A_868, %get3A_869, %get3A_870] {strides = array<i32>} : memref<5x64x128xf32, #tpu.memory_space<vmem>>, vector<1x1x16xf32>,
      %get3A_872 = vector.shape_cast %get3A_871 : vector<1x1x16xf32> to vector<16xf32>
      %mul3A_873 = arith.mulf %get3A_866, %get3A_872 : vector<16xf32>
      %get3A_874 = arith.constant 1 : i32
      %get3A_875 = arith.index_cast %get3A_874 : i32 to index
      %get3A_876 = arith.index_cast %scan3A_860 : i32 to index
      %get3A_877 = arith.constant 0 : index
      %get3A_878 = tpu.vector_load %arg9[%get3A_875, %get3A_876, %get3A_877] {strides = array<i32>} : memref<5x64x128xf32, #tpu.memory_space<vmem>>, vector<1x1x16xf32>,
      %get3A_879 = vector.shape_cast %get3A_878 : vector<1x1x16xf32> to vector<16xf32>
      %add3A_880 = arith.addf %mul3A_873, %get3A_879 : vector<16xf32>
      %swap3A = arith.constant 1 : i32
      %swap3A_881 = arith.index_cast %swap3A : i32 to index
      %swap3A_882 = arith.index_cast %scan3A_860 : i32 to index
      %swap3A_883 = arith.constant 0 : index
      %swap3A_884 = tpu.vector_load %arg10[%swap3A_881, %swap3A_882, %swap3A_883] {strides = array<i32>} : memref<5x64x128xf32, #tpu.memory_space<vmem>>, vector<1x1x16xf32>,
      %swap3A_885 = vector.shape_cast %swap3A_884 : vector<1x1x16xf32> to vector<16xf32>
      %swap3A_886 = vector.shape_cast %add3A_880 : vector<16xf32> to vector<1x1x16xf32>
      tpu.vector_store %arg10[%swap3A_881, %swap3A_882, %swap3A_883], %swap3A_886 {strides = array<i32>} : memref<5x64x128xf32, #tpu.memory_space<vmem>>, vector<1x1x16xf32>,
      %get3A_887 = arith.constant 1 : i32
      %get3A_888 = arith.index_cast %get3A_887 : i32 to index
      %get3A_889 = arith.index_cast %scan3A_860 : i32 to index
      %get3A_890 = arith.constant 16 : index
      %get3A_891 = tpu.vector_load %arg8[%get3A_888, %get3A_889, %get3A_890] {strides = array<i32>} : memref<5x64x128xf32, #tpu.memory_space<vmem>>, vector<1x1x16xf32>,
      %get3A_892 = vector.shape_cast %get3A_891 : vector<1x1x16xf32> to vector<16xf32>
      %get3A_893 = arith.constant 1 : i32
      %get3A_894 = arith.index_cast %get3A_893 : i32 to index
      %get3A_895 = arith.index_cast %scan3A_860 : i32 to index
      %get3A_896 = arith.constant 16 : index
      %get3A_897 = tpu.vector_load %arg10[%get3A_894, %get3A_895, %get3A_896] {strides = array<i32>} : memref<5x64x128xf32, #tpu.memory_space<vmem>>, vector<1x1x16xf32>,
      %get3A_898 = vector.shape_cast %get3A_897 : vector<1x1x16xf32> to vector<16xf32>
      %mul3A_899 = arith.mulf %get3A_892, %get3A_898 : vector<16xf32>
      %get3A_900 = arith.constant 1 : i32
      %get3A_901 = arith.index_cast %get3A_900 : i32 to index
      %get3A_902 = arith.index_cast %scan3A_860 : i32 to index
      %get3A_903 = arith.constant 16 : index
      %get3A_904 = tpu.vector_load %arg9[%get3A_901, %get3A_902, %get3A_903] {strides = array<i32>} : memref<5x64x128xf32, #tpu.memory_space<vmem>>, vector<1x1x16xf32>,
      %get3A_905 = vector.shape_cast %get3A_904 : vector<1x1x16xf32> to vector<16xf32>
      %add3A_906 = arith.addf %mul3A_899, %get3A_905 : vector<16xf32>
      %swap3A_907 = arith.constant 1 : i32
      %swap3A_908 = arith.index_cast %swap3A_907 : i32 to index
      %swap3A_909 = arith.index_cast %scan3A_860 : i32 to index
      %swap3A_910 = arith.constant 16 : index
      %swap3A_911 = tpu.vector_load %arg10[%swap3A_908, %swap3A_909, %swap3A_910] {strides = array<i32>} : memref<5x64x128xf32, #tpu.memory_space<vmem>>, vector<1x1x16xf32>,
      %swap3A_912 = vector.shape_cast %swap3A_911 : vector<1x1x16xf32> to vector<16xf32>
      %swap3A_913 = vector.shape_cast %add3A_906 : vector<16xf32> to vector<1x1x16xf32>
      tpu.vector_store %arg10[%swap3A_908, %swap3A_909, %swap3A_910], %swap3A_913 {strides = array<i32>} : memref<5x64x128xf32, #tpu.memory_space<vmem>>, vector<1x1x16xf32>,
      %get3A_914 = arith.constant 1 : i32
      %get3A_915 = arith.index_cast %get3A_914 : i32 to index
      %get3A_916 = arith.index_cast %scan3A_860 : i32 to index
      %get3A_917 = arith.constant 32 : index
      %get3A_918 = tpu.vector_load %arg8[%get3A_915, %get3A_916, %get3A_917] {strides = array<i32>} : memref<5x64x128xf32, #tpu.memory_space<vmem>>, vector<1x1x16xf32>,
      %get3A_919 = vector.shape_cast %get3A_918 : vector<1x1x16xf32> to vector<16xf32>
      %get3A_920 = arith.constant 1 : i32
      %get3A_921 = arith.index_cast %get3A_920 : i32 to index
      %get3A_922 = arith.index_cast %scan3A_860 : i32 to index
      %get3A_923 = arith.constant 32 : index
      %get3A_924 = tpu.vector_load %arg10[%get3A_921, %get3A_922, %get3A_923] {strides = array<i32>} : memref<5x64x128xf32, #tpu.memory_space<vmem>>, vector<1x1x16xf32>,
      %get3A_925 = vector.shape_cast %get3A_924 : vector<1x1x16xf32> to vector<16xf32>
      %mul3A_926 = arith.mulf %get3A_919, %get3A_925 : vector<16xf32>
      %get3A_927 = arith.constant 1 : i32
      %get3A_928 = arith.index_cast %get3A_927 : i32 to index
      %get3A_929 = arith.index_cast %scan3A_860 : i32 to index
      %get3A_930 = arith.constant 32 : index
      %get3A_931 = tpu.vector_load %arg9[%get3A_928, %get3A_929, %get3A_930] {strides = array<i32>} : memref<5x64x128xf32, #tpu.memory_space<vmem>>, vector<1x1x16xf32>,
      %get3A_932 = vector.shape_cast %get3A_931 : vector<1x1x16xf32> to vector<16xf32>
      %add3A_933 = arith.addf %mul3A_926, %get3A_932 : vector<16xf32>
      %swap3A_934 = arith.constant 1 : i32
      %swap3A_935 = arith.index_cast %swap3A_934 : i32 to index
      %swap3A_936 = arith.index_cast %scan3A_860 : i32 to index
      %swap3A_937 = arith.constant 32 : index
      %swap3A_938 = tpu.vector_load %arg10[%swap3A_935, %swap3A_936, %swap3A_937] {strides = array<i32>} : memref<5x64x128xf32, #tpu.memory_space<vmem>>, vector<1x1x16xf32>,
      %swap3A_939 = vector.shape_cast %swap3A_938 : vector<1x1x16xf32> to vector<16xf32>
      %swap3A_940 = vector.shape_cast %add3A_933 : vector<16xf32> to vector<1x1x16xf32>
      tpu.vector_store %arg10[%swap3A_935, %swap3A_936, %swap3A_937], %swap3A_940 {strides = array<i32>} : memref<5x64x128xf32, #tpu.memory_space<vmem>>, vector<1x1x16xf32>,
      %get3A_941 = arith.constant 1 : i32
      %get3A_942 = arith.index_cast %get3A_941 : i32 to index
      %get3A_943 = arith.index_cast %scan3A_860 : i32 to index
      %get3A_944 = arith.constant 48 : index
      %get3A_945 = tpu.vector_load %arg8[%get3A_942, %get3A_943, %get3A_944] {strides = array<i32>} : memref<5x64x128xf32, #tpu.memory_space<vmem>>, vector<1x1x16xf32>,
      %get3A_946 = vector.shape_cast %get3A_945 : vector<1x1x16xf32> to vector<16xf32>
      %get3A_947 = arith.constant 1 : i32
      %get3A_948 = arith.index_cast %get3A_947 : i32 to index
      %get3A_949 = arith.index_cast %scan3A_860 : i32 to index
      %get3A_950 = arith.constant 48 : index
      %get3A_951 = tpu.vector_load %arg10[%get3A_948, %get3A_949, %get3A_950] {strides = array<i32>} : memref<5x64x128xf32, #tpu.memory_space<vmem>>, vector<1x1x16xf32>,
      %get3A_952 = vector.shape_cast %get3A_951 : vector<1x1x16xf32> to vector<16xf32>
      %mul3A_953 = arith.mulf %get3A_946, %get3A_952 : vector<16xf32>
      %get3A_954 = arith.constant 1 : i32
      %get3A_955 = arith.index_cast %get3A_954 : i32 to index
      %get3A_956 = arith.index_cast %scan3A_860 : i32 to index
      %get3A_957 = arith.constant 48 : index
      %get3A_958 = tpu.vector_load %arg9[%get3A_955, %get3A_956, %get3A_957] {strides = array<i32>} : memref<5x64x128xf32, #tpu.memory_space<vmem>>, vector<1x1x16xf32>,
      %get3A_959 = vector.shape_cast %get3A_958 : vector<1x1x16xf32> to vector<16xf32>
      %add3A_960 = arith.addf %mul3A_953, %get3A_959 : vector<16xf32>
      %swap3A_961 = arith.constant 1 : i32
      %swap3A_962 = arith.index_cast %swap3A_961 : i32 to index
      %swap3A_963 = arith.index_cast %scan3A_860 : i32 to index
      %swap3A_964 = arith.constant 48 : index
      %swap3A_965 = tpu.vector_load %arg10[%swap3A_962, %swap3A_963, %swap3A_964] {strides = array<i32>} : memref<5x64x128xf32, #tpu.memory_space<vmem>>, vector<1x1x16xf32>,
      %swap3A_966 = vector.shape_cast %swap3A_965 : vector<1x1x16xf32> to vector<16xf32>
      %swap3A_967 = vector.shape_cast %add3A_960 : vector<16xf32> to vector<1x1x16xf32>
      tpu.vector_store %arg10[%swap3A_962, %swap3A_963, %swap3A_964], %swap3A_967 {strides = array<i32>} : memref<5x64x128xf32, #tpu.memory_space<vmem>>, vector<1x1x16xf32>,
      %get3A_968 = arith.constant 1 : i32
      %get3A_969 = arith.index_cast %get3A_968 : i32 to index
      %get3A_970 = arith.index_cast %scan3A_860 : i32 to index
      %get3A_971 = arith.constant 64 : index
      %get3A_972 = tpu.vector_load %arg8[%get3A_969, %get3A_970, %get3A_971] {strides = array<i32>} : memref<5x64x128xf32, #tpu.memory_space<vmem>>, vector<1x1x16xf32>,
      %get3A_973 = vector.shape_cast %get3A_972 : vector<1x1x16xf32> to vector<16xf32>
      %get3A_974 = arith.constant 1 : i32
      %get3A_975 = arith.index_cast %get3A_974 : i32 to index
      %get3A_976 = arith.index_cast %scan3A_860 : i32 to index
      %get3A_977 = arith.constant 64 : index
      %get3A_978 = tpu.vector_load %arg10[%get3A_975, %get3A_976, %get3A_977] {strides = array<i32>} : memref<5x64x128xf32, #tpu.memory_space<vmem>>, vector<1x1x16xf32>,
      %get3A_979 = vector.shape_cast %get3A_978 : vector<1x1x16xf32> to vector<16xf32>
      %mul3A_980 = arith.mulf %get3A_973, %get3A_979 : vector<16xf32>
      %get3A_981 = arith.constant 1 : i32
      %get3A_982 = arith.index_cast %get3A_981 : i32 to index
      %get3A_983 = arith.index_cast %scan3A_860 : i32 to index
      %get3A_984 = arith.constant 64 : index
      %get3A_985 = tpu.vector_load %arg9[%get3A_982, %get3A_983, %get3A_984] {strides = array<i32>} : memref<5x64x128xf32, #tpu.memory_space<vmem>>, vector<1x1x16xf32>,
      %get3A_986 = vector.shape_cast %get3A_985 : vector<1x1x16xf32> to vector<16xf32>
      %add3A_987 = arith.addf %mul3A_980, %get3A_986 : vector<16xf32>
      %swap3A_988 = arith.constant 1 : i32
      %swap3A_989 = arith.index_cast %swap3A_988 : i32 to index
      %swap3A_990 = arith.index_cast %scan3A_860 : i32 to index
      %swap3A_991 = arith.constant 64 : index
      %swap3A_992 = tpu.vector_load %arg10[%swap3A_989, %swap3A_990, %swap3A_991] {strides = array<i32>} : memref<5x64x128xf32, #tpu.memory_space<vmem>>, vector<1x1x16xf32>,
      %swap3A_993 = vector.shape_cast %swap3A_992 : vector<1x1x16xf32> to vector<16xf32>
      %swap3A_994 = vector.shape_cast %add3A_987 : vector<16xf32> to vector<1x1x16xf32>
      tpu.vector_store %arg10[%swap3A_989, %swap3A_990, %swap3A_991], %swap3A_994 {strides = array<i32>} : memref<5x64x128xf32, #tpu.memory_space<vmem>>, vector<1x1x16xf32>,
      %get3A_995 = arith.constant 1 : i32
      %get3A_996 = arith.index_cast %get3A_995 : i32 to index
      %get3A_997 = arith.index_cast %scan3A_860 : i32 to index
      %get3A_998 = arith.constant 80 : index
      %get3A_999 = tpu.vector_load %arg8[%get3A_996, %get3A_997, %get3A_998] {strides = array<i32>} : memref<5x64x128xf32, #tpu.memory_space<vmem>>, vector<1x1x16xf32>,
      %get3A_1000 = vector.shape_cast %get3A_999 : vector<1x1x16xf32> to vector<16xf32>
      %get3A_1001 = arith.constant 1 : i32
      %get3A_1002 = arith.index_cast %get3A_1001 : i32 to index
      %get3A_1003 = arith.index_cast %scan3A_860 : i32 to index
      %get3A_1004 = arith.constant 80 : index
      %get3A_1005 = tpu.vector_load %arg10[%get3A_1002, %get3A_1003, %get3A_1004] {strides = array<i32>} : memref<5x64x128xf32, #tpu.memory_space<vmem>>, vector<1x1x16xf32>,
      %get3A_1006 = vector.shape_cast %get3A_1005 : vector<1x1x16xf32> to vector<16xf32>
      %mul3A_1007 = arith.mulf %get3A_1000, %get3A_1006 : vector<16xf32>
      %get3A_1008 = arith.constant 1 : i32
      %get3A_1009 = arith.index_cast %get3A_1008 : i32 to index
      %get3A_1010 = arith.index_cast %scan3A_860 : i32 to index
      %get3A_1011 = arith.constant 80 : index
      %get3A_1012 = tpu.vector_load %arg9[%get3A_1009, %get3A_1010, %get3A_1011] {strides = array<i32>} : memref<5x64x128xf32, #tpu.memory_space<vmem>>, vector<1x1x16xf32>,
      %get3A_1013 = vector.shape_cast %get3A_1012 : vector<1x1x16xf32> to vector<16xf32>
      %add3A_1014 = arith.addf %mul3A_1007, %get3A_1013 : vector<16xf32>
      %swap3A_1015 = arith.constant 1 : i32
      %swap3A_1016 = arith.index_cast %swap3A_1015 : i32 to index
      %swap3A_1017 = arith.index_cast %scan3A_860 : i32 to index
      %swap3A_1018 = arith.constant 80 : index
      %swap3A_1019 = tpu.vector_load %arg10[%swap3A_1016, %swap3A_1017, %swap3A_1018] {strides = array<i32>} : memref<5x64x128xf32, #tpu.memory_space<vmem>>, vector<1x1x16xf32>,
      %swap3A_1020 = vector.shape_cast %swap3A_1019 : vector<1x1x16xf32> to vector<16xf32>
      %swap3A_1021 = vector.shape_cast %add3A_1014 : vector<16xf32> to vector<1x1x16xf32>
      tpu.vector_store %arg10[%swap3A_1016, %swap3A_1017, %swap3A_1018], %swap3A_1021 {strides = array<i32>} : memref<5x64x128xf32, #tpu.memory_space<vmem>>, vector<1x1x16xf32>,
      %get3A_1022 = arith.constant 1 : i32
      %get3A_1023 = arith.index_cast %get3A_1022 : i32 to index
      %get3A_1024 = arith.index_cast %scan3A_860 : i32 to index
      %get3A_1025 = arith.constant 96 : index
      %get3A_1026 = tpu.vector_load %arg8[%get3A_1023, %get3A_1024, %get3A_1025] {strides = array<i32>} : memref<5x64x128xf32, #tpu.memory_space<vmem>>, vector<1x1x16xf32>,
      %get3A_1027 = vector.shape_cast %get3A_1026 : vector<1x1x16xf32> to vector<16xf32>
      %get3A_1028 = arith.constant 1 : i32
      %get3A_1029 = arith.index_cast %get3A_1028 : i32 to index
      %get3A_1030 = arith.index_cast %scan3A_860 : i32 to index
      %get3A_1031 = arith.constant 96 : index
      %get3A_1032 = tpu.vector_load %arg10[%get3A_1029, %get3A_1030, %get3A_1031] {strides = array<i32>} : memref<5x64x128xf32, #tpu.memory_space<vmem>>, vector<1x1x16xf32>,
      %get3A_1033 = vector.shape_cast %get3A_1032 : vector<1x1x16xf32> to vector<16xf32>
      %mul3A_1034 = arith.mulf %get3A_1027, %get3A_1033 : vector<16xf32>
      %get3A_1035 = arith.constant 1 : i32
      %get3A_1036 = arith.index_cast %get3A_1035 : i32 to index
      %get3A_1037 = arith.index_cast %scan3A_860 : i32 to index
      %get3A_1038 = arith.constant 96 : index
      %get3A_1039 = tpu.vector_load %arg9[%get3A_1036, %get3A_1037, %get3A_1038] {strides = array<i32>} : memref<5x64x128xf32, #tpu.memory_space<vmem>>, vector<1x1x16xf32>,
      %get3A_1040 = vector.shape_cast %get3A_1039 : vector<1x1x16xf32> to vector<16xf32>
      %add3A_1041 = arith.addf %mul3A_1034, %get3A_1040 : vector<16xf32>
      %swap3A_1042 = arith.constant 1 : i32
      %swap3A_1043 = arith.index_cast %swap3A_1042 : i32 to index
      %swap3A_1044 = arith.index_cast %scan3A_860 : i32 to index
      %swap3A_1045 = arith.constant 96 : index
      %swap3A_1046 = tpu.vector_load %arg10[%swap3A_1043, %swap3A_1044, %swap3A_1045] {strides = array<i32>} : memref<5x64x128xf32, #tpu.memory_space<vmem>>, vector<1x1x16xf32>,
      %swap3A_1047 = vector.shape_cast %swap3A_1046 : vector<1x1x16xf32> to vector<16xf32>
      %swap3A_1048 = vector.shape_cast %add3A_1041 : vector<16xf32> to vector<1x1x16xf32>
      tpu.vector_store %arg10[%swap3A_1043, %swap3A_1044, %swap3A_1045], %swap3A_1048 {strides = array<i32>} : memref<5x64x128xf32, #tpu.memory_space<vmem>>, vector<1x1x16xf32>,
      %get3A_1049 = arith.constant 1 : i32
      %get3A_1050 = arith.index_cast %get3A_1049 : i32 to index
      %get3A_1051 = arith.index_cast %scan3A_860 : i32 to index
      %get3A_1052 = arith.constant 112 : index
      %get3A_1053 = tpu.vector_load %arg8[%get3A_1050, %get3A_1051, %get3A_1052] {strides = array<i32>} : memref<5x64x128xf32, #tpu.memory_space<vmem>>, vector<1x1x16xf32>,
      %get3A_1054 = vector.shape_cast %get3A_1053 : vector<1x1x16xf32> to vector<16xf32>
      %get3A_1055 = arith.constant 1 : i32
      %get3A_1056 = arith.index_cast %get3A_1055 : i32 to index
      %get3A_1057 = arith.index_cast %scan3A_860 : i32 to index
      %get3A_1058 = arith.constant 112 : index
      %get3A_1059 = tpu.vector_load %arg10[%get3A_1056, %get3A_1057, %get3A_1058] {strides = array<i32>} : memref<5x64x128xf32, #tpu.memory_space<vmem>>, vector<1x1x16xf32>,
      %get3A_1060 = vector.shape_cast %get3A_1059 : vector<1x1x16xf32> to vector<16xf32>
      %mul3A_1061 = arith.mulf %get3A_1054, %get3A_1060 : vector<16xf32>
      %get3A_1062 = arith.constant 1 : i32
      %get3A_1063 = arith.index_cast %get3A_1062 : i32 to index
      %get3A_1064 = arith.index_cast %scan3A_860 : i32 to index
      %get3A_1065 = arith.constant 112 : index
      %get3A_1066 = tpu.vector_load %arg9[%get3A_1063, %get3A_1064, %get3A_1065] {strides = array<i32>} : memref<5x64x128xf32, #tpu.memory_space<vmem>>, vector<1x1x16xf32>,
      %get3A_1067 = vector.shape_cast %get3A_1066 : vector<1x1x16xf32> to vector<16xf32>
      %add3A_1068 = arith.addf %mul3A_1061, %get3A_1067 : vector<16xf32>
      %swap3A_1069 = arith.constant 1 : i32
      %swap3A_1070 = arith.index_cast %swap3A_1069 : i32 to index
      %swap3A_1071 = arith.index_cast %scan3A_860 : i32 to index
      %swap3A_1072 = arith.constant 112 : index
      %swap3A_1073 = tpu.vector_load %arg10[%swap3A_1070, %swap3A_1071, %swap3A_1072] {strides = array<i32>} : memref<5x64x128xf32, #tpu.memory_space<vmem>>, vector<1x1x16xf32>,
      %swap3A_1074 = vector.shape_cast %swap3A_1073 : vector<1x1x16xf32> to vector<16xf32>
      %swap3A_1075 = vector.shape_cast %add3A_1068 : vector<16xf32> to vector<1x1x16xf32>
      tpu.vector_store %arg10[%swap3A_1070, %swap3A_1071, %swap3A_1072], %swap3A_1075 {strides = array<i32>} : memref<5x64x128xf32, #tpu.memory_space<vmem>>, vector<1x1x16xf32>,
      %scan3A_1076 = arith.constant 0 : i32
      scf.yield %scan3A_1076 : i32
    }
    %scan3A_720 = arith.constant 64 : i32
    %mul3A_721 = arith.constant 512 : i32
    %mul3A_722 = arith.muli %add3A, %mul3A_721 : i32
    %add3A_723 = arith.constant 384 : i32
    %add3A_724 = arith.addi %mul3A_722, %add3A_723 : i32
    %dma_start3A_725 = arith.constant 1 : i32
    %dma_start3A_726 = arith.constant 0 : i32
    %dma_start3A_727 = arith.constant 0 : i32
    %dma_start3A_728 = tpu.memref_slice %arg10[%dma_start3A_725, %dma_start3A_726, %dma_start3A_727] : memref<5x64x128xf32, #tpu.memory_space<vmem>> -> memref<1x64x128xf32, #tpu.memory_space<vmem>>
    %dma_start3A_729 = tpu.memref_squeeze %dma_start3A_728 : memref<1x64x128xf32, #tpu.memory_space<vmem>> -> memref<64x128xf32, #tpu.memory_space<vmem>>
    %dma_start3A_730 = arith.constant 0 : i32
    %dma_start3A_731 = tpu.memref_slice %arg6[%add3A_724, %dma_start3A_730] : memref<16384x128xf32, #tpu.memory_space<hbm>> -> memref<64x128xf32, #tpu.memory_space<hbm>>
    %dma_start3A_732 = arith.constant 0 : i32
    %dma_start3A_733 = tpu.memref_slice %arg6[%add3A_724, %dma_start3A_732] : memref<16384x128xf32, #tpu.memory_space<hbm>> -> memref<64x128xf32, #tpu.memory_space<hbm>>
    %dma_start3A_734 = arith.constant 0 : i32
    %dma_start3A_735 = arith.constant 0 : i32
    %dma_start3A_736 = tpu.memref_slice %arg10[%dma_start3A_725, %dma_start3A_734, %dma_start3A_735] : memref<5x64x128xf32, #tpu.memory_space<vmem>> -> memref<1x64x128xf32, #tpu.memory_space<vmem>>
    %dma_start3A_737 = tpu.memref_squeeze %dma_start3A_736 : memref<1x64x128xf32, #tpu.memory_space<vmem>> -> memref<64x128xf32, #tpu.memory_space<vmem>>
    tpu.enqueue_dma source(%dma_start3A_737 : memref<64x128xf32, #tpu.memory_space<vmem>>) target(%dma_start3A_733 : memref<64x128xf32, #tpu.memory_space<hbm>>) target_semaphore(%arg27 : memref<!tpu.dma_semaphore, #tpu.memory_space<semaphore_mem>>)
    %dma_wait3A_738 = arith.constant 2 : i32
    %dma_wait3A_739 = arith.constant 0 : i32
    %dma_wait3A_740 = arith.constant 0 : i32
    %dma_wait3A_741 = tpu.memref_slice %arg8[%dma_wait3A_738, %dma_wait3A_739, %dma_wait3A_740] : memref<5x64x128xf32, #tpu.memory_space<vmem>> -> memref<1x64x128xf32, #tpu.memory_space<vmem>>
    %dma_wait3A_742 = tpu.memref_squeeze %dma_wait3A_741 : memref<1x64x128xf32, #tpu.memory_space<vmem>> -> memref<64x128xf32, #tpu.memory_space<vmem>>
    %dma_wait3A_743 = arith.constant 128 : i32
    %dma_wait3A_744 = tpu.memref_slice %arg7[%dma_wait3A_743] : memref<512xi32, #tpu.memory_space<vmem>> -> memref<64xi32, #tpu.memory_space<vmem>>
    %dma_wait3A_745 = arith.constant 0 : i32
    %dma_wait3A_746 = arith.constant 0 : i32
    %dma_wait3A_747 = tpu.memref_slice %arg4[%dma_wait3A_745, %dma_wait3A_746] : memref<100000x128xf32, #tpu.memory_space<hbm>> -> memref<100000x128xf32, #tpu.memory_space<hbm>>
    tpu.wait_indirect_dma semaphore(%arg13 : memref<!tpu.dma_semaphore, #tpu.memory_space<semaphore_mem>>) src(%dma_wait3A_747 : memref<100000x128xf32, #tpu.memory_space<hbm>>) dst(%dma_wait3A_742 : memref<64x128xf32, #tpu.memory_space<vmem>>)
    %dma_wait3A_748 = arith.constant 2 : i32
    %dma_wait3A_749 = arith.constant 0 : i32
    %dma_wait3A_750 = arith.constant 0 : i32
    %dma_wait3A_751 = tpu.memref_slice %arg9[%dma_wait3A_748, %dma_wait3A_749, %dma_wait3A_750] : memref<5x64x128xf32, #tpu.memory_space<vmem>> -> memref<1x64x128xf32, #tpu.memory_space<vmem>>
    %dma_wait3A_752 = tpu.memref_squeeze %dma_wait3A_751 : memref<1x64x128xf32, #tpu.memory_space<vmem>> -> memref<64x128xf32, #tpu.memory_space<vmem>>
    %dma_wait3A_753 = arith.constant 128 : i32
    %dma_wait3A_754 = tpu.memref_slice %arg7[%dma_wait3A_753] : memref<512xi32, #tpu.memory_space<vmem>> -> memref<64xi32, #tpu.memory_space<vmem>>
    %dma_wait3A_755 = arith.constant 0 : i32
    %dma_wait3A_756 = arith.constant 0 : i32
    %dma_wait3A_757 = tpu.memref_slice %arg5[%dma_wait3A_755, %dma_wait3A_756] : memref<100000x128xf32, #tpu.memory_space<hbm>> -> memref<100000x128xf32, #tpu.memory_space<hbm>>
    tpu.wait_indirect_dma semaphore(%arg18 : memref<!tpu.dma_semaphore, #tpu.memory_space<semaphore_mem>>) src(%dma_wait3A_757 : memref<100000x128xf32, #tpu.memory_space<hbm>>) dst(%dma_wait3A_752 : memref<64x128xf32, #tpu.memory_space<vmem>>)
    %dma_wait3A_758 = arith.constant 2 : i32
    %dma_wait3A_759 = arith.constant 0 : i32
    %dma_wait3A_760 = arith.constant 0 : i32
    %dma_wait3A_761 = tpu.memref_slice %arg10[%dma_wait3A_758, %dma_wait3A_759, %dma_wait3A_760] : memref<5x64x128xf32, #tpu.memory_space<vmem>> -> memref<1x64x128xf32, #tpu.memory_space<vmem>>
    %dma_wait3A_762 = tpu.memref_squeeze %dma_wait3A_761 : memref<1x64x128xf32, #tpu.memory_space<vmem>> -> memref<64x128xf32, #tpu.memory_space<vmem>>
    %dma_wait3A_763 = arith.constant 0 : i32
    %dma_wait3A_764 = tpu.memref_slice %arg2[%add3A_37, %dma_wait3A_763] : memref<16384x128xf32, #tpu.memory_space<hbm>> -> memref<64x128xf32, #tpu.memory_space<hbm>>
    %dma_wait3A_765 = arith.constant 0 : i32
    %dma_wait3A_766 = arith.constant 0 : i32
    %dma_wait3A_767 = tpu.memref_slice %arg10[%dma_wait3A_758, %dma_wait3A_765, %dma_wait3A_766] : memref<5x64x128xf32, #tpu.memory_space<vmem>> -> memref<1x64x128xf32, #tpu.memory_space<vmem>>
    %dma_wait3A_768 = tpu.memref_squeeze %dma_wait3A_767 : memref<1x64x128xf32, #tpu.memory_space<vmem>> -> memref<64x128xf32, #tpu.memory_space<vmem>>
    %dma_wait3A_769 = arith.constant 0 : i32
    %dma_wait3A_770 = tpu.memref_slice %arg2[%add3A_37, %dma_wait3A_769] : memref<16384x128xf32, #tpu.memory_space<hbm>> -> memref<64x128xf32, #tpu.memory_space<hbm>>
    tpu.wait_dma2 semaphore(%arg23 : memref<!tpu.dma_semaphore, #tpu.memory_space<semaphore_mem>>) src(%dma_wait3A_770 : memref<64x128xf32, #tpu.memory_space<hbm>>) dst(%dma_wait3A_768 : memref<64x128xf32, #tpu.memory_space<vmem>>)
    %scan3A_771 = arith.constant 0 : i32
    %scan3A_772 = arith.constant 0 : i32
    %scan3A_773 = arith.constant 64 : i32
    %scan3A_774 = arith.addi %scan3A_772, %scan3A_773 : i32
    %scan3A_775 = arith.constant 1 : i32
    %scan3A_776 = scf.for %scan3A_860 = %scan3A_772 to %scan3A_774 step %scan3A_775 iter_args(%scan3A_861 = %scan3A_771) -> (i32)  : i32 {
      %get3A = arith.constant 2 : i32
      %get3A_862 = arith.index_cast %get3A : i32 to index
      %get3A_863 = arith.index_cast %scan3A_860 : i32 to index
      %get3A_864 = arith.constant 0 : index
      %get3A_865 = tpu.vector_load %arg8[%get3A_862, %get3A_863, %get3A_864] {strides = array<i32>} : memref<5x64x128xf32, #tpu.memory_space<vmem>>, vector<1x1x16xf32>,
      %get3A_866 = vector.shape_cast %get3A_865 : vector<1x1x16xf32> to vector<16xf32>
      %get3A_867 = arith.constant 2 : i32
      %get3A_868 = arith.index_cast %get3A_867 : i32 to index
      %get3A_869 = arith.index_cast %scan3A_860 : i32 to index
      %get3A_870 = arith.constant 0 : index
      %get3A_871 = tpu.vector_load %arg10[%get3A_868, %get3A_869, %get3A_870] {strides = array<i32>} : memref<5x64x128xf32, #tpu.memory_space<vmem>>, vector<1x1x16xf32>,
      %get3A_872 = vector.shape_cast %get3A_871 : vector<1x1x16xf32> to vector<16xf32>
      %mul3A_873 = arith.mulf %get3A_866, %get3A_872 : vector<16xf32>
      %get3A_874 = arith.constant 2 : i32
      %get3A_875 = arith.index_cast %get3A_874 : i32 to index
      %get3A_876 = arith.index_cast %scan3A_860 : i32 to index
      %get3A_877 = arith.constant 0 : index
      %get3A_878 = tpu.vector_load %arg9[%get3A_875, %get3A_876, %get3A_877] {strides = array<i32>} : memref<5x64x128xf32, #tpu.memory_space<vmem>>, vector<1x1x16xf32>,
      %get3A_879 = vector.shape_cast %get3A_878 : vector<1x1x16xf32> to vector<16xf32>
      %add3A_880 = arith.addf %mul3A_873, %get3A_879 : vector<16xf32>
      %swap3A = arith.constant 2 : i32
      %swap3A_881 = arith.index_cast %swap3A : i32 to index
      %swap3A_882 = arith.index_cast %scan3A_860 : i32 to index
      %swap3A_883 = arith.constant 0 : index
      %swap3A_884 = tpu.vector_load %arg10[%swap3A_881, %swap3A_882, %swap3A_883] {strides = array<i32>} : memref<5x64x128xf32, #tpu.memory_space<vmem>>, vector<1x1x16xf32>,
      %swap3A_885 = vector.shape_cast %swap3A_884 : vector<1x1x16xf32> to vector<16xf32>
      %swap3A_886 = vector.shape_cast %add3A_880 : vector<16xf32> to vector<1x1x16xf32>
      tpu.vector_store %arg10[%swap3A_881, %swap3A_882, %swap3A_883], %swap3A_886 {strides = array<i32>} : memref<5x64x128xf32, #tpu.memory_space<vmem>>, vector<1x1x16xf32>,
      %get3A_887 = arith.constant 2 : i32
      %get3A_888 = arith.index_cast %get3A_887 : i32 to index
      %get3A_889 = arith.index_cast %scan3A_860 : i32 to index
      %get3A_890 = arith.constant 16 : index
      %get3A_891 = tpu.vector_load %arg8[%get3A_888, %get3A_889, %get3A_890] {strides = array<i32>} : memref<5x64x128xf32, #tpu.memory_space<vmem>>, vector<1x1x16xf32>,
      %get3A_892 = vector.shape_cast %get3A_891 : vector<1x1x16xf32> to vector<16xf32>
      %get3A_893 = arith.constant 2 : i32
      %get3A_894 = arith.index_cast %get3A_893 : i32 to index
      %get3A_895 = arith.index_cast %scan3A_860 : i32 to index
      %get3A_896 = arith.constant 16 : index
      %get3A_897 = tpu.vector_load %arg10[%get3A_894, %get3A_895, %get3A_896] {strides = array<i32>} : memref<5x64x128xf32, #tpu.memory_space<vmem>>, vector<1x1x16xf32>,
      %get3A_898 = vector.shape_cast %get3A_897 : vector<1x1x16xf32> to vector<16xf32>
      %mul3A_899 = arith.mulf %get3A_892, %get3A_898 : vector<16xf32>
      %get3A_900 = arith.constant 2 : i32
      %get3A_901 = arith.index_cast %get3A_900 : i32 to index
      %get3A_902 = arith.index_cast %scan3A_860 : i32 to index
      %get3A_903 = arith.constant 16 : index
      %get3A_904 = tpu.vector_load %arg9[%get3A_901, %get3A_902, %get3A_903] {strides = array<i32>} : memref<5x64x128xf32, #tpu.memory_space<vmem>>, vector<1x1x16xf32>,
      %get3A_905 = vector.shape_cast %get3A_904 : vector<1x1x16xf32> to vector<16xf32>
      %add3A_906 = arith.addf %mul3A_899, %get3A_905 : vector<16xf32>
      %swap3A_907 = arith.constant 2 : i32
      %swap3A_908 = arith.index_cast %swap3A_907 : i32 to index
      %swap3A_909 = arith.index_cast %scan3A_860 : i32 to index
      %swap3A_910 = arith.constant 16 : index
      %swap3A_911 = tpu.vector_load %arg10[%swap3A_908, %swap3A_909, %swap3A_910] {strides = array<i32>} : memref<5x64x128xf32, #tpu.memory_space<vmem>>, vector<1x1x16xf32>,
      %swap3A_912 = vector.shape_cast %swap3A_911 : vector<1x1x16xf32> to vector<16xf32>
      %swap3A_913 = vector.shape_cast %add3A_906 : vector<16xf32> to vector<1x1x16xf32>
      tpu.vector_store %arg10[%swap3A_908, %swap3A_909, %swap3A_910], %swap3A_913 {strides = array<i32>} : memref<5x64x128xf32, #tpu.memory_space<vmem>>, vector<1x1x16xf32>,
      %get3A_914 = arith.constant 2 : i32
      %get3A_915 = arith.index_cast %get3A_914 : i32 to index
      %get3A_916 = arith.index_cast %scan3A_860 : i32 to index
      %get3A_917 = arith.constant 32 : index
      %get3A_918 = tpu.vector_load %arg8[%get3A_915, %get3A_916, %get3A_917] {strides = array<i32>} : memref<5x64x128xf32, #tpu.memory_space<vmem>>, vector<1x1x16xf32>,
      %get3A_919 = vector.shape_cast %get3A_918 : vector<1x1x16xf32> to vector<16xf32>
      %get3A_920 = arith.constant 2 : i32
      %get3A_921 = arith.index_cast %get3A_920 : i32 to index
      %get3A_922 = arith.index_cast %scan3A_860 : i32 to index
      %get3A_923 = arith.constant 32 : index
      %get3A_924 = tpu.vector_load %arg10[%get3A_921, %get3A_922, %get3A_923] {strides = array<i32>} : memref<5x64x128xf32, #tpu.memory_space<vmem>>, vector<1x1x16xf32>,
      %get3A_925 = vector.shape_cast %get3A_924 : vector<1x1x16xf32> to vector<16xf32>
      %mul3A_926 = arith.mulf %get3A_919, %get3A_925 : vector<16xf32>
      %get3A_927 = arith.constant 2 : i32
      %get3A_928 = arith.index_cast %get3A_927 : i32 to index
      %get3A_929 = arith.index_cast %scan3A_860 : i32 to index
      %get3A_930 = arith.constant 32 : index
      %get3A_931 = tpu.vector_load %arg9[%get3A_928, %get3A_929, %get3A_930] {strides = array<i32>} : memref<5x64x128xf32, #tpu.memory_space<vmem>>, vector<1x1x16xf32>,
      %get3A_932 = vector.shape_cast %get3A_931 : vector<1x1x16xf32> to vector<16xf32>
      %add3A_933 = arith.addf %mul3A_926, %get3A_932 : vector<16xf32>
      %swap3A_934 = arith.constant 2 : i32
      %swap3A_935 = arith.index_cast %swap3A_934 : i32 to index
      %swap3A_936 = arith.index_cast %scan3A_860 : i32 to index
      %swap3A_937 = arith.constant 32 : index
      %swap3A_938 = tpu.vector_load %arg10[%swap3A_935, %swap3A_936, %swap3A_937] {strides = array<i32>} : memref<5x64x128xf32, #tpu.memory_space<vmem>>, vector<1x1x16xf32>,
      %swap3A_939 = vector.shape_cast %swap3A_938 : vector<1x1x16xf32> to vector<16xf32>
      %swap3A_940 = vector.shape_cast %add3A_933 : vector<16xf32> to vector<1x1x16xf32>
      tpu.vector_store %arg10[%swap3A_935, %swap3A_936, %swap3A_937], %swap3A_940 {strides = array<i32>} : memref<5x64x128xf32, #tpu.memory_space<vmem>>, vector<1x1x16xf32>,
      %get3A_941 = arith.constant 2 : i32
      %get3A_942 = arith.index_cast %get3A_941 : i32 to index
      %get3A_943 = arith.index_cast %scan3A_860 : i32 to index
      %get3A_944 = arith.constant 48 : index
      %get3A_945 = tpu.vector_load %arg8[%get3A_942, %get3A_943, %get3A_944] {strides = array<i32>} : memref<5x64x128xf32, #tpu.memory_space<vmem>>, vector<1x1x16xf32>,
      %get3A_946 = vector.shape_cast %get3A_945 : vector<1x1x16xf32> to vector<16xf32>
      %get3A_947 = arith.constant 2 : i32
      %get3A_948 = arith.index_cast %get3A_947 : i32 to index
      %get3A_949 = arith.index_cast %scan3A_860 : i32 to index
      %get3A_950 = arith.constant 48 : index
      %get3A_951 = tpu.vector_load %arg10[%get3A_948, %get3A_949, %get3A_950] {strides = array<i32>} : memref<5x64x128xf32, #tpu.memory_space<vmem>>, vector<1x1x16xf32>,
      %get3A_952 = vector.shape_cast %get3A_951 : vector<1x1x16xf32> to vector<16xf32>
      %mul3A_953 = arith.mulf %get3A_946, %get3A_952 : vector<16xf32>
      %get3A_954 = arith.constant 2 : i32
      %get3A_955 = arith.index_cast %get3A_954 : i32 to index
      %get3A_956 = arith.index_cast %scan3A_860 : i32 to index
      %get3A_957 = arith.constant 48 : index
      %get3A_958 = tpu.vector_load %arg9[%get3A_955, %get3A_956, %get3A_957] {strides = array<i32>} : memref<5x64x128xf32, #tpu.memory_space<vmem>>, vector<1x1x16xf32>,
      %get3A_959 = vector.shape_cast %get3A_958 : vector<1x1x16xf32> to vector<16xf32>
      %add3A_960 = arith.addf %mul3A_953, %get3A_959 : vector<16xf32>
      %swap3A_961 = arith.constant 2 : i32
      %swap3A_962 = arith.index_cast %swap3A_961 : i32 to index
      %swap3A_963 = arith.index_cast %scan3A_860 : i32 to index
      %swap3A_964 = arith.constant 48 : index
      %swap3A_965 = tpu.vector_load %arg10[%swap3A_962, %swap3A_963, %swap3A_964] {strides = array<i32>} : memref<5x64x128xf32, #tpu.memory_space<vmem>>, vector<1x1x16xf32>,
      %swap3A_966 = vector.shape_cast %swap3A_965 : vector<1x1x16xf32> to vector<16xf32>
      %swap3A_967 = vector.shape_cast %add3A_960 : vector<16xf32> to vector<1x1x16xf32>
      tpu.vector_store %arg10[%swap3A_962, %swap3A_963, %swap3A_964], %swap3A_967 {strides = array<i32>} : memref<5x64x128xf32, #tpu.memory_space<vmem>>, vector<1x1x16xf32>,
      %get3A_968 = arith.constant 2 : i32
      %get3A_969 = arith.index_cast %get3A_968 : i32 to index
      %get3A_970 = arith.index_cast %scan3A_860 : i32 to index
      %get3A_971 = arith.constant 64 : index
      %get3A_972 = tpu.vector_load %arg8[%get3A_969, %get3A_970, %get3A_971] {strides = array<i32>} : memref<5x64x128xf32, #tpu.memory_space<vmem>>, vector<1x1x16xf32>,
      %get3A_973 = vector.shape_cast %get3A_972 : vector<1x1x16xf32> to vector<16xf32>
      %get3A_974 = arith.constant 2 : i32
      %get3A_975 = arith.index_cast %get3A_974 : i32 to index
      %get3A_976 = arith.index_cast %scan3A_860 : i32 to index
      %get3A_977 = arith.constant 64 : index
      %get3A_978 = tpu.vector_load %arg10[%get3A_975, %get3A_976, %get3A_977] {strides = array<i32>} : memref<5x64x128xf32, #tpu.memory_space<vmem>>, vector<1x1x16xf32>,
      %get3A_979 = vector.shape_cast %get3A_978 : vector<1x1x16xf32> to vector<16xf32>
      %mul3A_980 = arith.mulf %get3A_973, %get3A_979 : vector<16xf32>
      %get3A_981 = arith.constant 2 : i32
      %get3A_982 = arith.index_cast %get3A_981 : i32 to index
      %get3A_983 = arith.index_cast %scan3A_860 : i32 to index
      %get3A_984 = arith.constant 64 : index
      %get3A_985 = tpu.vector_load %arg9[%get3A_982, %get3A_983, %get3A_984] {strides = array<i32>} : memref<5x64x128xf32, #tpu.memory_space<vmem>>, vector<1x1x16xf32>,
      %get3A_986 = vector.shape_cast %get3A_985 : vector<1x1x16xf32> to vector<16xf32>
      %add3A_987 = arith.addf %mul3A_980, %get3A_986 : vector<16xf32>
      %swap3A_988 = arith.constant 2 : i32
      %swap3A_989 = arith.index_cast %swap3A_988 : i32 to index
      %swap3A_990 = arith.index_cast %scan3A_860 : i32 to index
      %swap3A_991 = arith.constant 64 : index
      %swap3A_992 = tpu.vector_load %arg10[%swap3A_989, %swap3A_990, %swap3A_991] {strides = array<i32>} : memref<5x64x128xf32, #tpu.memory_space<vmem>>, vector<1x1x16xf32>,
      %swap3A_993 = vector.shape_cast %swap3A_992 : vector<1x1x16xf32> to vector<16xf32>
      %swap3A_994 = vector.shape_cast %add3A_987 : vector<16xf32> to vector<1x1x16xf32>
      tpu.vector_store %arg10[%swap3A_989, %swap3A_990, %swap3A_991], %swap3A_994 {strides = array<i32>} : memref<5x64x128xf32, #tpu.memory_space<vmem>>, vector<1x1x16xf32>,
      %get3A_995 = arith.constant 2 : i32
      %get3A_996 = arith.index_cast %get3A_995 : i32 to index
      %get3A_997 = arith.index_cast %scan3A_860 : i32 to index
      %get3A_998 = arith.constant 80 : index
      %get3A_999 = tpu.vector_load %arg8[%get3A_996, %get3A_997, %get3A_998] {strides = array<i32>} : memref<5x64x128xf32, #tpu.memory_space<vmem>>, vector<1x1x16xf32>,
      %get3A_1000 = vector.shape_cast %get3A_999 : vector<1x1x16xf32> to vector<16xf32>
      %get3A_1001 = arith.constant 2 : i32
      %get3A_1002 = arith.index_cast %get3A_1001 : i32 to index
      %get3A_1003 = arith.index_cast %scan3A_860 : i32 to index
      %get3A_1004 = arith.constant 80 : index
      %get3A_1005 = tpu.vector_load %arg10[%get3A_1002, %get3A_1003, %get3A_1004] {strides = array<i32>} : memref<5x64x128xf32, #tpu.memory_space<vmem>>, vector<1x1x16xf32>,
      %get3A_1006 = vector.shape_cast %get3A_1005 : vector<1x1x16xf32> to vector<16xf32>
      %mul3A_1007 = arith.mulf %get3A_1000, %get3A_1006 : vector<16xf32>
      %get3A_1008 = arith.constant 2 : i32
      %get3A_1009 = arith.index_cast %get3A_1008 : i32 to index
      %get3A_1010 = arith.index_cast %scan3A_860 : i32 to index
      %get3A_1011 = arith.constant 80 : index
      %get3A_1012 = tpu.vector_load %arg9[%get3A_1009, %get3A_1010, %get3A_1011] {strides = array<i32>} : memref<5x64x128xf32, #tpu.memory_space<vmem>>, vector<1x1x16xf32>,
      %get3A_1013 = vector.shape_cast %get3A_1012 : vector<1x1x16xf32> to vector<16xf32>
      %add3A_1014 = arith.addf %mul3A_1007, %get3A_1013 : vector<16xf32>
      %swap3A_1015 = arith.constant 2 : i32
      %swap3A_1016 = arith.index_cast %swap3A_1015 : i32 to index
      %swap3A_1017 = arith.index_cast %scan3A_860 : i32 to index
      %swap3A_1018 = arith.constant 80 : index
      %swap3A_1019 = tpu.vector_load %arg10[%swap3A_1016, %swap3A_1017, %swap3A_1018] {strides = array<i32>} : memref<5x64x128xf32, #tpu.memory_space<vmem>>, vector<1x1x16xf32>,
      %swap3A_1020 = vector.shape_cast %swap3A_1019 : vector<1x1x16xf32> to vector<16xf32>
      %swap3A_1021 = vector.shape_cast %add3A_1014 : vector<16xf32> to vector<1x1x16xf32>
      tpu.vector_store %arg10[%swap3A_1016, %swap3A_1017, %swap3A_1018], %swap3A_1021 {strides = array<i32>} : memref<5x64x128xf32, #tpu.memory_space<vmem>>, vector<1x1x16xf32>,
      %get3A_1022 = arith.constant 2 : i32
      %get3A_1023 = arith.index_cast %get3A_1022 : i32 to index
      %get3A_1024 = arith.index_cast %scan3A_860 : i32 to index
      %get3A_1025 = arith.constant 96 : index
      %get3A_1026 = tpu.vector_load %arg8[%get3A_1023, %get3A_1024, %get3A_1025] {strides = array<i32>} : memref<5x64x128xf32, #tpu.memory_space<vmem>>, vector<1x1x16xf32>,
      %get3A_1027 = vector.shape_cast %get3A_1026 : vector<1x1x16xf32> to vector<16xf32>
      %get3A_1028 = arith.constant 2 : i32
      %get3A_1029 = arith.index_cast %get3A_1028 : i32 to index
      %get3A_1030 = arith.index_cast %scan3A_860 : i32 to index
      %get3A_1031 = arith.constant 96 : index
      %get3A_1032 = tpu.vector_load %arg10[%get3A_1029, %get3A_1030, %get3A_1031] {strides = array<i32>} : memref<5x64x128xf32, #tpu.memory_space<vmem>>, vector<1x1x16xf32>,
      %get3A_1033 = vector.shape_cast %get3A_1032 : vector<1x1x16xf32> to vector<16xf32>
      %mul3A_1034 = arith.mulf %get3A_1027, %get3A_1033 : vector<16xf32>
      %get3A_1035 = arith.constant 2 : i32
      %get3A_1036 = arith.index_cast %get3A_1035 : i32 to index
      %get3A_1037 = arith.index_cast %scan3A_860 : i32 to index
      %get3A_1038 = arith.constant 96 : index
      %get3A_1039 = tpu.vector_load %arg9[%get3A_1036, %get3A_1037, %get3A_1038] {strides = array<i32>} : memref<5x64x128xf32, #tpu.memory_space<vmem>>, vector<1x1x16xf32>,
      %get3A_1040 = vector.shape_cast %get3A_1039 : vector<1x1x16xf32> to vector<16xf32>
      %add3A_1041 = arith.addf %mul3A_1034, %get3A_1040 : vector<16xf32>
      %swap3A_1042 = arith.constant 2 : i32
      %swap3A_1043 = arith.index_cast %swap3A_1042 : i32 to index
      %swap3A_1044 = arith.index_cast %scan3A_860 : i32 to index
      %swap3A_1045 = arith.constant 96 : index
      %swap3A_1046 = tpu.vector_load %arg10[%swap3A_1043, %swap3A_1044, %swap3A_1045] {strides = array<i32>} : memref<5x64x128xf32, #tpu.memory_space<vmem>>, vector<1x1x16xf32>,
      %swap3A_1047 = vector.shape_cast %swap3A_1046 : vector<1x1x16xf32> to vector<16xf32>
      %swap3A_1048 = vector.shape_cast %add3A_1041 : vector<16xf32> to vector<1x1x16xf32>
      tpu.vector_store %arg10[%swap3A_1043, %swap3A_1044, %swap3A_1045], %swap3A_1048 {strides = array<i32>} : memref<5x64x128xf32, #tpu.memory_space<vmem>>, vector<1x1x16xf32>,
      %get3A_1049 = arith.constant 2 : i32
      %get3A_1050 = arith.index_cast %get3A_1049 : i32 to index
      %get3A_1051 = arith.index_cast %scan3A_860 : i32 to index
      %get3A_1052 = arith.constant 112 : index
      %get3A_1053 = tpu.vector_load %arg8[%get3A_1050, %get3A_1051, %get3A_1052] {strides = array<i32>} : memref<5x64x128xf32, #tpu.memory_space<vmem>>, vector<1x1x16xf32>,
      %get3A_1054 = vector.shape_cast %get3A_1053 : vector<1x1x16xf32> to vector<16xf32>
      %get3A_1055 = arith.constant 2 : i32
      %get3A_1056 = arith.index_cast %get3A_1055 : i32 to index
      %get3A_1057 = arith.index_cast %scan3A_860 : i32 to index
      %get3A_1058 = arith.constant 112 : index
      %get3A_1059 = tpu.vector_load %arg10[%get3A_1056, %get3A_1057, %get3A_1058] {strides = array<i32>} : memref<5x64x128xf32, #tpu.memory_space<vmem>>, vector<1x1x16xf32>,
      %get3A_1060 = vector.shape_cast %get3A_1059 : vector<1x1x16xf32> to vector<16xf32>
      %mul3A_1061 = arith.mulf %get3A_1054, %get3A_1060 : vector<16xf32>
      %get3A_1062 = arith.constant 2 : i32
      %get3A_1063 = arith.index_cast %get3A_1062 : i32 to index
      %get3A_1064 = arith.index_cast %scan3A_860 : i32 to index
      %get3A_1065 = arith.constant 112 : index
      %get3A_1066 = tpu.vector_load %arg9[%get3A_1063, %get3A_1064, %get3A_1065] {strides = array<i32>} : memref<5x64x128xf32, #tpu.memory_space<vmem>>, vector<1x1x16xf32>,
      %get3A_1067 = vector.shape_cast %get3A_1066 : vector<1x1x16xf32> to vector<16xf32>
      %add3A_1068 = arith.addf %mul3A_1061, %get3A_1067 : vector<16xf32>
      %swap3A_1069 = arith.constant 2 : i32
      %swap3A_1070 = arith.index_cast %swap3A_1069 : i32 to index
      %swap3A_1071 = arith.index_cast %scan3A_860 : i32 to index
      %swap3A_1072 = arith.constant 112 : index
      %swap3A_1073 = tpu.vector_load %arg10[%swap3A_1070, %swap3A_1071, %swap3A_1072] {strides = array<i32>} : memref<5x64x128xf32, #tpu.memory_space<vmem>>, vector<1x1x16xf32>,
      %swap3A_1074 = vector.shape_cast %swap3A_1073 : vector<1x1x16xf32> to vector<16xf32>
      %swap3A_1075 = vector.shape_cast %add3A_1068 : vector<16xf32> to vector<1x1x16xf32>
      tpu.vector_store %arg10[%swap3A_1070, %swap3A_1071, %swap3A_1072], %swap3A_1075 {strides = array<i32>} : memref<5x64x128xf32, #tpu.memory_space<vmem>>, vector<1x1x16xf32>,
      %scan3A_1076 = arith.constant 0 : i32
      scf.yield %scan3A_1076 : i32
    }
    %scan3A_777 = arith.constant 64 : i32
    %mul3A_778 = arith.constant 512 : i32
    %mul3A_779 = arith.muli %add3A, %mul3A_778 : i32
    %add3A_780 = arith.constant 448 : i32
    %add3A_781 = arith.addi %mul3A_779, %add3A_780 : i32
    %dma_start3A_782 = arith.constant 2 : i32
    %dma_start3A_783 = arith.constant 0 : i32
    %dma_start3A_784 = arith.constant 0 : i32
    %dma_start3A_785 = tpu.memref_slice %arg10[%dma_start3A_782, %dma_start3A_783, %dma_start3A_784] : memref<5x64x128xf32, #tpu.memory_space<vmem>> -> memref<1x64x128xf32, #tpu.memory_space<vmem>>
    %dma_start3A_786 = tpu.memref_squeeze %dma_start3A_785 : memref<1x64x128xf32, #tpu.memory_space<vmem>> -> memref<64x128xf32, #tpu.memory_space<vmem>>
    %dma_start3A_787 = arith.constant 0 : i32
    %dma_start3A_788 = tpu.memref_slice %arg6[%add3A_781, %dma_start3A_787] : memref<16384x128xf32, #tpu.memory_space<hbm>> -> memref<64x128xf32, #tpu.memory_space<hbm>>
    %dma_start3A_789 = arith.constant 0 : i32
    %dma_start3A_790 = tpu.memref_slice %arg6[%add3A_781, %dma_start3A_789] : memref<16384x128xf32, #tpu.memory_space<hbm>> -> memref<64x128xf32, #tpu.memory_space<hbm>>
    %dma_start3A_791 = arith.constant 0 : i32
    %dma_start3A_792 = arith.constant 0 : i32
    %dma_start3A_793 = tpu.memref_slice %arg10[%dma_start3A_782, %dma_start3A_791, %dma_start3A_792] : memref<5x64x128xf32, #tpu.memory_space<vmem>> -> memref<1x64x128xf32, #tpu.memory_space<vmem>>
    %dma_start3A_794 = tpu.memref_squeeze %dma_start3A_793 : memref<1x64x128xf32, #tpu.memory_space<vmem>> -> memref<64x128xf32, #tpu.memory_space<vmem>>
    tpu.enqueue_dma source(%dma_start3A_794 : memref<64x128xf32, #tpu.memory_space<vmem>>) target(%dma_start3A_790 : memref<64x128xf32, #tpu.memory_space<hbm>>) target_semaphore(%arg28 : memref<!tpu.dma_semaphore, #tpu.memory_space<semaphore_mem>>)
    %dma_wait3A_795 = arith.constant 0 : i32
    %dma_wait3A_796 = arith.constant 0 : i32
    %dma_wait3A_797 = arith.constant 0 : i32
    %dma_wait3A_798 = tpu.memref_slice %arg10[%dma_wait3A_795, %dma_wait3A_796, %dma_wait3A_797] : memref<5x64x128xf32, #tpu.memory_space<vmem>> -> memref<1x64x128xf32, #tpu.memory_space<vmem>>
    %dma_wait3A_799 = tpu.memref_squeeze %dma_wait3A_798 : memref<1x64x128xf32, #tpu.memory_space<vmem>> -> memref<64x128xf32, #tpu.memory_space<vmem>>
    %dma_wait3A_800 = arith.constant 0 : i32
    %dma_wait3A_801 = tpu.memref_slice %arg6[%add3A_667, %dma_wait3A_800] : memref<16384x128xf32, #tpu.memory_space<hbm>> -> memref<64x128xf32, #tpu.memory_space<hbm>>
    %dma_wait3A_802 = arith.constant 0 : i32
    %dma_wait3A_803 = tpu.memref_slice %arg6[%add3A_667, %dma_wait3A_802] : memref<16384x128xf32, #tpu.memory_space<hbm>> -> memref<64x128xf32, #tpu.memory_space<hbm>>
    %dma_wait3A_804 = arith.constant 0 : i32
    %dma_wait3A_805 = arith.constant 0 : i32
    %dma_wait3A_806 = tpu.memref_slice %arg10[%dma_wait3A_795, %dma_wait3A_804, %dma_wait3A_805] : memref<5x64x128xf32, #tpu.memory_space<vmem>> -> memref<1x64x128xf32, #tpu.memory_space<vmem>>
    %dma_wait3A_807 = tpu.memref_squeeze %dma_wait3A_806 : memref<1x64x128xf32, #tpu.memory_space<vmem>> -> memref<64x128xf32, #tpu.memory_space<vmem>>
    tpu.wait_dma2 semaphore(%arg26 : memref<!tpu.dma_semaphore, #tpu.memory_space<semaphore_mem>>) src(%dma_wait3A_807 : memref<64x128xf32, #tpu.memory_space<vmem>>) dst(%dma_wait3A_803 : memref<64x128xf32, #tpu.memory_space<hbm>>)
    %dma_wait3A_808 = arith.constant 1 : i32
    %dma_wait3A_809 = arith.constant 0 : i32
    %dma_wait3A_810 = arith.constant 0 : i32
    %dma_wait3A_811 = tpu.memref_slice %arg10[%dma_wait3A_808, %dma_wait3A_809, %dma_wait3A_810] : memref<5x64x128xf32, #tpu.memory_space<vmem>> -> memref<1x64x128xf32, #tpu.memory_space<vmem>>
    %dma_wait3A_812 = tpu.memref_squeeze %dma_wait3A_811 : memref<1x64x128xf32, #tpu.memory_space<vmem>> -> memref<64x128xf32, #tpu.memory_space<vmem>>
    %dma_wait3A_813 = arith.constant 0 : i32
    %dma_wait3A_814 = tpu.memref_slice %arg6[%add3A_724, %dma_wait3A_813] : memref<16384x128xf32, #tpu.memory_space<hbm>> -> memref<64x128xf32, #tpu.memory_space<hbm>>
    %dma_wait3A_815 = arith.constant 0 : i32
    %dma_wait3A_816 = tpu.memref_slice %arg6[%add3A_724, %dma_wait3A_815] : memref<16384x128xf32, #tpu.memory_space<hbm>> -> memref<64x128xf32, #tpu.memory_space<hbm>>
    %dma_wait3A_817 = arith.constant 0 : i32
    %dma_wait3A_818 = arith.constant 0 : i32
    %dma_wait3A_819 = tpu.memref_slice %arg10[%dma_wait3A_808, %dma_wait3A_817, %dma_wait3A_818] : memref<5x64x128xf32, #tpu.memory_space<vmem>> -> memref<1x64x128xf32, #tpu.memory_space<vmem>>
    %dma_wait3A_820 = tpu.memref_squeeze %dma_wait3A_819 : memref<1x64x128xf32, #tpu.memory_space<vmem>> -> memref<64x128xf32, #tpu.memory_space<vmem>>
    tpu.wait_dma2 semaphore(%arg27 : memref<!tpu.dma_semaphore, #tpu.memory_space<semaphore_mem>>) src(%dma_wait3A_820 : memref<64x128xf32, #tpu.memory_space<vmem>>) dst(%dma_wait3A_816 : memref<64x128xf32, #tpu.memory_space<hbm>>)
    %dma_wait3A_821 = arith.constant 2 : i32
    %dma_wait3A_822 = arith.constant 0 : i32
    %dma_wait3A_823 = arith.constant 0 : i32
    %dma_wait3A_824 = tpu.memref_slice %arg10[%dma_wait3A_821, %dma_wait3A_822, %dma_wait3A_823] : memref<5x64x128xf32, #tpu.memory_space<vmem>> -> memref<1x64x128xf32, #tpu.memory_space<vmem>>
    %dma_wait3A_825 = tpu.memref_squeeze %dma_wait3A_824 : memref<1x64x128xf32, #tpu.memory_space<vmem>> -> memref<64x128xf32, #tpu.memory_space<vmem>>
    %dma_wait3A_826 = arith.constant 0 : i32
    %dma_wait3A_827 = tpu.memref_slice %arg6[%add3A_781, %dma_wait3A_826] : memref<16384x128xf32, #tpu.memory_space<hbm>> -> memref<64x128xf32, #tpu.memory_space<hbm>>
    %dma_wait3A_828 = arith.constant 0 : i32
    %dma_wait3A_829 = tpu.memref_slice %arg6[%add3A_781, %dma_wait3A_828] : memref<16384x128xf32, #tpu.memory_space<hbm>> -> memref<64x128xf32, #tpu.memory_space<hbm>>
    %dma_wait3A_830 = arith.constant 0 : i32
    %dma_wait3A_831 = arith.constant 0 : i32
    %dma_wait3A_832 = tpu.memref_slice %arg10[%dma_wait3A_821, %dma_wait3A_830, %dma_wait3A_831] : memref<5x64x128xf32, #tpu.memory_space<vmem>> -> memref<1x64x128xf32, #tpu.memory_space<vmem>>
    %dma_wait3A_833 = tpu.memref_squeeze %dma_wait3A_832 : memref<1x64x128xf32, #tpu.memory_space<vmem>> -> memref<64x128xf32, #tpu.memory_space<vmem>>
    tpu.wait_dma2 semaphore(%arg28 : memref<!tpu.dma_semaphore, #tpu.memory_space<semaphore_mem>>) src(%dma_wait3A_833 : memref<64x128xf32, #tpu.memory_space<vmem>>) dst(%dma_wait3A_829 : memref<64x128xf32, #tpu.memory_space<hbm>>)
    %dma_wait3A_834 = arith.constant 3 : i32
    %dma_wait3A_835 = arith.constant 0 : i32
    %dma_wait3A_836 = arith.constant 0 : i32
    %dma_wait3A_837 = tpu.memref_slice %arg10[%dma_wait3A_834, %dma_wait3A_835, %dma_wait3A_836] : memref<5x64x128xf32, #tpu.memory_space<vmem>> -> memref<1x64x128xf32, #tpu.memory_space<vmem>>
    %dma_wait3A_838 = tpu.memref_squeeze %dma_wait3A_837 : memref<1x64x128xf32, #tpu.memory_space<vmem>> -> memref<64x128xf32, #tpu.memory_space<vmem>>
    %dma_wait3A_839 = arith.constant 0 : i32
    %dma_wait3A_840 = tpu.memref_slice %arg6[%add3A_553, %dma_wait3A_839] : memref<16384x128xf32, #tpu.memory_space<hbm>> -> memref<64x128xf32, #tpu.memory_space<hbm>>
    %dma_wait3A_841 = arith.constant 0 : i32
    %dma_wait3A_842 = tpu.memref_slice %arg6[%add3A_553, %dma_wait3A_841] : memref<16384x128xf32, #tpu.memory_space<hbm>> -> memref<64x128xf32, #tpu.memory_space<hbm>>
    %dma_wait3A_843 = arith.constant 0 : i32
    %dma_wait3A_844 = arith.constant 0 : i32
    %dma_wait3A_845 = tpu.memref_slice %arg10[%dma_wait3A_834, %dma_wait3A_843, %dma_wait3A_844] : memref<5x64x128xf32, #tpu.memory_space<vmem>> -> memref<1x64x128xf32, #tpu.memory_space<vmem>>
    %dma_wait3A_846 = tpu.memref_squeeze %dma_wait3A_845 : memref<1x64x128xf32, #tpu.memory_space<vmem>> -> memref<64x128xf32, #tpu.memory_space<vmem>>
    tpu.wait_dma2 semaphore(%arg29 : memref<!tpu.dma_semaphore, #tpu.memory_space<semaphore_mem>>) src(%dma_wait3A_846 : memref<64x128xf32, #tpu.memory_space<vmem>>) dst(%dma_wait3A_842 : memref<64x128xf32, #tpu.memory_space<hbm>>)
    %dma_wait3A_847 = arith.constant 4 : i32
    %dma_wait3A_848 = arith.constant 0 : i32
    %dma_wait3A_849 = arith.constant 0 : i32
    %dma_wait3A_850 = tpu.memref_slice %arg10[%dma_wait3A_847, %dma_wait3A_848, %dma_wait3A_849] : memref<5x64x128xf32, #tpu.memory_space<vmem>> -> memref<1x64x128xf32, #tpu.memory_space<vmem>>
    %dma_wait3A_851 = tpu.memref_squeeze %dma_wait3A_850 : memref<1x64x128xf32, #tpu.memory_space<vmem>> -> memref<64x128xf32, #tpu.memory_space<vmem>>
    %dma_wait3A_852 = arith.constant 0 : i32
    %dma_wait3A_853 = tpu.memref_slice %arg6[%add3A_610, %dma_wait3A_852] : memref<16384x128xf32, #tpu.memory_space<hbm>> -> memref<64x128xf32, #tpu.memory_space<hbm>>
    %dma_wait3A_854 = arith.constant 0 : i32
    %dma_wait3A_855 = tpu.memref_slice %arg6[%add3A_610, %dma_wait3A_854] : memref<16384x128xf32, #tpu.memory_space<hbm>> -> memref<64x128xf32, #tpu.memory_space<hbm>>
    %dma_wait3A_856 = arith.constant 0 : i32
    %dma_wait3A_857 = arith.constant 0 : i32
    %dma_wait3A_858 = tpu.memref_slice %arg10[%dma_wait3A_847, %dma_wait3A_856, %dma_wait3A_857] : memref<5x64x128xf32, #tpu.memory_space<vmem>> -> memref<1x64x128xf32, #tpu.memory_space<vmem>>
    %dma_wait3A_859 = tpu.memref_squeeze %dma_wait3A_858 : memref<1x64x128xf32, #tpu.memory_space<vmem>> -> memref<64x128xf32, #tpu.memory_space<vmem>>
    tpu.wait_dma2 semaphore(%arg30 : memref<!tpu.dma_semaphore, #tpu.memory_space<semaphore_mem>>) src(%dma_wait3A_859 : memref<64x128xf32, #tpu.memory_space<vmem>>) dst(%dma_wait3A_855 : memref<64x128xf32, #tpu.memory_space<hbm>>)
    return
  }
}

</mosaic_0001>

<sc_bundles>
// kernel: kernel.3.cloned.1.call-start
scs
__scs_entry_jumppad:
0x0: {  	(pc) =	sbr.rel $0x88, $3  }
0x1: {  	(tag) =	ssettag $0x0;
	lr =	simm.s32 $0x1  }
0x2: {  	[smem:$0x3F9D] =	sst lr;
	_ =	strace $0xD0000000  }
0x3: {  	_ = 	snop  }
0x4: {  	_ = 	snop  }
0x5: {  	_ = 	snop  }
0x6: {  	_ = 	snop  }
0x7: {  	_ = 	snop  }
__scs_overlays_trampoline_lowered:
0x8: {  	[smem:$0x3FAC] =	sst s0  }
0x9: {  	[smem:$0x3FAD] =	sst s1  }
0xa: {  	[smem:$0x3FAE] =	sst s2  }
0xb: {  	[smem:$0x3FAF] =	sst s3  }
0xc: {  	[smem:$0x3FB0] =	sst s4  }
0xd: {  	[smem:$0x3FB1] =	sst s5  }
0xe: {  	[smem:$0x3FB2] =	sst s6  }
0xf: {  	[smem:$0x3FB3] =	sst s7  }
0x10: {  	[smem:$0x3FB4] =	sst s8  }
0x11: {  	[smem:$0x3FB5] =	sst s9;
	s0 =	simm.s32 @!p0 $0x0  }
0x12: {  	s1 =	sld [smem:$0x3F9B];
	s0 =	simm.s32 @p0 $0x1  }
0x13: {  	[smem:$0x3FB6] =	sst s0;
	s0 =	simm.s32 @!p1 $0x0  }
0x14: {  	s2 =	sld [smem:$0x3F9A];
	s0 =	simm.s32 @p1 $0x1  }
0x15: {  	[smem:$0x3FB7] =	sst s0;
	s0 =	simm.s32 @!p2 $0x0  }
0x16: {  	s3 =	sld [smem:$0x3FDB];
	s0 =	simm.s32 @p2 $0x1  }
0x17: {  	s4 =	simm.s32 $0x1BF5;
	[smem:$0x3FB9] =	sst s0  }
0x18: {  	s0 =	sld [smem:$0x3F9C];
	_ =	swait.ge [sflag:s4], $0x0  }
0x19: {  	s7 =	sld [smem:$0x3F9D]  }
0x1a: {  	s8 =	sadd.s32 $0xFFFFE003, lr  }
0x1b: {  	s9 =	sadd.s32 $0xFFFFFEF7, lr;
	s5 =	simm.s32 $0xFFFFFFFF;
	p2 =	slt.u32 s8, $0xFFFFF086  }
0x1c: {  	p1 =	slt.u32 s9, $0xF7A;
	s5 =	simm.s32 @!p2 $0x0  }
0x1d: {  	s5 =	simm.s32 @p1 $0x1;
	p0 =	seq.s32 s7, s2  }
0x1e: {  	s7 =	smul.u32 @!p0 $0xF7A, s2;
	p2 =	seq.s32 @!p0 s5, $0x0  }
0x1f: {  	s9 =	smul.u32 $0xF7A, s1;
	s8 =	simm.s32 @!p0 $0x1BF5;
	p2 =	por !p2, p0  }
0x20: {  	[sflag:s8] =	ssyncset.s32 @!p0 $0xFFFFF086;
	s6 =	sadd.s32 @!p0 s3, s7;
	s7 =	simm.s32 @!p0 $0x108  }
0x21: {  	s3 =	sadd.s32 s3, s9;
	s6 =	sadd.s32 @!p0 $0x88, s6;
	s7 =	simm.s32 @p2 $0x1082  }
0x22: {  	[simem:s7], [sflag:s8] =	dma.local @!p0 [hbm:s6], $0xF7A  }
0x23: {  	s9 =	sor.u32 $0xD0000000, s2;
	s6 =	simm.s32 $0x108;
	_ =	swait.ge @!p0 [sflag:s8], $0x0  }
0x24: {  	s3 =	sadd.s32 $0x88, s3;
	s6 =	simm.s32 @!p1 $0x1082;
	[sflag:s4] =	ssyncset.s32 $0xFFFFF086  }
0x25: {  	[simem:s6], [sflag:s4] =	dma.local [hbm:s3], $0xF7A  }
0x26: {  	[smem:$0x3F9D] =	sst s1;
	(tag) =	ssettag s2;
	_ =	strace s9  }
0x27: {  	s1 =	sld [smem:$0x3FAD]  }
0x28: {  	s2 =	sld [smem:$0x3FAE]  }
0x29: {  	s4 =	sld [smem:$0x3FB0]  }
0x2a: {  	p0 =	seq.s32 s5, $0x0;
	s5 =	sld [smem:$0x3FB1]  }
0x2b: {  	s6 =	sld [smem:$0x3FB2]  }
0x2c: {  	s7 =	sld [smem:$0x3FB3]  }
0x2d: {  	s3 =	simm.s32 $0x108;
	s8 =	sld [smem:$0x3FB4]  }
0x2e: {  	s3 =	simm.s32 @!p0 $0x1082;
	s9 =	sld [smem:$0x3FB5]  }
0x2f: {  	lr =	sadd.s32 s0, s3;
	s0 =	sld [smem:$0x3FAC]  }
0x30: {  	s3 =	sld [smem:$0x3FAF]  }
0x31: {  	[smem:$0x3FB8] =	sst s10  }
0x32: {  	s10 =	sld [smem:$0x3FB6];
	_ =	sdelay $0x3  }
0x33: {  	p0 =	seq.s32 s10, $0x1;
	s10 =	sld [smem:$0x3FB8];
	_ =	sdelay $0x3  }
0x34: {  	[smem:$0x3FB8] =	sst s10  }
0x35: {  	s10 =	sld [smem:$0x3FB7];
	_ =	sdelay $0x3  }
0x36: {  	p1 =	seq.s32 s10, $0x1;
	s10 =	sld [smem:$0x3FB8];
	_ =	sdelay $0x3  }
0x37: {  	[smem:$0x3FB8] =	sst s10  }
0x38: {  	s10 =	sld [smem:$0x3FB9]  }
0x39: {  	_ = 	snop;
	(pc) =	sbr.ind lr, $3  }
0x3a: {  	_ = 	snop  }
0x3b: {  	_ = 	snop  }
0x3c: {  	p2 =	seq.s32 s10, $0x1;
	s10 =	sld [smem:$0x3FB8]  }
0x3d: {  	_ =	shalt  }
0x3e: {  	_ =	shalt  }
0x3f: {  	_ =	shalt  }
0x40: {  	_ =	shalt  }
0x41: {  	_ =	shalt  }
0x42: {  	_ =	shalt  }
0x43: {  	_ =	shalt  }
0x44: {  	_ =	shalt  }
0x45: {  	_ =	shalt  }
0x46: {  	_ =	shalt  }
0x47: {  	_ =	shalt  }
0x48: {  	_ =	shalt  }
0x49: {  	_ =	shalt  }
0x4a: {  	_ =	shalt  }
0x4b: {  	_ =	shalt  }
0x4c: {  	_ =	shalt  }
0x4d: {  	_ =	shalt  }
0x4e: {  	_ =	shalt  }
0x4f: {  	_ =	shalt  }
0x50: {  	_ =	shalt  }
0x51: {  	_ =	shalt  }
0x52: {  	_ =	shalt  }
0x53: {  	_ =	shalt  }
0x54: {  	_ =	shalt  }
0x55: {  	_ =	shalt  }
0x56: {  	_ =	shalt  }
0x57: {  	_ =	shalt  }
0x58: {  	_ =	shalt  }
0x59: {  	_ =	shalt  }
0x5a: {  	_ =	shalt  }
0x5b: {  	_ =	shalt  }
0x5c: {  	_ =	shalt  }
0x5d: {  	_ =	shalt  }
0x5e: {  	_ =	shalt  }
0x5f: {  	_ =	shalt  }
0x60: {  	_ =	shalt  }
0x61: {  	_ =	shalt  }
0x62: {  	_ =	shalt  }
0x63: {  	_ =	shalt  }
0x64: {  	_ =	shalt  }
0x65: {  	_ =	shalt  }
0x66: {  	_ =	shalt  }
0x67: {  	_ =	shalt  }
0x68: {  	_ =	shalt  }
0x69: {  	_ =	shalt  }
0x6a: {  	_ =	shalt  }
0x6b: {  	_ =	shalt  }
0x6c: {  	_ =	shalt  }
0x6d: {  	_ =	shalt  }
0x6e: {  	_ =	shalt  }
0x6f: {  	_ =	shalt  }
0x70: {  	_ =	shalt  }
0x71: {  	_ =	shalt  }
0x72: {  	_ =	shalt  }
0x73: {  	_ =	shalt  }
0x74: {  	_ =	shalt  }
0x75: {  	_ =	shalt  }
0x76: {  	_ =	shalt  }
0x77: {  	_ =	shalt  }
0x78: {  	_ =	shalt  }
0x79: {  	_ =	shalt  }
0x7a: {  	_ =	shalt  }
0x7b: {  	_ =	shalt  }
0x7c: {  	_ =	shalt  }
0x7d: {  	_ =	shalt  }
0x7e: {  	_ =	shalt  }
0x7f: {  	_ =	shalt  }
0x80: {  	_ =	shalt  }
0x81: {  	_ =	shalt  }
0x82: {  	_ =	shalt  }
0x83: {  	_ =	shalt  }
0x84: {  	_ =	shalt  }
0x85: {  	_ =	shalt  }
0x86: {  	_ =	shalt  }
0x87: {  	_ =	shalt  }
.Lfunc_end0:
.L_simem_size_0:
called_computation_lowered:
.L_overlay_start_0:
0x88: {  	s2 =	sld [smem:$0x3FD9]  }
0x89: {  	s3 =	sld [smem:$0x3FFE];
	_ =	sdelay $0x1  }
0x8a: {  	s1 =	srdreg.scid  }
0x8b: {  	s0 =	sand.u32 $0x1, s1  }
0x8c: {  	s18 =	sshll.u32 s0, $0xA;
	s2 =	sadd.s32 s3, s2  }
0x8d: {  	s2 =	sadd.s32 s2, s18  }
0x8e: {  	[smem:$0x3FC4] =	sst s2  }
0x8f: {  	_ = 	snop  }
0x90: {  	s2 =	sld [smem:$0x3FC9]  }
0x91: {  	s19 =	sld [smem:$0x3FC8]  }
0x92: {  	s4 =	sld [smem:$0x3FC7]  }
0x93: {  	s5 =	sld [smem:$0x3FC6]  }
0x94: {  	s6 =	sld [smem:$0x3FD0];
	(tm) =	ssettm $0x1  }
0x95: {  	s7 =	sld [smem:$0x3FFB];
	_ =	sdelay $0x3  }
0x96: {  	_ =	strace s7  }
0x97: {  	s7 =	sld [smem:$0x3FFC];
	_ =	sdelay $0x3  }
0x98: {  	_ =	strace s7  }
0x99: {  	s7 =	sld [smem:$0x3FFD];
	_ =	sdelay $0x3  }
0x9a: {  	_ =	strace s7  }
0x9b: {  	_ =	strace $0x8FFFFFFF  }
0x9c: {  	s20 =	sld [smem:$0x3FDB];
	_ =	sdelay $0x1  }
0x9d: {  	s8 =	simm.s32 $_scs_section_size  }
0x9e: {  	s9 =	simm.s32 $_size__tile_overlayer_lowered;
	s10 =	simm.s32 $_tile_overlayer_lowered  }
0x9f: {  	s23 =	simm.s32 $0x1BFF;
	s22 =	sshll.u32 s10, $0x1;
	s7 =	sadd.s32 s8, s20  }
0xa0: {  	s11 =	simm.s32 $0x0;
	s21 =	sshll.u32 s9, $0x1;
	s9 =	sadd.s32 s22, s7  }
0xa1: {  	[timem:s11], [sflag:s23] =	dma.local [hbm:s9], s21  }
0xa2: {  	_ =	swait.ge [sflag:s23], s21  }
0xa3: {  	s8 =	ssub.s32 $0x0, s21;
	[sflag:s23] =	ssyncset.done $0x0  }
0xa4: {  	[sflag:s23] =	ssyncadd.s32 s8;
	_ =	sdelay $0x1  }
0xa5: {  	s24 =	simm.s32 $0x1B8B  }
0xa6: {  	_ =	swait.ge [sflag:s24], $0x1  }
0xa7: {  	[sflag:s24] =	ssyncset.done $0x0  }
0xa8: {  	s25 =	simm.s32 $0x1B8E;
	[sflag:s24] =	ssyncadd.s32 $0xFFFFFFFF  }
0xa9: {  	s26 =	simm.s32 $execute0_lowered;
	[smem:$0x3FD2] =	sst s25  }
0xaa: {  	s8 =	sshll.u32 s26, $0x1;
	_ =	strace $0x80000046;
	[dreg:$0x1] =	wrdreg $0xFFFFFFFF  }
0xab: {  	s28 =	simm.s32 $_size_execute0_lowered;
	s7 =	sadd.s32 s7, s8;
	[dreg:$0x0] =	wrdreg $0x0  }
0xac: {  	s8 =	sshll.u32 s28, $0x1;
	[dreg:$0x2] =	wrdreg s7  }
0xad: {  	[dreg:$0x3] =	wrdreg s8  }
0xae: {  	[dreg:$0x4] =	wrdreg $0xC0  }
0xaf: {  	_ =	task [dreg:s11], $0x5FFFF  }
0xb0: {  	[dreg:$0x1] =	wrdreg $0xFFFFFFFF  }
0xb1: {  	[dreg:$0x0] =	wrdreg $0x60  }
0xb2: {  	[dreg:$0x2] =	wrdreg s2  }
0xb3: {  	[dreg:$0x3] =	wrdreg s19  }
0xb4: {  	[dreg:$0x4] =	wrdreg s4  }
0xb5: {  	[dreg:$0x5] =	wrdreg s5  }
0xb6: {  	[dreg:$0x6] =	wrdreg s6  }
0xb7: {  	[dreg:$0x7] =	wrdreg $0x9  }
0xb8: {  	_ =	task.clear_ibuf [dreg:s11], $0x8FFFF;
	_ =	strace $0x90000046  }
0xb9: {  	s29 =	simm.s32 $0x9;
	_ =	strace $0x80000048  }
0xba: {  	_ =	swait.ge [sflag:s29], $0x1  }
0xbb: {  	[sflag:s29] =	ssyncadd.s32 $0xFFFFFFFF  }
0xbc: {  	_ =	strace $0x90000048  }
0xbd: {  	_ =	sfence  }
0xbe: {  	s30 =	sld [smem:$0x0];
	_ =	sdelay $0x2  }
0xbf: {  	s31 =	sshll.u32 s1, $0xD;
	s1 =	sshrl.u32 s1, $0x2  }
0xc0: {  	s3 =	sand.u32 $0x4000, s31;
	s1 =	sadd.s32 s1, s30  }
0xc1: {  	s0 =	sor.u32 s3, s0;
	s1 =	sshll.u32 s1, $0x11  }
0xc2: {  	s0 =	sor.u32 s1, s0  }
0xc3: {  	s0 =	sadd.s32 $0x8F2B, s0  }
0xc4: {  	[sflag:s0] =	ssyncadd.remote.s32 $0x1  }
0xc5: {  	_ =	sfence.sel $0xFFFF  }
0xc6: {  	[dreg:$0x0] =	wrdreg $0xFFFFFFFF;
	(pc) =	sbr.abs _section_cstart, $3  }
0xc7: {  	[dreg:$0x1] =	wrdreg $0xFFFFFFFF  }
0xc8: {  	_ =	task.clear_ibuf [dreg:s11], $0x2FFFF;
	_ =	strace $0x9FFFFFFF  }
0xc9: {  	(tm) =	ssettm $0x7FFFFFFF  }
tec
execute0_lowered:
.L_overlay_start_1:
0x0: {  	(tag) =	ssettag $0x1  }
0x1: {  	s0 =	rddreg [dreg:$0x0]  }
0x2: {  	s3 =	rddreg [dreg:$0x1]  }
0x3: {  	s1 =	rddreg [dreg:$0x2]  }
0x4: {  	s2 =	rddreg [dreg:$0x3]  }
0x5: {  	s5 =	rddreg [dreg:$0x4];
	s4 =	simm.s32 $0x0;
	s6 =	srdreg.scid  }
0x6: {  	s8 =	stileid.u32;
	s29 =	simm.s32 $0x15;
	s30 =	simm.s32 $0x40  }
0x7: {  	s31 =	simm.s32 $0xB;
	s28 =	simm.s32 $0x14;
	s6 =	sand.u32 $0x1, s6  }
0x8: {  	s8 =	sshll.u32 s8, $0xA;
	s7 =	ssub.s32 $0x2, s6;
	s6 =	sshll.u32 s6, $0x9  }
0x9: {  	[smem:$0x7FF] =	sst s4;
	s9 =	sshrl.u32 s7, $0x1;
	s6 =	sor.u32 s6, s8  }
0xa: {  	_ =	strace $0x80000047;
	s7 =	ssub.s32 s7, s9;
	s8 =	sshll.u32 s6, $0x4  }
0xb: {  	s22 =	sor.u32 $0x40, s6;
	s6 =	sshrl.u32 s6, $0x3;
	s10 =	sadd.s32 s0, s8  }
0xc: {  	s23 =	sshll.u32 s22, $0x4;
	s6 =	sadd.s32 s3, s6;
	[dreg:$0x6] =	wrdreg s10  }
0xd: {  	s11 =	sor.u32 $0x800, s8;
	s14 =	sadd.s32 s5, s8;
	[dreg:$0xa] =	wrdreg s6  }
0xe: {  	s25 =	sor.u32 $0xC00, s8;
	s12 =	sadd.s32 s0, s23;
	[dreg:$0xd] =	wrdreg s14  }
0xf: {  	s9 =	sshrl.u32 s22, $0x3;
	s24 =	sadd.s32 s0, s11;
	[dreg:$0x7] =	wrdreg s12  }
0x10: {  	s26 =	sor.u32 $0x1000, s8;
	s13 =	sadd.s32 s0, s25;
	[dreg:$0x8] =	wrdreg s24  }
0x11: {  	s15 =	sor.u32 $0x1400, s8;
	s3 =	sadd.s32 s3, s9;
	[dreg:$0x9] =	wrdreg s13  }
0x12: {  	s18 =	sor.u32 $0x1800, s8;
	s16 =	sadd.s32 s0, s15;
	[dreg:$0xb] =	wrdreg s3  }
0x13: {  	s8 =	sor.u32 $0x1C00, s8;
	s17 =	sadd.s32 s5, s23;
	[dreg:$0xe] =	wrdreg s16  }
0x14: {  	s19 =	sadd.s32 s0, s18;
	s20 =	sadd.s32 s5, s11;
	[dreg:$0xf] =	wrdreg s17  }
0x15: {  	s21 =	sadd.s32 s5, s25;
	s22 =	sadd.s32 s5, s26;
	[dreg:$0x10] =	wrdreg s19  }
0x16: {  	s23 =	sadd.s32 s5, s15;
	s25 =	sadd.s32 s5, s8;
	[dreg:$0x11] =	wrdreg s20  }
0x17: {  	s11 =	simm.s32 $0x1;
	s14 =	simm.s32 $0x2;
	[dreg:$0x13] =	wrdreg s21  }
0x18: {  	s15 =	simm.s32 $0x11;
	s10 =	simm.s32 $0x5;
	[dreg:$0x14] =	wrdreg s22  }
0x19: {  	s13 =	sadd.s32 s0, s26;
	s0 =	sadd.s32 s0, s8;
	[dreg:$0x15] =	wrdreg s23  }
0x1a: {  	s24 =	sadd.s32 s5, s18;
	[dreg:$0x17] =	wrdreg s25;
	s26 =	smax.u32 s7, $0x1  }
0x1b: {  	s25 =	simm.s32 $0x16200;
	s12 =	simm.s32 $0x6;
	s3 =	simm.s32 $0x7  }
0x1c: {  	s5 =	simm.s32 $0xC;
	s16 =	simm.s32 $0x3;
	s7 =	simm.s32 $0x8  }
0x1d: {  	s8 =	simm.s32 $0xD;
	s17 =	simm.s32 $0x12;
	[dreg:$0xc] =	wrdreg s13  }
0x1e: {  	s19 =	simm.s32 $0x9;
	s20 =	simm.s32 $0xE;
	[dreg:$0x12] =	wrdreg s0  }
0x1f: {  	s21 =	simm.s32 $0xA;
	s22 =	simm.s32 $0xF;
	[dreg:$0x16] =	wrdreg s24  }
0x20: {  	s23 =	simm.s32 $0x13;
	[dreg:$0x18] =	wrdreg s26;
	s24 =	simm.s32 $0x14200  }
0x21: {  	s26 =	simm.s32 $0x18200;
	s13 =	simm.s32 $0x10;
	s0 =	simm.s32 $0x0  }
.LBB2_1:
0x22: {  	s6 =	rddreg [dreg:$0x6]  }
0x23: {  	[tilespmem:s24], [sflag:$0xB] =	stream.linear.gather [hbm4b:s6+s4], $0x2000, $0x38;
	[tilespmem:$0x1E200] =	vst v63  }
0x24: {  	s18 =	rddreg [dreg:$0x7]  }
0x25: {  	[tilespmem:s25], [sflag:$0xC] =	stream.linear.gather [hbm4b:s18+s4], $0x2000, $0x38;
	[tilespmem:$0x1E200] =	vst v63  }
0x26: {  	s9 =	rddreg [dreg:$0x8]  }
0x27: {  	[tilespmem:s26], [sflag:$0xD] =	stream.linear.gather [hbm4b:s9+s4], $0x2000, $0x38;
	[tilespmem:$0x1E200] =	vst v63  }
0x28: {  	s18 =	rddreg [dreg:$0x9];
	s9 =	simm.s32 $0x1A200  }
0x29: {  	[tilespmem:s9], [sflag:$0xE] =	stream.linear.gather [hbm4b:s18+s4], $0x2000, $0x38;
	[tilespmem:$0x1E200] =	vst v63  }
0x2a: {  	s18 =	rddreg [dreg:$0xa]  }
0x2b: {  	[tilespmem:s4], [sflag:$0x15] =	stream.linear.gather [hbm4b:s18+s4], $0x40, $0x38;
	[tilespmem:$0x1E200] =	vst v63  }
0x2c: {  	_ =	swait.ge [sflag:s29], $0x40  }
0x2d: {  	[sflag:s29] =	ssyncset.done $0x0  }
0x2e: {  	s9 =	simm.s32 $0x200;
	[sflag:s29] =	ssyncadd.s32 $0xFFFFFFC0  }
0x2f: {  	[tilespmem:s9], [sflag:$0x1] =	stream.indirect.gather [hbm4b:s1+s30], $0x80, s4, s30, $0xb8;
	[tilespmem:$0x1E200] =	vst v63  }
0x30: {  	s18 =	simm.s32 $0xA200  }
0x31: {  	[tilespmem:s18], [sflag:$0x6] =	stream.indirect.gather [hbm4b:s2+s30], $0x80, s4, s30, $0xb8;
	[tilespmem:$0x1E200] =	vst v63  }
0x32: {  	s9 =	rddreg [dreg:$0xb]  }
0x33: {  	[tilespmem:s30], [sflag:$0x15] =	stream.linear.gather [hbm4b:s9+s4], $0x1C0, $0x38;
	[tilespmem:$0x1E200] =	vst v63  }
0x34: {  	_ =	swait.ge [sflag:s29], $0x1C0  }
0x35: {  	[sflag:s29] =	ssyncset.done $0x0  }
0x36: {  	s18 =	simm.s32 $0x2200;
	[sflag:s29] =	ssyncadd.s32 $0xFFFFFE40  }
0x37: {  	[tilespmem:s18], [sflag:$0x2] =	stream.indirect.gather [hbm4b:s1+s30], $0x80, s30, s30, $0xb8;
	[tilespmem:$0x1E200] =	vst v63  }
0x38: {  	s9 =	simm.s32 $0xC200  }
0x39: {  	[tilespmem:s9], [sflag:$0x7] =	stream.indirect.gather [hbm4b:s2+s30], $0x80, s30, s30, $0xb8;
	[tilespmem:$0x1E200] =	vst v63  }
0x3a: {  	s6 =	simm.s32 $0x80;
	s18 =	simm.s32 $0x4200  }
0x3b: {  	[tilespmem:s18], [sflag:$0x3] =	stream.indirect.gather [hbm4b:s1+s30], $0x80, s6, s30, $0xb8;
	[tilespmem:$0x1E200] =	vst v63  }
0x3c: {  	s18 =	simm.s32 $0xE200  }
0x3d: {  	[tilespmem:s18], [sflag:$0x8] =	stream.indirect.gather [hbm4b:s2+s30], $0x80, s6, s30, $0xb8;
	[tilespmem:$0x1E200] =	vst v63  }
0x3e: {  	s6 =	simm.s32 $0xC0;
	s18 =	simm.s32 $0x6200  }
0x3f: {  	[tilespmem:s18], [sflag:$0x4] =	stream.indirect.gather [hbm4b:s1+s30], $0x80, s6, s30, $0xb8;
	[tilespmem:$0x1E200] =	vst v63  }
0x40: {  	s18 =	simm.s32 $0x10200  }
0x41: {  	[tilespmem:s18], [sflag:$0x9] =	stream.indirect.gather [hbm4b:s2+s30], $0x80, s6, s30, $0xb8;
	[tilespmem:$0x1E200] =	vst v63  }
0x42: {  	s6 =	simm.s32 $0x100;
	s18 =	simm.s32 $0x8200  }
0x43: {  	[tilespmem:s18], [sflag:$0x5] =	stream.indirect.gather [hbm4b:s1+s30], $0x80, s6, s30, $0xb8;
	[tilespmem:$0x1E200] =	vst v63  }
0x44: {  	s18 =	simm.s32 $0x12200  }
0x45: {  	[tilespmem:s18], [sflag:$0xA] =	stream.indirect.gather [hbm4b:s2+s30], $0x80, s6, s30, $0xb8;
	[tilespmem:$0x1E200] =	vst v63  }
0x46: {  	s9 =	rddreg [dreg:$0xc];
	s18 =	simm.s32 $0x1C200  }
0x47: {  	[tilespmem:s18], [sflag:$0xF] =	stream.linear.gather [hbm4b:s9+s4], $0x2000, $0x38;
	[tilespmem:$0x1E200] =	vst v63  }
0x48: {  	_ =	swait.ge [sflag:s11], $0x2000  }
0x49: {  	[sflag:s11] =	ssyncset.done $0x0  }
0x4a: {  	[sflag:s11] =	ssyncadd.s32 $0xFFFFE000  }
0x4b: {  	_ =	swait.ge [sflag:s12], $0x2000  }
0x4c: {  	[sflag:s12] =	ssyncset.done $0x0  }
0x4d: {  	[sflag:s12] =	ssyncadd.s32 $0xFFFFE000  }
0x4e: {  	_ =	swait.ge [sflag:s31], $0x2000  }
0x4f: {  	[sflag:s31] =	ssyncset.done $0x0  }
0x50: {  	s6 =	simm.s32 $0x0;
	[sflag:s31] =	ssyncadd.s32 $0xFFFFE000  }
0x51: {  	v5 =	vld [tilespmem:s6+$0xA200]  }
0x52: {  	v4 =	vld [tilespmem:s6+$0xA210]  }
0x53: {  	v3 =	vld [tilespmem:s6+$0xA220]  }
0x54: {  	v2 =	vld [tilespmem:s6+$0xA230]  }
0x55: {  	v1 =	vld [tilespmem:s6+$0xA240]  }
0x56: {  	v0 =	vld [tilespmem:s6+$0xA250]  }
0x57: {  	v12 =	vld [tilespmem:s6+$0x200]  }
0x58: {  	v17 =	vld [tilespmem:s6+$0x210]  }
0x59: {  	v11 =	vld [tilespmem:s6+$0x220]  }
0x5a: {  	v10 =	vld [tilespmem:s6+$0x230]  }
0x5b: {  	v9 =	vld [tilespmem:s6+$0x240]  }
0x5c: {  	v8 =	vld [tilespmem:s6+$0x250]  }
0x5d: {  	v7 =	vld [tilespmem:s6+$0x260]  }
0x5e: {  	v6 =	vld [tilespmem:s6+$0x270]  }
0x5f: {  	v18 =	vld [tilespmem:s6+$0x14200]  }
0x60: {  	v19 =	vld [tilespmem:s6+$0x14210]  }
0x61: {  	v16 =	vld [tilespmem:s6+$0x14220]  }
0x62: {  	v15 =	vld [tilespmem:s6+$0x14230]  }
0x63: {  	v14 =	vld [tilespmem:s6+$0x14240]  }
0x64: {  	v13 =	vld [tilespmem:s6+$0x14250];
	v18 =	vmul.f32 v18, v12  }
0x65: {  	s9 =	simm.s32 $0x200;
	v17 =	vmul.f32 v19, v17;
	v12 =	vld [tilespmem:s6+$0x14260]  }
.LBB2_2:
0x66: {  	p0 =	sne.s32 s9, $0x7E00;
	v5 =	vadd.f32 v5, v18;
	v11 =	vmul.f32 v16, v11;
	v16 =	vld [tilespmem:s6+$0x14270]  }
0x67: {  	v4 =	vadd.f32 v4, v17;
	v10 =	vmul.f32 v15, v10;
	v15 =	vld [tilespmem:s6+$0xA260]  }
0x68: {  	s18 =	sshra.s32 s9, $0x2;
	[tilespmem:s6+$0x14200] =	vst v5;
	v3 =	vadd.f32 v3, v11;
	v9 =	vmul.f32 v14, v9;
	v11 =	vld [tilespmem:s6+$0xA270]  }
0x69: {  	v5 =	vld [tilespmem:s18+$0xA200];
	[tilespmem:s6+$0x14210] =	vst v4;
	v2 =	vadd.f32 v2, v10;
	v8 =	vmul.f32 v13, v8  }
0x6a: {  	v4 =	vld [tilespmem:s18+$0xA210];
	[tilespmem:s6+$0x14220] =	vst v3;
	v1 =	vadd.f32 v1, v9;
	v7 =	vmul.f32 v12, v7  }
0x6b: {  	v3 =	vld [tilespmem:s18+$0xA220];
	[tilespmem:s6+$0x14230] =	vst v2;
	v0 =	vadd.f32 v0, v8;
	v6 =	vmul.f32 v16, v6  }
0x6c: {  	v2 =	vld [tilespmem:s18+$0xA230];
	[tilespmem:s6+$0x14240] =	vst v1;
	v7 =	vadd.f32 v15, v7  }
0x6d: {  	v1 =	vld [tilespmem:s18+$0xA240];
	[tilespmem:s6+$0x14250] =	vst v0;
	v6 =	vadd.f32 v11, v6  }
0x6e: {  	v0 =	vld [tilespmem:s18+$0xA250];
	[tilespmem:s6+$0x14260] =	vst v7  }
0x6f: {  	v12 =	vld [tilespmem:s18+$0x200];
	[tilespmem:s6+$0x14270] =	vst v6;
	s6 =	smov.u32 s18  }
0x70: {  	v17 =	vld [tilespmem:s6+$0x210]  }
0x71: {  	v11 =	vld [tilespmem:s6+$0x220]  }
0x72: {  	v10 =	vld [tilespmem:s6+$0x230]  }
0x73: {  	v9 =	vld [tilespmem:s6+$0x240]  }
0x74: {  	v8 =	vld [tilespmem:s6+$0x250]  }
0x75: {  	v7 =	vld [tilespmem:s6+$0x260]  }
0x76: {  	v6 =	vld [tilespmem:s6+$0x270]  }
0x77: {  	v13 =	vld [tilespmem:s6+$0x14200]  }
0x78: {  	v19 =	vld [tilespmem:s6+$0x14210]  }
.Ltmp0:
0x79: {  	v16 =	vld [tilespmem:s6+$0x14220];
	(pc) =	sbr.rel @p0 .LBB2_2-.Ltmp0, $4  }
0x7a: {  	v15 =	vld [tilespmem:s6+$0x14230]  }
0x7b: {  	v14 =	vld [tilespmem:s6+$0x14240]  }
0x7c: {  	v18 =	vmul.f32 v13, v12;
	v13 =	vld [tilespmem:s6+$0x14250]  }
0x7d: {  	s9 =	sadd.s32 $0x200, s9;
	v17 =	vmul.f32 v19, v17;
	v12 =	vld [tilespmem:s6+$0x14260]  }
0x7e: {  	v5 =	vadd.f32 v5, v18;
	v18 =	vld [tilespmem:s6+$0x14270];
	v11 =	vmul.f32 v16, v11  }
0x7f: {  	v16 =	vld [tilespmem:s6+$0xA260];
	v4 =	vadd.f32 v4, v17;
	v10 =	vmul.f32 v15, v10  }
0x80: {  	[tilespmem:s6+$0x14200] =	vst v5;
	v3 =	vadd.f32 v3, v11;
	v5 =	vmul.f32 v14, v9;
	v9 =	vld [tilespmem:s6+$0xA270]  }
0x81: {  	[tilespmem:s6+$0x14210] =	vst v4;
	v2 =	vadd.f32 v2, v10;
	v4 =	vmul.f32 v13, v8  }
0x82: {  	[tilespmem:s6+$0x14220] =	vst v3;
	v1 =	vadd.f32 v1, v5;
	v3 =	vmul.f32 v12, v7  }
0x83: {  	[tilespmem:s6+$0x14230] =	vst v2;
	v0 =	vadd.f32 v0, v4;
	v2 =	vmul.f32 v18, v6  }
0x84: {  	[tilespmem:s6+$0x14240] =	vst v1;
	v1 =	vadd.f32 v16, v3  }
0x85: {  	[tilespmem:s6+$0x14250] =	vst v0;
	v0 =	vadd.f32 v9, v2  }
0x86: {  	[tilespmem:s6+$0x14260] =	vst v1  }
0x87: {  	s9 =	rddreg [dreg:$0xd];
	[tilespmem:s6+$0x14270] =	vst v0;
	s6 =	simm.s32 $0x0  }
0x88: {  	[hbm4b:s9+s6] =	stream.linear.scatter [tilespmem:s24], [sflag:$0x10], $0x2000, $0x38;
	[tilespmem:$0x1E200] =	vst v63  }
0x89: {  	_ =	swait.ge [sflag:s13], $0x2000  }
0x8a: {  	[sflag:s13] =	ssyncset.done $0x0  }
0x8b: {  	s18 =	simm.s32 $0x140;
	s9 =	simm.s32 $0x200;
	[sflag:s13] =	ssyncadd.s32 $0xFFFFE000  }
0x8c: {  	[tilespmem:s9], [sflag:$0x1] =	stream.indirect.gather [hbm4b:s1+s30], $0x80, s18, s30, $0xb8;
	[tilespmem:$0x1E200] =	vst v63  }
0x8d: {  	s9 =	simm.s32 $0xA200  }
0x8e: {  	[tilespmem:s9], [sflag:$0x6] =	stream.indirect.gather [hbm4b:s2+s30], $0x80, s18, s30, $0xb8;
	[tilespmem:$0x1E200] =	vst v63  }
0x8f: {  	s18 =	rddreg [dreg:$0xe]  }
0x90: {  	[tilespmem:s24], [sflag:$0xB] =	stream.linear.gather [hbm4b:s18+s6], $0x2000, $0x38;
	[tilespmem:$0x1E200] =	vst v63  }
0x91: {  	_ =	swait.ge [sflag:s14], $0x2000  }
0x92: {  	[sflag:s14] =	ssyncset.done $0x0  }
0x93: {  	[sflag:s14] =	ssyncadd.s32 $0xFFFFE000  }
0x94: {  	_ =	swait.ge [sflag:s3], $0x2000  }
0x95: {  	[sflag:s3] =	ssyncset.done $0x0  }
0x96: {  	[sflag:s3] =	ssyncadd.s32 $0xFFFFE000  }
0x97: {  	_ =	swait.ge [sflag:s5], $0x2000  }
0x98: {  	[sflag:s5] =	ssyncset.done $0x0  }
0x99: {  	s6 =	simm.s32 $0x0;
	[sflag:s5] =	ssyncadd.s32 $0xFFFFE000  }
0x9a: {  	v5 =	vld [tilespmem:s6+$0xC200]  }
0x9b: {  	v4 =	vld [tilespmem:s6+$0xC210]  }
0x9c: {  	v3 =	vld [tilespmem:s6+$0xC220]  }
0x9d: {  	v2 =	vld [tilespmem:s6+$0xC230]  }
0x9e: {  	v1 =	vld [tilespmem:s6+$0xC240]  }
0x9f: {  	v0 =	vld [tilespmem:s6+$0xC250]  }
0xa0: {  	v12 =	vld [tilespmem:s6+$0x2200]  }
0xa1: {  	v17 =	vld [tilespmem:s6+$0x2210]  }
0xa2: {  	v11 =	vld [tilespmem:s6+$0x2220]  }
0xa3: {  	v10 =	vld [tilespmem:s6+$0x2230]  }
0xa4: {  	v9 =	vld [tilespmem:s6+$0x2240]  }
0xa5: {  	v8 =	vld [tilespmem:s6+$0x2250]  }
0xa6: {  	v7 =	vld [tilespmem:s6+$0x2260]  }
0xa7: {  	v6 =	vld [tilespmem:s6+$0x2270]  }
0xa8: {  	v18 =	vld [tilespmem:s6+$0x16200]  }
0xa9: {  	v19 =	vld [tilespmem:s6+$0x16210]  }
0xaa: {  	v16 =	vld [tilespmem:s6+$0x16220]  }
0xab: {  	v15 =	vld [tilespmem:s6+$0x16230]  }
0xac: {  	v14 =	vld [tilespmem:s6+$0x16240]  }
0xad: {  	v13 =	vld [tilespmem:s6+$0x16250];
	v18 =	vmul.f32 v18, v12  }
0xae: {  	s9 =	simm.s32 $0x200;
	v17 =	vmul.f32 v19, v17;
	v12 =	vld [tilespmem:s6+$0x16260]  }
.LBB2_4:
0xaf: {  	p0 =	sne.s32 s9, $0x7E00;
	v5 =	vadd.f32 v5, v18;
	v11 =	vmul.f32 v16, v11;
	v16 =	vld [tilespmem:s6+$0x16270]  }
0xb0: {  	v4 =	vadd.f32 v4, v17;
	v10 =	vmul.f32 v15, v10;
	v15 =	vld [tilespmem:s6+$0xC260]  }
0xb1: {  	s18 =	sshra.s32 s9, $0x2;
	[tilespmem:s6+$0x16200] =	vst v5;
	v3 =	vadd.f32 v3, v11;
	v9 =	vmul.f32 v14, v9;
	v11 =	vld [tilespmem:s6+$0xC270]  }
0xb2: {  	v5 =	vld [tilespmem:s18+$0xC200];
	[tilespmem:s6+$0x16210] =	vst v4;
	v2 =	vadd.f32 v2, v10;
	v8 =	vmul.f32 v13, v8  }
0xb3: {  	v4 =	vld [tilespmem:s18+$0xC210];
	[tilespmem:s6+$0x16220] =	vst v3;
	v1 =	vadd.f32 v1, v9;
	v7 =	vmul.f32 v12, v7  }
0xb4: {  	v3 =	vld [tilespmem:s18+$0xC220];
	[tilespmem:s6+$0x16230] =	vst v2;
	v0 =	vadd.f32 v0, v8;
	v6 =	vmul.f32 v16, v6  }
0xb5: {  	v2 =	vld [tilespmem:s18+$0xC230];
	[tilespmem:s6+$0x16240] =	vst v1;
	v7 =	vadd.f32 v15, v7  }
0xb6: {  	v1 =	vld [tilespmem:s18+$0xC240];
	[tilespmem:s6+$0x16250] =	vst v0;
	v6 =	vadd.f32 v11, v6  }
0xb7: {  	v0 =	vld [tilespmem:s18+$0xC250];
	[tilespmem:s6+$0x16260] =	vst v7  }
0xb8: {  	v12 =	vld [tilespmem:s18+$0x2200];
	[tilespmem:s6+$0x16270] =	vst v6;
	s6 =	smov.u32 s18  }
0xb9: {  	v17 =	vld [tilespmem:s6+$0x2210]  }
0xba: {  	v11 =	vld [tilespmem:s6+$0x2220]  }
0xbb: {  	v10 =	vld [tilespmem:s6+$0x2230]  }
0xbc: {  	v9 =	vld [tilespmem:s6+$0x2240]  }
0xbd: {  	v8 =	vld [tilespmem:s6+$0x2250]  }
0xbe: {  	v7 =	vld [tilespmem:s6+$0x2260]  }
0xbf: {  	v6 =	vld [tilespmem:s6+$0x2270]  }
0xc0: {  	v13 =	vld [tilespmem:s6+$0x16200]  }
0xc1: {  	v19 =	vld [tilespmem:s6+$0x16210]  }
.Ltmp1:
0xc2: {  	v16 =	vld [tilespmem:s6+$0x16220];
	(pc) =	sbr.rel @p0 .LBB2_4-.Ltmp1, $4  }
0xc3: {  	v15 =	vld [tilespmem:s6+$0x16230]  }
0xc4: {  	v14 =	vld [tilespmem:s6+$0x16240]  }
0xc5: {  	v18 =	vmul.f32 v13, v12;
	v13 =	vld [tilespmem:s6+$0x16250]  }
0xc6: {  	s9 =	sadd.s32 $0x200, s9;
	v17 =	vmul.f32 v19, v17;
	v12 =	vld [tilespmem:s6+$0x16260]  }
0xc7: {  	v5 =	vadd.f32 v5, v18;
	v18 =	vld [tilespmem:s6+$0x16270];
	v11 =	vmul.f32 v16, v11  }
0xc8: {  	v16 =	vld [tilespmem:s6+$0xC260];
	v4 =	vadd.f32 v4, v17;
	v10 =	vmul.f32 v15, v10  }
0xc9: {  	[tilespmem:s6+$0x16200] =	vst v5;
	v3 =	vadd.f32 v3, v11;
	v5 =	vmul.f32 v14, v9;
	v9 =	vld [tilespmem:s6+$0xC270]  }
0xca: {  	[tilespmem:s6+$0x16210] =	vst v4;
	v2 =	vadd.f32 v2, v10;
	v4 =	vmul.f32 v13, v8  }
0xcb: {  	[tilespmem:s6+$0x16220] =	vst v3;
	v1 =	vadd.f32 v1, v5;
	v3 =	vmul.f32 v12, v7  }
0xcc: {  	[tilespmem:s6+$0x16230] =	vst v2;
	v0 =	vadd.f32 v0, v4;
	v2 =	vmul.f32 v18, v6  }
0xcd: {  	[tilespmem:s6+$0x16240] =	vst v1;
	v1 =	vadd.f32 v16, v3  }
0xce: {  	[tilespmem:s6+$0x16250] =	vst v0;
	v0 =	vadd.f32 v9, v2  }
0xcf: {  	[tilespmem:s6+$0x16260] =	vst v1  }
0xd0: {  	s9 =	rddreg [dreg:$0xf];
	[tilespmem:s6+$0x16270] =	vst v0;
	s6 =	simm.s32 $0x0  }
0xd1: {  	[hbm4b:s9+s6] =	stream.linear.scatter [tilespmem:s25], [sflag:$0x11], $0x2000, $0x38;
	[tilespmem:$0x1E200] =	vst v63  }
0xd2: {  	_ =	swait.ge [sflag:s15], $0x2000  }
0xd3: {  	[sflag:s15] =	ssyncset.done $0x0  }
0xd4: {  	s18 =	simm.s32 $0x180;
	s9 =	simm.s32 $0x2200;
	[sflag:s15] =	ssyncadd.s32 $0xFFFFE000  }
0xd5: {  	[tilespmem:s9], [sflag:$0x2] =	stream.indirect.gather [hbm4b:s1+s30], $0x80, s18, s30, $0xb8;
	[tilespmem:$0x1E200] =	vst v63  }
0xd6: {  	s9 =	simm.s32 $0xC200  }
0xd7: {  	[tilespmem:s9], [sflag:$0x7] =	stream.indirect.gather [hbm4b:s2+s30], $0x80, s18, s30, $0xb8;
	[tilespmem:$0x1E200] =	vst v63  }
0xd8: {  	s18 =	rddreg [dreg:$0x10]  }
0xd9: {  	[tilespmem:s25], [sflag:$0xC] =	stream.linear.gather [hbm4b:s18+s6], $0x2000, $0x38;
	[tilespmem:$0x1E200] =	vst v63  }
0xda: {  	_ =	swait.ge [sflag:s16], $0x2000  }
0xdb: {  	[sflag:s16] =	ssyncset.done $0x0  }
0xdc: {  	[sflag:s16] =	ssyncadd.s32 $0xFFFFE000  }
0xdd: {  	_ =	swait.ge [sflag:s7], $0x2000  }
0xde: {  	[sflag:s7] =	ssyncset.done $0x0  }
0xdf: {  	[sflag:s7] =	ssyncadd.s32 $0xFFFFE000  }
0xe0: {  	_ =	swait.ge [sflag:s8], $0x2000  }
0xe1: {  	[sflag:s8] =	ssyncset.done $0x0  }
0xe2: {  	s6 =	simm.s32 $0x0;
	[sflag:s8] =	ssyncadd.s32 $0xFFFFE000  }
0xe3: {  	v5 =	vld [tilespmem:s6+$0xE200]  }
0xe4: {  	v4 =	vld [tilespmem:s6+$0xE210]  }
0xe5: {  	v3 =	vld [tilespmem:s6+$0xE220]  }
0xe6: {  	v2 =	vld [tilespmem:s6+$0xE230]  }
0xe7: {  	v1 =	vld [tilespmem:s6+$0xE240]  }
0xe8: {  	v0 =	vld [tilespmem:s6+$0xE250]  }
0xe9: {  	v12 =	vld [tilespmem:s6+$0x4200]  }
0xea: {  	v17 =	vld [tilespmem:s6+$0x4210]  }
0xeb: {  	v11 =	vld [tilespmem:s6+$0x4220]  }
0xec: {  	v10 =	vld [tilespmem:s6+$0x4230]  }
0xed: {  	v9 =	vld [tilespmem:s6+$0x4240]  }
0xee: {  	v8 =	vld [tilespmem:s6+$0x4250]  }
0xef: {  	v7 =	vld [tilespmem:s6+$0x4260]  }
0xf0: {  	v6 =	vld [tilespmem:s6+$0x4270]  }
0xf1: {  	v18 =	vld [tilespmem:s6+$0x18200]  }
0xf2: {  	v19 =	vld [tilespmem:s6+$0x18210]  }
0xf3: {  	v16 =	vld [tilespmem:s6+$0x18220]  }
0xf4: {  	v15 =	vld [tilespmem:s6+$0x18230]  }
0xf5: {  	v14 =	vld [tilespmem:s6+$0x18240]  }
0xf6: {  	v13 =	vld [tilespmem:s6+$0x18250];
	v18 =	vmul.f32 v18, v12  }
0xf7: {  	s9 =	simm.s32 $0x200;
	v17 =	vmul.f32 v19, v17;
	v12 =	vld [tilespmem:s6+$0x18260]  }
.LBB2_6:
0xf8: {  	p0 =	sne.s32 s9, $0x7E00;
	v5 =	vadd.f32 v5, v18;
	v11 =	vmul.f32 v16, v11;
	v16 =	vld [tilespmem:s6+$0x18270]  }
0xf9: {  	v4 =	vadd.f32 v4, v17;
	v10 =	vmul.f32 v15, v10;
	v15 =	vld [tilespmem:s6+$0xE260]  }
0xfa: {  	s18 =	sshra.s32 s9, $0x2;
	[tilespmem:s6+$0x18200] =	vst v5;
	v3 =	vadd.f32 v3, v11;
	v9 =	vmul.f32 v14, v9;
	v11 =	vld [tilespmem:s6+$0xE270]  }
0xfb: {  	v5 =	vld [tilespmem:s18+$0xE200];
	[tilespmem:s6+$0x18210] =	vst v4;
	v2 =	vadd.f32 v2, v10;
	v8 =	vmul.f32 v13, v8  }
0xfc: {  	v4 =	vld [tilespmem:s18+$0xE210];
	[tilespmem:s6+$0x18220] =	vst v3;
	v1 =	vadd.f32 v1, v9;
	v7 =	vmul.f32 v12, v7  }
0xfd: {  	v3 =	vld [tilespmem:s18+$0xE220];
	[tilespmem:s6+$0x18230] =	vst v2;
	v0 =	vadd.f32 v0, v8;
	v6 =	vmul.f32 v16, v6  }
0xfe: {  	v2 =	vld [tilespmem:s18+$0xE230];
	[tilespmem:s6+$0x18240] =	vst v1;
	v7 =	vadd.f32 v15, v7  }
0xff: {  	v1 =	vld [tilespmem:s18+$0xE240];
	[tilespmem:s6+$0x18250] =	vst v0;
	v6 =	vadd.f32 v11, v6  }
0x100: {  	v0 =	vld [tilespmem:s18+$0xE250];
	[tilespmem:s6+$0x18260] =	vst v7  }
0x101: {  	v12 =	vld [tilespmem:s18+$0x4200];
	[tilespmem:s6+$0x18270] =	vst v6;
	s6 =	smov.u32 s18  }
0x102: {  	v17 =	vld [tilespmem:s6+$0x4210]  }
0x103: {  	v11 =	vld [tilespmem:s6+$0x4220]  }
0x104: {  	v10 =	vld [tilespmem:s6+$0x4230]  }
0x105: {  	v9 =	vld [tilespmem:s6+$0x4240]  }
0x106: {  	v8 =	vld [tilespmem:s6+$0x4250]  }
0x107: {  	v7 =	vld [tilespmem:s6+$0x4260]  }
0x108: {  	v6 =	vld [tilespmem:s6+$0x4270]  }
0x109: {  	v13 =	vld [tilespmem:s6+$0x18200]  }
0x10a: {  	v19 =	vld [tilespmem:s6+$0x18210]  }
.Ltmp2:
0x10b: {  	v16 =	vld [tilespmem:s6+$0x18220];
	(pc) =	sbr.rel @p0 .LBB2_6-.Ltmp2, $4  }
0x10c: {  	v15 =	vld [tilespmem:s6+$0x18230]  }
0x10d: {  	v14 =	vld [tilespmem:s6+$0x18240]  }
0x10e: {  	v18 =	vmul.f32 v13, v12;
	v13 =	vld [tilespmem:s6+$0x18250]  }
0x10f: {  	s9 =	sadd.s32 $0x200, s9;
	v17 =	vmul.f32 v19, v17;
	v12 =	vld [tilespmem:s6+$0x18260]  }
0x110: {  	v5 =	vadd.f32 v5, v18;
	v18 =	vld [tilespmem:s6+$0x18270];
	v11 =	vmul.f32 v16, v11  }
0x111: {  	v16 =	vld [tilespmem:s6+$0xE260];
	v4 =	vadd.f32 v4, v17;
	v10 =	vmul.f32 v15, v10  }
0x112: {  	[tilespmem:s6+$0x18200] =	vst v5;
	v3 =	vadd.f32 v3, v11;
	v5 =	vmul.f32 v14, v9;
	v9 =	vld [tilespmem:s6+$0xE270]  }
0x113: {  	[tilespmem:s6+$0x18210] =	vst v4;
	v2 =	vadd.f32 v2, v10;
	v4 =	vmul.f32 v13, v8  }
0x114: {  	[tilespmem:s6+$0x18220] =	vst v3;
	v1 =	vadd.f32 v1, v5;
	v3 =	vmul.f32 v12, v7  }
0x115: {  	[tilespmem:s6+$0x18230] =	vst v2;
	v0 =	vadd.f32 v0, v4;
	v2 =	vmul.f32 v18, v6  }
0x116: {  	[tilespmem:s6+$0x18240] =	vst v1;
	v1 =	vadd.f32 v16, v3  }
0x117: {  	[tilespmem:s6+$0x18250] =	vst v0;
	v0 =	vadd.f32 v9, v2  }
0x118: {  	[tilespmem:s6+$0x18260] =	vst v1  }
0x119: {  	s9 =	rddreg [dreg:$0x11];
	[tilespmem:s6+$0x18270] =	vst v0;
	s6 =	simm.s32 $0x0  }
0x11a: {  	[hbm4b:s9+s6] =	stream.linear.scatter [tilespmem:s26], [sflag:$0x12], $0x2000, $0x38;
	[tilespmem:$0x1E200] =	vst v63  }
0x11b: {  	_ =	swait.ge [sflag:s17], $0x2000  }
0x11c: {  	[sflag:s17] =	ssyncset.done $0x0  }
0x11d: {  	s18 =	simm.s32 $0x1C0;
	s9 =	simm.s32 $0x4200;
	[sflag:s17] =	ssyncadd.s32 $0xFFFFE000  }
0x11e: {  	[tilespmem:s9], [sflag:$0x3] =	stream.indirect.gather [hbm4b:s1+s30], $0x80, s18, s30, $0xb8;
	[tilespmem:$0x1E200] =	vst v63  }
0x11f: {  	s9 =	simm.s32 $0xE200  }
0x120: {  	[tilespmem:s9], [sflag:$0x8] =	stream.indirect.gather [hbm4b:s2+s30], $0x80, s18, s30, $0xb8;
	[tilespmem:$0x1E200] =	vst v63  }
0x121: {  	s18 =	rddreg [dreg:$0x12]  }
0x122: {  	[tilespmem:s26], [sflag:$0xD] =	stream.linear.gather [hbm4b:s18+s6], $0x2000, $0x38;
	[tilespmem:$0x1E200] =	vst v63  }
0x123: {  	s18 =	simm.s32 $0x4  }
0x124: {  	_ =	swait.ge [sflag:s18], $0x2000  }
0x125: {  	[sflag:s18] =	ssyncset.done $0x0  }
0x126: {  	[sflag:s18] =	ssyncadd.s32 $0xFFFFE000  }
0x127: {  	_ =	swait.ge [sflag:s19], $0x2000  }
0x128: {  	[sflag:s19] =	ssyncset.done $0x0  }
0x129: {  	[sflag:s19] =	ssyncadd.s32 $0xFFFFE000  }
0x12a: {  	_ =	swait.ge [sflag:s20], $0x2000  }
0x12b: {  	[sflag:s20] =	ssyncset.done $0x0  }
0x12c: {  	s6 =	simm.s32 $0x0;
	[sflag:s20] =	ssyncadd.s32 $0xFFFFE000  }
0x12d: {  	v5 =	vld [tilespmem:s6+$0x10200]  }
0x12e: {  	v4 =	vld [tilespmem:s6+$0x10210]  }
0x12f: {  	v3 =	vld [tilespmem:s6+$0x10220]  }
0x130: {  	v2 =	vld [tilespmem:s6+$0x10230]  }
0x131: {  	v1 =	vld [tilespmem:s6+$0x10240]  }
0x132: {  	v0 =	vld [tilespmem:s6+$0x10250]  }
0x133: {  	v12 =	vld [tilespmem:s6+$0x6200]  }
0x134: {  	v17 =	vld [tilespmem:s6+$0x6210]  }
0x135: {  	v11 =	vld [tilespmem:s6+$0x6220]  }
0x136: {  	v10 =	vld [tilespmem:s6+$0x6230]  }
0x137: {  	v9 =	vld [tilespmem:s6+$0x6240]  }
0x138: {  	v8 =	vld [tilespmem:s6+$0x6250]  }
0x139: {  	v7 =	vld [tilespmem:s6+$0x6260]  }
0x13a: {  	v6 =	vld [tilespmem:s6+$0x6270]  }
0x13b: {  	v18 =	vld [tilespmem:s6+$0x1A200]  }
0x13c: {  	v19 =	vld [tilespmem:s6+$0x1A210]  }
0x13d: {  	v16 =	vld [tilespmem:s6+$0x1A220]  }
0x13e: {  	v15 =	vld [tilespmem:s6+$0x1A230]  }
0x13f: {  	v14 =	vld [tilespmem:s6+$0x1A240]  }
0x140: {  	v13 =	vld [tilespmem:s6+$0x1A250];
	v18 =	vmul.f32 v18, v12  }
0x141: {  	s9 =	simm.s32 $0x200;
	v17 =	vmul.f32 v19, v17;
	v12 =	vld [tilespmem:s6+$0x1A260]  }
.LBB2_8:
0x142: {  	p0 =	sne.s32 s9, $0x7E00;
	v5 =	vadd.f32 v5, v18;
	v11 =	vmul.f32 v16, v11;
	v16 =	vld [tilespmem:s6+$0x1A270]  }
0x143: {  	v4 =	vadd.f32 v4, v17;
	v10 =	vmul.f32 v15, v10;
	v15 =	vld [tilespmem:s6+$0x10260]  }
0x144: {  	s18 =	sshra.s32 s9, $0x2;
	[tilespmem:s6+$0x1A200] =	vst v5;
	v3 =	vadd.f32 v3, v11;
	v9 =	vmul.f32 v14, v9;
	v11 =	vld [tilespmem:s6+$0x10270]  }
0x145: {  	v5 =	vld [tilespmem:s18+$0x10200];
	[tilespmem:s6+$0x1A210] =	vst v4;
	v2 =	vadd.f32 v2, v10;
	v8 =	vmul.f32 v13, v8  }
0x146: {  	v4 =	vld [tilespmem:s18+$0x10210];
	[tilespmem:s6+$0x1A220] =	vst v3;
	v1 =	vadd.f32 v1, v9;
	v7 =	vmul.f32 v12, v7  }
0x147: {  	v3 =	vld [tilespmem:s18+$0x10220];
	[tilespmem:s6+$0x1A230] =	vst v2;
	v0 =	vadd.f32 v0, v8;
	v6 =	vmul.f32 v16, v6  }
0x148: {  	v2 =	vld [tilespmem:s18+$0x10230];
	[tilespmem:s6+$0x1A240] =	vst v1;
	v7 =	vadd.f32 v15, v7  }
0x149: {  	v1 =	vld [tilespmem:s18+$0x10240];
	[tilespmem:s6+$0x1A250] =	vst v0;
	v6 =	vadd.f32 v11, v6  }
0x14a: {  	v0 =	vld [tilespmem:s18+$0x10250];
	[tilespmem:s6+$0x1A260] =	vst v7  }
0x14b: {  	v12 =	vld [tilespmem:s18+$0x6200];
	[tilespmem:s6+$0x1A270] =	vst v6;
	s6 =	smov.u32 s18  }
0x14c: {  	v17 =	vld [tilespmem:s6+$0x6210]  }
0x14d: {  	v11 =	vld [tilespmem:s6+$0x6220]  }
0x14e: {  	v10 =	vld [tilespmem:s6+$0x6230]  }
0x14f: {  	v9 =	vld [tilespmem:s6+$0x6240]  }
0x150: {  	v8 =	vld [tilespmem:s6+$0x6250]  }
0x151: {  	v7 =	vld [tilespmem:s6+$0x6260]  }
0x152: {  	v6 =	vld [tilespmem:s6+$0x6270]  }
0x153: {  	v13 =	vld [tilespmem:s6+$0x1A200]  }
0x154: {  	v19 =	vld [tilespmem:s6+$0x1A210]  }
.Ltmp3:
0x155: {  	v16 =	vld [tilespmem:s6+$0x1A220];
	(pc) =	sbr.rel @p0 .LBB2_8-.Ltmp3, $4  }
0x156: {  	v15 =	vld [tilespmem:s6+$0x1A230]  }
0x157: {  	v14 =	vld [tilespmem:s6+$0x1A240]  }
0x158: {  	v18 =	vmul.f32 v13, v12;
	v13 =	vld [tilespmem:s6+$0x1A250]  }
0x159: {  	s9 =	sadd.s32 $0x200, s9;
	v17 =	vmul.f32 v19, v17;
	v12 =	vld [tilespmem:s6+$0x1A260]  }
0x15a: {  	v5 =	vadd.f32 v5, v18;
	v18 =	vld [tilespmem:s6+$0x1A270];
	v11 =	vmul.f32 v16, v11  }
0x15b: {  	v16 =	vld [tilespmem:s6+$0x10260];
	v4 =	vadd.f32 v4, v17;
	v10 =	vmul.f32 v15, v10  }
0x15c: {  	[tilespmem:s6+$0x1A200] =	vst v5;
	v3 =	vadd.f32 v3, v11;
	v5 =	vmul.f32 v14, v9;
	v9 =	vld [tilespmem:s6+$0x10270]  }
0x15d: {  	[tilespmem:s6+$0x1A210] =	vst v4;
	v2 =	vadd.f32 v2, v10;
	v4 =	vmul.f32 v13, v8  }
0x15e: {  	[tilespmem:s6+$0x1A220] =	vst v3;
	v1 =	vadd.f32 v1, v5;
	v3 =	vmul.f32 v12, v7  }
0x15f: {  	[tilespmem:s6+$0x1A230] =	vst v2;
	v0 =	vadd.f32 v0, v4;
	v2 =	vmul.f32 v18, v6  }
0x160: {  	[tilespmem:s6+$0x1A240] =	vst v1;
	v1 =	vadd.f32 v16, v3  }
0x161: {  	[tilespmem:s6+$0x1A250] =	vst v0;
	v0 =	vadd.f32 v9, v2  }
0x162: {  	[tilespmem:s6+$0x1A260] =	vst v1  }
0x163: {  	s9 =	rddreg [dreg:$0x13];
	s18 =	simm.s32 $0x1A200;
	[tilespmem:s6+$0x1A270] =	vst v0;
	s6 =	simm.s32 $0x0  }
0x164: {  	[hbm4b:s9+s6] =	stream.linear.scatter [tilespmem:s18], [sflag:$0x13], $0x2000, $0x38;
	[tilespmem:$0x1E200] =	vst v63  }
0x165: {  	_ =	swait.ge [sflag:s10], $0x2000  }
0x166: {  	[sflag:s10] =	ssyncset.done $0x0  }
0x167: {  	[sflag:s10] =	ssyncadd.s32 $0xFFFFE000  }
0x168: {  	_ =	swait.ge [sflag:s21], $0x2000  }
0x169: {  	[sflag:s21] =	ssyncset.done $0x0  }
0x16a: {  	[sflag:s21] =	ssyncadd.s32 $0xFFFFE000  }
0x16b: {  	_ =	swait.ge [sflag:s22], $0x2000  }
0x16c: {  	[sflag:s22] =	ssyncset.done $0x0  }
0x16d: {  	s6 =	simm.s32 $0x0;
	[sflag:s22] =	ssyncadd.s32 $0xFFFFE000  }
0x16e: {  	v5 =	vld [tilespmem:s6+$0x12200]  }
0x16f: {  	v4 =	vld [tilespmem:s6+$0x12210]  }
0x170: {  	v3 =	vld [tilespmem:s6+$0x12220]  }
0x171: {  	v2 =	vld [tilespmem:s6+$0x12230]  }
0x172: {  	v1 =	vld [tilespmem:s6+$0x12240]  }
0x173: {  	v0 =	vld [tilespmem:s6+$0x12250]  }
0x174: {  	v12 =	vld [tilespmem:s6+$0x8200]  }
0x175: {  	v17 =	vld [tilespmem:s6+$0x8210]  }
0x176: {  	v11 =	vld [tilespmem:s6+$0x8220]  }
0x177: {  	v10 =	vld [tilespmem:s6+$0x8230]  }
0x178: {  	v9 =	vld [tilespmem:s6+$0x8240]  }
0x179: {  	v8 =	vld [tilespmem:s6+$0x8250]  }
0x17a: {  	v7 =	vld [tilespmem:s6+$0x8260]  }
0x17b: {  	v6 =	vld [tilespmem:s6+$0x8270]  }
0x17c: {  	v18 =	vld [tilespmem:s6+$0x1C200]  }
0x17d: {  	v19 =	vld [tilespmem:s6+$0x1C210]  }
0x17e: {  	v16 =	vld [tilespmem:s6+$0x1C220]  }
0x17f: {  	v15 =	vld [tilespmem:s6+$0x1C230]  }
0x180: {  	v14 =	vld [tilespmem:s6+$0x1C240]  }
0x181: {  	v13 =	vld [tilespmem:s6+$0x1C250];
	v18 =	vmul.f32 v18, v12  }
0x182: {  	s9 =	simm.s32 $0x200;
	v17 =	vmul.f32 v19, v17;
	v12 =	vld [tilespmem:s6+$0x1C260]  }
.LBB2_10:
0x183: {  	p0 =	sne.s32 s9, $0x7E00;
	v5 =	vadd.f32 v5, v18;
	v11 =	vmul.f32 v16, v11;
	v16 =	vld [tilespmem:s6+$0x1C270]  }
0x184: {  	v4 =	vadd.f32 v4, v17;
	v10 =	vmul.f32 v15, v10;
	v15 =	vld [tilespmem:s6+$0x12260]  }
0x185: {  	s18 =	sshra.s32 s9, $0x2;
	[tilespmem:s6+$0x1C200] =	vst v5;
	v3 =	vadd.f32 v3, v11;
	v9 =	vmul.f32 v14, v9;
	v11 =	vld [tilespmem:s6+$0x12270]  }
0x186: {  	v5 =	vld [tilespmem:s18+$0x12200];
	[tilespmem:s6+$0x1C210] =	vst v4;
	v2 =	vadd.f32 v2, v10;
	v8 =	vmul.f32 v13, v8  }
0x187: {  	v4 =	vld [tilespmem:s18+$0x12210];
	[tilespmem:s6+$0x1C220] =	vst v3;
	v1 =	vadd.f32 v1, v9;
	v7 =	vmul.f32 v12, v7  }
0x188: {  	v3 =	vld [tilespmem:s18+$0x12220];
	[tilespmem:s6+$0x1C230] =	vst v2;
	v0 =	vadd.f32 v0, v8;
	v6 =	vmul.f32 v16, v6  }
0x189: {  	v2 =	vld [tilespmem:s18+$0x12230];
	[tilespmem:s6+$0x1C240] =	vst v1;
	v7 =	vadd.f32 v15, v7  }
0x18a: {  	v1 =	vld [tilespmem:s18+$0x12240];
	[tilespmem:s6+$0x1C250] =	vst v0;
	v6 =	vadd.f32 v11, v6  }
0x18b: {  	v0 =	vld [tilespmem:s18+$0x12250];
	[tilespmem:s6+$0x1C260] =	vst v7  }
0x18c: {  	v12 =	vld [tilespmem:s18+$0x8200];
	[tilespmem:s6+$0x1C270] =	vst v6;
	s6 =	smov.u32 s18  }
0x18d: {  	v17 =	vld [tilespmem:s6+$0x8210]  }
0x18e: {  	v11 =	vld [tilespmem:s6+$0x8220]  }
0x18f: {  	v10 =	vld [tilespmem:s6+$0x8230]  }
0x190: {  	v9 =	vld [tilespmem:s6+$0x8240]  }
0x191: {  	v8 =	vld [tilespmem:s6+$0x8250]  }
0x192: {  	v7 =	vld [tilespmem:s6+$0x8260]  }
0x193: {  	v6 =	vld [tilespmem:s6+$0x8270]  }
0x194: {  	v13 =	vld [tilespmem:s6+$0x1C200]  }
0x195: {  	v19 =	vld [tilespmem:s6+$0x1C210]  }
.Ltmp4:
0x196: {  	v16 =	vld [tilespmem:s6+$0x1C220];
	(pc) =	sbr.rel @p0 .LBB2_10-.Ltmp4, $4  }
0x197: {  	v15 =	vld [tilespmem:s6+$0x1C230]  }
0x198: {  	v14 =	vld [tilespmem:s6+$0x1C240]  }
0x199: {  	v18 =	vmul.f32 v13, v12;
	v13 =	vld [tilespmem:s6+$0x1C250]  }
0x19a: {  	s9 =	sadd.s32 $0x200, s9;
	v17 =	vmul.f32 v19, v17;
	v12 =	vld [tilespmem:s6+$0x1C260]  }
0x19b: {  	v5 =	vadd.f32 v5, v18;
	v18 =	vld [tilespmem:s6+$0x1C270];
	v11 =	vmul.f32 v16, v11  }
0x19c: {  	v16 =	vld [tilespmem:s6+$0x12260];
	v4 =	vadd.f32 v4, v17;
	v10 =	vmul.f32 v15, v10  }
0x19d: {  	[tilespmem:s6+$0x1C200] =	vst v5;
	v3 =	vadd.f32 v3, v11;
	v5 =	vmul.f32 v14, v9;
	v9 =	vld [tilespmem:s6+$0x12270]  }
0x19e: {  	[tilespmem:s6+$0x1C210] =	vst v4;
	v2 =	vadd.f32 v2, v10;
	v4 =	vmul.f32 v13, v8  }
0x19f: {  	[tilespmem:s6+$0x1C220] =	vst v3;
	v1 =	vadd.f32 v1, v5;
	v3 =	vmul.f32 v12, v7  }
0x1a0: {  	[tilespmem:s6+$0x1C230] =	vst v2;
	v0 =	vadd.f32 v0, v4;
	v2 =	vmul.f32 v18, v6  }
0x1a1: {  	[tilespmem:s6+$0x1C240] =	vst v1;
	v1 =	vadd.f32 v16, v3  }
0x1a2: {  	[tilespmem:s6+$0x1C250] =	vst v0;
	v0 =	vadd.f32 v9, v2  }
0x1a3: {  	[tilespmem:s6+$0x1C260] =	vst v1  }
0x1a4: {  	s9 =	rddreg [dreg:$0x14];
	s18 =	simm.s32 $0x1C200;
	[tilespmem:s6+$0x1C270] =	vst v0;
	s6 =	simm.s32 $0x0  }
0x1a5: {  	[hbm4b:s9+s6] =	stream.linear.scatter [tilespmem:s18], [sflag:$0x14], $0x2000, $0x38;
	[tilespmem:$0x1E200] =	vst v63  }
0x1a6: {  	_ =	swait.ge [sflag:s11], $0x2000  }
0x1a7: {  	[sflag:s11] =	ssyncset.done $0x0  }
0x1a8: {  	[sflag:s11] =	ssyncadd.s32 $0xFFFFE000  }
0x1a9: {  	_ =	swait.ge [sflag:s12], $0x2000  }
0x1aa: {  	[sflag:s12] =	ssyncset.done $0x0  }
0x1ab: {  	[sflag:s12] =	ssyncadd.s32 $0xFFFFE000  }
0x1ac: {  	_ =	swait.ge [sflag:s31], $0x2000  }
0x1ad: {  	[sflag:s31] =	ssyncset.done $0x0  }
0x1ae: {  	s6 =	simm.s32 $0x0;
	[sflag:s31] =	ssyncadd.s32 $0xFFFFE000  }
0x1af: {  	v5 =	vld [tilespmem:s6+$0xA200]  }
0x1b0: {  	v4 =	vld [tilespmem:s6+$0xA210]  }
0x1b1: {  	v3 =	vld [tilespmem:s6+$0xA220]  }
0x1b2: {  	v2 =	vld [tilespmem:s6+$0xA230]  }
0x1b3: {  	v1 =	vld [tilespmem:s6+$0xA240]  }
0x1b4: {  	v0 =	vld [tilespmem:s6+$0xA250]  }
0x1b5: {  	v12 =	vld [tilespmem:s6+$0x200]  }
0x1b6: {  	v17 =	vld [tilespmem:s6+$0x210]  }
0x1b7: {  	v11 =	vld [tilespmem:s6+$0x220]  }
0x1b8: {  	v10 =	vld [tilespmem:s6+$0x230]  }
0x1b9: {  	v9 =	vld [tilespmem:s6+$0x240]  }
0x1ba: {  	v8 =	vld [tilespmem:s6+$0x250]  }
0x1bb: {  	v7 =	vld [tilespmem:s6+$0x260]  }
0x1bc: {  	v6 =	vld [tilespmem:s6+$0x270]  }
0x1bd: {  	v18 =	vld [tilespmem:s6+$0x14200]  }
0x1be: {  	v19 =	vld [tilespmem:s6+$0x14210]  }
0x1bf: {  	v16 =	vld [tilespmem:s6+$0x14220]  }
0x1c0: {  	v15 =	vld [tilespmem:s6+$0x14230]  }
0x1c1: {  	v14 =	vld [tilespmem:s6+$0x14240]  }
0x1c2: {  	v13 =	vld [tilespmem:s6+$0x14250];
	v18 =	vmul.f32 v18, v12  }
0x1c3: {  	s9 =	simm.s32 $0x200;
	v17 =	vmul.f32 v19, v17;
	v12 =	vld [tilespmem:s6+$0x14260]  }
.LBB2_12:
0x1c4: {  	p0 =	sne.s32 s9, $0x7E00;
	v5 =	vadd.f32 v5, v18;
	v11 =	vmul.f32 v16, v11;
	v16 =	vld [tilespmem:s6+$0x14270]  }
0x1c5: {  	v4 =	vadd.f32 v4, v17;
	v10 =	vmul.f32 v15, v10;
	v15 =	vld [tilespmem:s6+$0xA260]  }
0x1c6: {  	s18 =	sshra.s32 s9, $0x2;
	[tilespmem:s6+$0x14200] =	vst v5;
	v3 =	vadd.f32 v3, v11;
	v9 =	vmul.f32 v14, v9;
	v11 =	vld [tilespmem:s6+$0xA270]  }
0x1c7: {  	v5 =	vld [tilespmem:s18+$0xA200];
	[tilespmem:s6+$0x14210] =	vst v4;
	v2 =	vadd.f32 v2, v10;
	v8 =	vmul.f32 v13, v8  }
0x1c8: {  	v4 =	vld [tilespmem:s18+$0xA210];
	[tilespmem:s6+$0x14220] =	vst v3;
	v1 =	vadd.f32 v1, v9;
	v7 =	vmul.f32 v12, v7  }
0x1c9: {  	v3 =	vld [tilespmem:s18+$0xA220];
	[tilespmem:s6+$0x14230] =	vst v2;
	v0 =	vadd.f32 v0, v8;
	v6 =	vmul.f32 v16, v6  }
0x1ca: {  	v2 =	vld [tilespmem:s18+$0xA230];
	[tilespmem:s6+$0x14240] =	vst v1;
	v7 =	vadd.f32 v15, v7  }
0x1cb: {  	v1 =	vld [tilespmem:s18+$0xA240];
	[tilespmem:s6+$0x14250] =	vst v0;
	v6 =	vadd.f32 v11, v6  }
0x1cc: {  	v0 =	vld [tilespmem:s18+$0xA250];
	[tilespmem:s6+$0x14260] =	vst v7  }
0x1cd: {  	v12 =	vld [tilespmem:s18+$0x200];
	[tilespmem:s6+$0x14270] =	vst v6;
	s6 =	smov.u32 s18  }
0x1ce: {  	v17 =	vld [tilespmem:s6+$0x210]  }
0x1cf: {  	v11 =	vld [tilespmem:s6+$0x220]  }
0x1d0: {  	v10 =	vld [tilespmem:s6+$0x230]  }
0x1d1: {  	v9 =	vld [tilespmem:s6+$0x240]  }
0x1d2: {  	v8 =	vld [tilespmem:s6+$0x250]  }
0x1d3: {  	v7 =	vld [tilespmem:s6+$0x260]  }
0x1d4: {  	v6 =	vld [tilespmem:s6+$0x270]  }
0x1d5: {  	v13 =	vld [tilespmem:s6+$0x14200]  }
0x1d6: {  	v19 =	vld [tilespmem:s6+$0x14210]  }
.Ltmp5:
0x1d7: {  	v16 =	vld [tilespmem:s6+$0x14220];
	(pc) =	sbr.rel @p0 .LBB2_12-.Ltmp5, $4  }
0x1d8: {  	v15 =	vld [tilespmem:s6+$0x14230]  }
0x1d9: {  	v14 =	vld [tilespmem:s6+$0x14240]  }
0x1da: {  	v18 =	vmul.f32 v13, v12;
	v13 =	vld [tilespmem:s6+$0x14250]  }
0x1db: {  	s9 =	sadd.s32 $0x200, s9;
	v17 =	vmul.f32 v19, v17;
	v12 =	vld [tilespmem:s6+$0x14260]  }
0x1dc: {  	v5 =	vadd.f32 v5, v18;
	v18 =	vld [tilespmem:s6+$0x14270];
	v11 =	vmul.f32 v16, v11  }
0x1dd: {  	v16 =	vld [tilespmem:s6+$0xA260];
	v4 =	vadd.f32 v4, v17;
	v10 =	vmul.f32 v15, v10  }
0x1de: {  	[tilespmem:s6+$0x14200] =	vst v5;
	v3 =	vadd.f32 v3, v11;
	v5 =	vmul.f32 v14, v9;
	v9 =	vld [tilespmem:s6+$0xA270]  }
0x1df: {  	[tilespmem:s6+$0x14210] =	vst v4;
	v2 =	vadd.f32 v2, v10;
	v4 =	vmul.f32 v13, v8  }
0x1e0: {  	[tilespmem:s6+$0x14220] =	vst v3;
	v1 =	vadd.f32 v1, v5;
	v3 =	vmul.f32 v12, v7  }
0x1e1: {  	[tilespmem:s6+$0x14230] =	vst v2;
	v0 =	vadd.f32 v0, v4;
	v2 =	vmul.f32 v18, v6  }
0x1e2: {  	[tilespmem:s6+$0x14240] =	vst v1;
	v1 =	vadd.f32 v16, v3  }
0x1e3: {  	[tilespmem:s6+$0x14250] =	vst v0;
	v0 =	vadd.f32 v9, v2  }
0x1e4: {  	[tilespmem:s6+$0x14260] =	vst v1  }
0x1e5: {  	s18 =	simm.s32 $0x0;
	s9 =	rddreg [dreg:$0x15];
	[tilespmem:s6+$0x14270] =	vst v0  }
0x1e6: {  	[hbm4b:s9+s18] =	stream.linear.scatter [tilespmem:s24], [sflag:$0x10], $0x2000, $0x38;
	[tilespmem:$0x1E200] =	vst v63  }
0x1e7: {  	_ =	swait.ge [sflag:s14], $0x2000  }
0x1e8: {  	[sflag:s14] =	ssyncset.done $0x0  }
0x1e9: {  	[sflag:s14] =	ssyncadd.s32 $0xFFFFE000  }
0x1ea: {  	_ =	swait.ge [sflag:s3], $0x2000  }
0x1eb: {  	[sflag:s3] =	ssyncset.done $0x0  }
0x1ec: {  	[sflag:s3] =	ssyncadd.s32 $0xFFFFE000  }
0x1ed: {  	_ =	swait.ge [sflag:s5], $0x2000  }
0x1ee: {  	[sflag:s5] =	ssyncset.done $0x0  }
0x1ef: {  	s6 =	simm.s32 $0x0;
	[sflag:s5] =	ssyncadd.s32 $0xFFFFE000  }
0x1f0: {  	v5 =	vld [tilespmem:s6+$0xC200]  }
0x1f1: {  	v4 =	vld [tilespmem:s6+$0xC210]  }
0x1f2: {  	v3 =	vld [tilespmem:s6+$0xC220]  }
0x1f3: {  	v2 =	vld [tilespmem:s6+$0xC230]  }
0x1f4: {  	v1 =	vld [tilespmem:s6+$0xC240]  }
0x1f5: {  	v0 =	vld [tilespmem:s6+$0xC250]  }
0x1f6: {  	v12 =	vld [tilespmem:s6+$0x2200]  }
0x1f7: {  	v17 =	vld [tilespmem:s6+$0x2210]  }
0x1f8: {  	v11 =	vld [tilespmem:s6+$0x2220]  }
0x1f9: {  	v10 =	vld [tilespmem:s6+$0x2230]  }
0x1fa: {  	v9 =	vld [tilespmem:s6+$0x2240]  }
0x1fb: {  	v8 =	vld [tilespmem:s6+$0x2250]  }
0x1fc: {  	v7 =	vld [tilespmem:s6+$0x2260]  }
0x1fd: {  	v6 =	vld [tilespmem:s6+$0x2270]  }
0x1fe: {  	v18 =	vld [tilespmem:s6+$0x16200]  }
0x1ff: {  	v19 =	vld [tilespmem:s6+$0x16210]  }
0x200: {  	v16 =	vld [tilespmem:s6+$0x16220]  }
0x201: {  	v15 =	vld [tilespmem:s6+$0x16230]  }
0x202: {  	v14 =	vld [tilespmem:s6+$0x16240]  }
0x203: {  	v13 =	vld [tilespmem:s6+$0x16250];
	v18 =	vmul.f32 v18, v12  }
0x204: {  	s9 =	simm.s32 $0x200;
	v17 =	vmul.f32 v19, v17;
	v12 =	vld [tilespmem:s6+$0x16260]  }
.LBB2_14:
0x205: {  	p0 =	sne.s32 s9, $0x7E00;
	v5 =	vadd.f32 v5, v18;
	v11 =	vmul.f32 v16, v11;
	v16 =	vld [tilespmem:s6+$0x16270]  }
0x206: {  	v4 =	vadd.f32 v4, v17;
	v10 =	vmul.f32 v15, v10;
	v15 =	vld [tilespmem:s6+$0xC260]  }
0x207: {  	s18 =	sshra.s32 s9, $0x2;
	[tilespmem:s6+$0x16200] =	vst v5;
	v3 =	vadd.f32 v3, v11;
	v9 =	vmul.f32 v14, v9;
	v11 =	vld [tilespmem:s6+$0xC270]  }
0x208: {  	v5 =	vld [tilespmem:s18+$0xC200];
	[tilespmem:s6+$0x16210] =	vst v4;
	v2 =	vadd.f32 v2, v10;
	v8 =	vmul.f32 v13, v8  }
0x209: {  	v4 =	vld [tilespmem:s18+$0xC210];
	[tilespmem:s6+$0x16220] =	vst v3;
	v1 =	vadd.f32 v1, v9;
	v7 =	vmul.f32 v12, v7  }
0x20a: {  	v3 =	vld [tilespmem:s18+$0xC220];
	[tilespmem:s6+$0x16230] =	vst v2;
	v0 =	vadd.f32 v0, v8;
	v6 =	vmul.f32 v16, v6  }
0x20b: {  	v2 =	vld [tilespmem:s18+$0xC230];
	[tilespmem:s6+$0x16240] =	vst v1;
	v7 =	vadd.f32 v15, v7  }
0x20c: {  	v1 =	vld [tilespmem:s18+$0xC240];
	[tilespmem:s6+$0x16250] =	vst v0;
	v6 =	vadd.f32 v11, v6  }
0x20d: {  	v0 =	vld [tilespmem:s18+$0xC250];
	[tilespmem:s6+$0x16260] =	vst v7  }
0x20e: {  	v12 =	vld [tilespmem:s18+$0x2200];
	[tilespmem:s6+$0x16270] =	vst v6;
	s6 =	smov.u32 s18  }
0x20f: {  	v17 =	vld [tilespmem:s6+$0x2210]  }
0x210: {  	v11 =	vld [tilespmem:s6+$0x2220]  }
0x211: {  	v10 =	vld [tilespmem:s6+$0x2230]  }
0x212: {  	v9 =	vld [tilespmem:s6+$0x2240]  }
0x213: {  	v8 =	vld [tilespmem:s6+$0x2250]  }
0x214: {  	v7 =	vld [tilespmem:s6+$0x2260]  }
0x215: {  	v6 =	vld [tilespmem:s6+$0x2270]  }
0x216: {  	v13 =	vld [tilespmem:s6+$0x16200]  }
0x217: {  	v19 =	vld [tilespmem:s6+$0x16210]  }
.Ltmp6:
0x218: {  	v16 =	vld [tilespmem:s6+$0x16220];
	(pc) =	sbr.rel @p0 .LBB2_14-.Ltmp6, $4  }
0x219: {  	v15 =	vld [tilespmem:s6+$0x16230]  }
0x21a: {  	v14 =	vld [tilespmem:s6+$0x16240]  }
0x21b: {  	v18 =	vmul.f32 v13, v12;
	v13 =	vld [tilespmem:s6+$0x16250]  }
0x21c: {  	s9 =	sadd.s32 $0x200, s9;
	v17 =	vmul.f32 v19, v17;
	v12 =	vld [tilespmem:s6+$0x16260]  }
0x21d: {  	v5 =	vadd.f32 v5, v18;
	v18 =	vld [tilespmem:s6+$0x16270];
	v11 =	vmul.f32 v16, v11  }
0x21e: {  	v16 =	vld [tilespmem:s6+$0xC260];
	v4 =	vadd.f32 v4, v17;
	v10 =	vmul.f32 v15, v10  }
0x21f: {  	[tilespmem:s6+$0x16200] =	vst v5;
	v3 =	vadd.f32 v3, v11;
	v5 =	vmul.f32 v14, v9;
	v9 =	vld [tilespmem:s6+$0xC270]  }
0x220: {  	[tilespmem:s6+$0x16210] =	vst v4;
	v2 =	vadd.f32 v2, v10;
	v4 =	vmul.f32 v13, v8  }
0x221: {  	[tilespmem:s6+$0x16220] =	vst v3;
	v1 =	vadd.f32 v1, v5;
	v3 =	vmul.f32 v12, v7  }
0x222: {  	[tilespmem:s6+$0x16230] =	vst v2;
	v0 =	vadd.f32 v0, v4;
	v2 =	vmul.f32 v18, v6  }
0x223: {  	[tilespmem:s6+$0x16240] =	vst v1;
	v1 =	vadd.f32 v16, v3  }
0x224: {  	[tilespmem:s6+$0x16250] =	vst v0;
	v0 =	vadd.f32 v9, v2  }
0x225: {  	[tilespmem:s6+$0x16260] =	vst v1  }
0x226: {  	s18 =	simm.s32 $0x0;
	s9 =	rddreg [dreg:$0x16];
	[tilespmem:s6+$0x16270] =	vst v0  }
0x227: {  	[hbm4b:s9+s18] =	stream.linear.scatter [tilespmem:s25], [sflag:$0x11], $0x2000, $0x38;
	[tilespmem:$0x1E200] =	vst v63  }
0x228: {  	_ =	swait.ge [sflag:s16], $0x2000  }
0x229: {  	[sflag:s16] =	ssyncset.done $0x0  }
0x22a: {  	[sflag:s16] =	ssyncadd.s32 $0xFFFFE000  }
0x22b: {  	_ =	swait.ge [sflag:s7], $0x2000  }
0x22c: {  	[sflag:s7] =	ssyncset.done $0x0  }
0x22d: {  	[sflag:s7] =	ssyncadd.s32 $0xFFFFE000  }
0x22e: {  	_ =	swait.ge [sflag:s8], $0x2000  }
0x22f: {  	[sflag:s8] =	ssyncset.done $0x0  }
0x230: {  	s6 =	simm.s32 $0x0;
	[sflag:s8] =	ssyncadd.s32 $0xFFFFE000  }
0x231: {  	v5 =	vld [tilespmem:s6+$0xE200]  }
0x232: {  	v4 =	vld [tilespmem:s6+$0xE210]  }
0x233: {  	v3 =	vld [tilespmem:s6+$0xE220]  }
0x234: {  	v2 =	vld [tilespmem:s6+$0xE230]  }
0x235: {  	v1 =	vld [tilespmem:s6+$0xE240]  }
0x236: {  	v0 =	vld [tilespmem:s6+$0xE250]  }
0x237: {  	v12 =	vld [tilespmem:s6+$0x4200]  }
0x238: {  	v17 =	vld [tilespmem:s6+$0x4210]  }
0x239: {  	v11 =	vld [tilespmem:s6+$0x4220]  }
0x23a: {  	v10 =	vld [tilespmem:s6+$0x4230]  }
0x23b: {  	v9 =	vld [tilespmem:s6+$0x4240]  }
0x23c: {  	v8 =	vld [tilespmem:s6+$0x4250]  }
0x23d: {  	v7 =	vld [tilespmem:s6+$0x4260]  }
0x23e: {  	v6 =	vld [tilespmem:s6+$0x4270]  }
0x23f: {  	v18 =	vld [tilespmem:s6+$0x18200]  }
0x240: {  	v19 =	vld [tilespmem:s6+$0x18210]  }
0x241: {  	v16 =	vld [tilespmem:s6+$0x18220]  }
0x242: {  	v15 =	vld [tilespmem:s6+$0x18230]  }
0x243: {  	v14 =	vld [tilespmem:s6+$0x18240]  }
0x244: {  	v13 =	vld [tilespmem:s6+$0x18250];
	v18 =	vmul.f32 v18, v12  }
0x245: {  	s9 =	simm.s32 $0x200;
	v17 =	vmul.f32 v19, v17;
	v12 =	vld [tilespmem:s6+$0x18260]  }
.LBB2_16:
0x246: {  	p0 =	sne.s32 s9, $0x7E00;
	v5 =	vadd.f32 v5, v18;
	v11 =	vmul.f32 v16, v11;
	v16 =	vld [tilespmem:s6+$0x18270]  }
0x247: {  	v4 =	vadd.f32 v4, v17;
	v10 =	vmul.f32 v15, v10;
	v15 =	vld [tilespmem:s6+$0xE260]  }
0x248: {  	s18 =	sshra.s32 s9, $0x2;
	[tilespmem:s6+$0x18200] =	vst v5;
	v3 =	vadd.f32 v3, v11;
	v9 =	vmul.f32 v14, v9;
	v11 =	vld [tilespmem:s6+$0xE270]  }
0x249: {  	v5 =	vld [tilespmem:s18+$0xE200];
	[tilespmem:s6+$0x18210] =	vst v4;
	v2 =	vadd.f32 v2, v10;
	v8 =	vmul.f32 v13, v8  }
0x24a: {  	v4 =	vld [tilespmem:s18+$0xE210];
	[tilespmem:s6+$0x18220] =	vst v3;
	v1 =	vadd.f32 v1, v9;
	v7 =	vmul.f32 v12, v7  }
0x24b: {  	v3 =	vld [tilespmem:s18+$0xE220];
	[tilespmem:s6+$0x18230] =	vst v2;
	v0 =	vadd.f32 v0, v8;
	v6 =	vmul.f32 v16, v6  }
0x24c: {  	v2 =	vld [tilespmem:s18+$0xE230];
	[tilespmem:s6+$0x18240] =	vst v1;
	v7 =	vadd.f32 v15, v7  }
0x24d: {  	v1 =	vld [tilespmem:s18+$0xE240];
	[tilespmem:s6+$0x18250] =	vst v0;
	v6 =	vadd.f32 v11, v6  }
0x24e: {  	v0 =	vld [tilespmem:s18+$0xE250];
	[tilespmem:s6+$0x18260] =	vst v7  }
0x24f: {  	v12 =	vld [tilespmem:s18+$0x4200];
	[tilespmem:s6+$0x18270] =	vst v6;
	s6 =	smov.u32 s18  }
0x250: {  	v17 =	vld [tilespmem:s6+$0x4210]  }
0x251: {  	v11 =	vld [tilespmem:s6+$0x4220]  }
0x252: {  	v10 =	vld [tilespmem:s6+$0x4230]  }
0x253: {  	v9 =	vld [tilespmem:s6+$0x4240]  }
0x254: {  	v8 =	vld [tilespmem:s6+$0x4250]  }
0x255: {  	v7 =	vld [tilespmem:s6+$0x4260]  }
0x256: {  	v6 =	vld [tilespmem:s6+$0x4270]  }
0x257: {  	v13 =	vld [tilespmem:s6+$0x18200]  }
0x258: {  	v19 =	vld [tilespmem:s6+$0x18210]  }
.Ltmp7:
0x259: {  	v16 =	vld [tilespmem:s6+$0x18220];
	(pc) =	sbr.rel @p0 .LBB2_16-.Ltmp7, $4  }
0x25a: {  	v15 =	vld [tilespmem:s6+$0x18230]  }
0x25b: {  	v14 =	vld [tilespmem:s6+$0x18240]  }
0x25c: {  	v18 =	vmul.f32 v13, v12;
	v13 =	vld [tilespmem:s6+$0x18250]  }
0x25d: {  	s9 =	sadd.s32 $0x200, s9;
	v17 =	vmul.f32 v19, v17;
	v12 =	vld [tilespmem:s6+$0x18260]  }
0x25e: {  	v5 =	vadd.f32 v5, v18;
	v55 =	vld [tilespmem:s6+$0x18270];
	v11 =	vmul.f32 v16, v11  }
0x25f: {  	v56 =	vld [tilespmem:s6+$0xE260];
	v4 =	vadd.f32 v4, v17;
	v10 =	vmul.f32 v15, v10  }
0x260: {  	v58 =	vld [tilespmem:s6+$0xE270];
	[tilespmem:s6+$0x18200] =	vst v5;
	v3 =	vadd.f32 v3, v11;
	v57 =	vmul.f32 v14, v9  }
0x261: {  	[tilespmem:s6+$0x18210] =	vst v4;
	v2 =	vadd.f32 v2, v10;
	v59 =	vmul.f32 v13, v8  }
0x262: {  	[tilespmem:s6+$0x18220] =	vst v3;
	v1 =	vadd.f32 v1, v57;
	v60 =	vmul.f32 v12, v7  }
0x263: {  	[tilespmem:s6+$0x18230] =	vst v2;
	v0 =	vadd.f32 v0, v59;
	v61 =	vmul.f32 v55, v6  }
0x264: {  	[tilespmem:s6+$0x18240] =	vst v1;
	v62 =	vadd.f32 v56, v60  }
0x265: {  	[tilespmem:s6+$0x18250] =	vst v0;
	v63 =	vadd.f32 v58, v61  }
0x266: {  	[tilespmem:s6+$0x18260] =	vst v62  }
0x267: {  	s9 =	rddreg [dreg:$0x17];
	[tilespmem:s6+$0x18270] =	vst v63  }
0x268: {  	[hbm4b:s9+s4] =	stream.linear.scatter [tilespmem:s26], [sflag:$0x12], $0x2000, $0x38;
	[tilespmem:$0x1E200] =	vst v63  }
0x269: {  	_ =	swait.ge [sflag:s13], $0x2000  }
0x26a: {  	[sflag:s13] =	ssyncset.done $0x0  }
0x26b: {  	[sflag:s13] =	ssyncadd.s32 $0xFFFFE000  }
0x26c: {  	_ =	swait.ge [sflag:s15], $0x2000  }
0x26d: {  	[sflag:s15] =	ssyncset.done $0x0  }
0x26e: {  	[sflag:s15] =	ssyncadd.s32 $0xFFFFE000  }
0x26f: {  	_ =	swait.ge [sflag:s17], $0x2000  }
0x270: {  	[sflag:s17] =	ssyncset.done $0x0  }
0x271: {  	[sflag:s17] =	ssyncadd.s32 $0xFFFFE000  }
0x272: {  	_ =	swait.ge [sflag:s23], $0x2000  }
0x273: {  	[sflag:s23] =	ssyncset.done $0x0  }
0x274: {  	[sflag:s23] =	ssyncadd.s32 $0xFFFFE000  }
0x275: {  	_ =	swait.ge [sflag:s28], $0x2000  }
0x276: {  	s0 =	sadd.s32 $0x1, s0;
	s18 =	rddreg [dreg:$0x18]  }
0x277: {  	p0 =	sne.s32 s0, s18  }
.Ltmp8:
0x278: {  	_ = 	snop;
	(pc) =	sbr.rel @p0 .LBB2_1-.Ltmp8, $3  }
0x279: {  	_ =	sdelay $0x1  }
0x27a: {  	[sflag:s28] =	ssyncset.done $0x0  }
0x27b: {  	[sflag:s28] =	ssyncadd.s32 $0xFFFFE000  }
0x27c: {  	_ =	sfence.sel $0x180000  }
0x27d: {  	[bflag:$0x0] =	sbarrier.arrive $0xFFFF  }
0x27e: {  	_ =	strace $0x90000047  }
0x27f: {  	s0 =	stileid.u32;
	[bflag:$0x2] =	sbarrier.arrive $0xFFFF  }
0x280: {  	p0 =	sne.s32 s0, $0x0;
	s0 =	rddreg [dreg:$0x5]  }
0x281: {  	s0 =	sadd.s32 @!p0 $0x100000, s0  }
0x282: {  	[sflag:s0] =	ssyncadd.tile.s32 @!p0 $0x1;
	_ =	shalt  }
.Lfunc_end2:
_tile_overlayer_lowered:
.L_overlay_start_2:
0x283: {  	(tag) =	ssettag $0x2  }
0x284: {  	s0 =	rddreg [dreg:$0x0];
	s2 =	stileid.u32  }
0x285: {  	s1 =	rddreg [dreg:$0x1];
	p0 =	sne.s32 s2, $0x0  }
0x286: {  	s3 =	rddreg [dreg:$0x2];
	[bflag:$0x3] =	sbarrier.arrive $0xFFFF;
	s2 =	simm.s32 @!p0 $0x1C15  }
0x287: {  	[timem:s3], [sflag:s2] =	dma.local @!p0 [hbm:s0], s1  }
0x288: {  	s0 =	simm.s32 @!p0 $0x15  }
0x289: {  	_ =	swait.ge @!p0 [sflag:s0], s1  }
0x28a: {  	s1 =	ssub.s32 @!p0 $0x0, s1;
	[sflag:s0] =	ssyncset.done @!p0 $0x0  }
0x28b: {  	[sflag:s0] =	ssyncadd.s32 @!p0 s1  }
0x28c: {  	[bflag:$0x3] =	sbarrier.arrive $0xFFFF  }
0x28d: {  	_ =	shalt  }

</sc_bundles>
